<compile_context>
chip_gen: v7x
topology: tpu7x:2x2x1
jax: 0.10.2.dev20260603
libtpu: 0.0.44.dev20260713+nightly
codegen_flags: <defaults>
</compile_context>

<pallas_src>
import functools
import numpy as np
import jax
import jax.numpy as jnp
from jax import lax
from jax.experimental import pallas as pl
from jax.experimental.pallas import tpu as pltpu
from jax.experimental.pallas import tpu_sc as plsc

MUL_S = 16
MUL_V = 8
DF = MUL_S + 3 * MUL_V


def _kron(a, b):
    return jnp.einsum('uw,ij->uiwj', a, b).reshape(
        a.shape[0] * b.shape[0], a.shape[1] * b.shape[1])


def _edge_tables(W1_ss, W1_vv, W1_sv, W1_vs, Wlm_s, Wlm_v):
    a = 1.0 / np.sqrt(MUL_S + MUL_V)
    i3 = jnp.eye(3, dtype=jnp.float32)
    z = jnp.zeros((DF, DF), dtype=jnp.float32)
    t0 = z.at[:16, :16].set(Wlm_s / np.sqrt(MUL_S))
    t0 = t0.at[16:, 16:].set(_kron(Wlm_v, i3) / np.sqrt(MUL_V))
    t1 = z.at[:16, :16].set(a * W1_ss[:, 0, :])
    t1 = t1.at[16:, 16:].set(a * _kron(W1_vs[:, 0, :], i3))
    ts = [t0, t1]
    for j in range(3):
        ej = i3[:, j:j + 1]
        tj = z.at[16:, :16].set(a / np.sqrt(3.0) * _kron(W1_vv[:, 0, :], ej))
        tj = tj.at[:16, 16:].set(a * _kron(W1_sv[:, 0, :], ej.T))
        ts.append(tj)
    return jnp.concatenate(ts, axis=1)


def _node_tables(W2_ss, W2_vv, W2_sv, W2_vs, Wlu_s, Wlu_v):
    a_s2 = 1.0 / np.sqrt(MUL_S * MUL_S + MUL_V * MUL_V)
    a_v2 = 1.0 / np.sqrt(2 * MUL_S * MUL_V)
    i3 = jnp.eye(3, dtype=jnp.float32)
    t2 = jnp.zeros((DF, DF, DF), dtype=jnp.float32)
    t2 = t2.at[:16, :16, :16].set(a_s2 * W2_ss)
    blk = jnp.einsum('uvw,ij->uivjw', W2_vv, i3).reshape(24, 24, 16)
    t2 = t2.at[16:, 16:, :16].set(blk * (a_s2 / np.sqrt(3.0)))
    blk = jnp.einsum('uvw,ij->uviwj', W2_sv, i3).reshape(16, 24, 24)
    t2 = t2.at[:16, 16:, 16:].set(a_v2 * blk)
    blk = jnp.einsum('uvw,ij->uivwj', W2_vs, i3).reshape(24, 16, 24)
    t2 = t2.at[16:, :16, 16:].set(a_v2 * blk)
    tsc = jnp.eye(DF, dtype=jnp.float32)
    tsc = tsc.at[:16, :16].add(Wlu_s / np.sqrt(MUL_S))
    tsc = tsc.at[16:, 16:].add(_kron(Wlu_v, i3) / np.sqrt(MUL_V))
    return t2.reshape(DF, DF * DF), tsc


def _msg_body(xg_ref, ea_ref, t_ref, o_ref):
    xg = xg_ref[...]
    y = jnp.dot(xg, t_ref[...], preferred_element_type=jnp.float32)
    ea = ea_ref[...]
    m = (y[:, 0:40]
         + ea[:, 3:4] * y[:, 40:80]
         + ea[:, 0:1] * y[:, 80:120]
         + ea[:, 1:2] * y[:, 120:160]
         + ea[:, 2:3] * y[:, 160:200])
    rb = m.shape[0] // 16
    for g in range(5):
        for k in range(16):
            o_ref[g, :, 8 * k:8 * (k + 1)] = m[k * rb:(k + 1) * rb,
                                               8 * g:8 * (g + 1)]


def _upd_body(x_ref, a_ref, t2_ref, tsc_ref, o_ref):
    x = x_ref[...]
    a = a_ref[...]
    acc = jnp.dot(x, tsc_ref[...], preferred_element_type=jnp.float32)
    for j in range(5):
        rc = jnp.dot(x, t2_ref[:, 320 * j:320 * (j + 1)],
                     preferred_element_type=jnp.float32)
        for gi in range(8):
            g = 8 * j + gi
            acc += a[:, g:g + 1] * rc[:, 40 * gi:40 * (gi + 1)]
    o_ref[...] = acc


def _pick_block(n, cap, step=8):
    for b in range(cap - cap % step, step - 1, -step):
        if n % b == 0:
            return b
    return None


def _messages(xg, ea, tcat):
    e = xg.shape[0]
    be = _pick_block(e, 4096, step=128) or 4096
    ep = ((e + be - 1) // be) * be
    if ep != e:
        xg = jnp.pad(xg, ((0, ep - e), (0, 0)))
        ea = jnp.pad(ea, ((0, ep - e), (0, 0)))
    out = pl.pallas_call(
        _msg_body,
        grid=(ep // be,),
        in_specs=[
            pl.BlockSpec((be, DF), lambda i: (i, 0)),
            pl.BlockSpec((be, 4), lambda i: (i, 0)),
            pl.BlockSpec((DF, 200), lambda i: (0, 0)),
        ],
        out_specs=pl.BlockSpec((5, be // 16, 128), lambda i: (0, i, 0)),
        out_shape=jax.ShapeDtypeStruct((5, ep // 16, 128), jnp.float32),
    )(xg, ea, tcat)
    return out, be


def _update(x, agg, t2r, tsc):
    n = x.shape[0]
    bn = _pick_block(n, 1024) or 1024
    npad = ((n + bn - 1) // bn) * bn
    if npad != n:
        x = jnp.pad(x, ((0, npad - n), (0, 0)))
        agg = jnp.pad(agg, ((0, npad - n), (0, 0)))
    out = pl.pallas_call(
        _upd_body,
        grid=(npad // bn,),
        in_specs=[
            pl.BlockSpec((bn, DF), lambda i: (i, 0)),
            pl.BlockSpec((bn, DF), lambda i: (i, 0)),
            pl.BlockSpec((DF, DF * DF), lambda i: (0, 0)),
            pl.BlockSpec((DF, DF), lambda i: (0, 0)),
        ],
        out_specs=pl.BlockSpec((bn, DF), lambda i: (i, 0)),
        out_shape=jax.ShapeDtypeStruct((npad, DF), jnp.float32),
    )(x, agg, t2r, tsc)
    return out[:n] if npad != n else out


def _sc_gather(nodes, col):
    e = col.shape[0]
    d = nodes.shape[1]
    info = plsc.get_sparse_core_info()
    nc, ns = info.num_cores, info.num_subcores
    nw = nc * ns
    ch = 2000
    if e % (nw * ch) != 0:
        return jnp.take(nodes, col, axis=0)
    per_w = e // nw
    mesh = plsc.VectorSubcoreMesh(core_axis_name="c", subcore_axis_name="s")

    @functools.partial(
        pl.kernel,
        out_type=jax.ShapeDtypeStruct((e, d), jnp.float32),
        mesh=mesh,
        scratch_types=[
            pltpu.VMEM((ch,), jnp.int32),
            pltpu.VMEM((ch, d), jnp.float32),
            pltpu.SemaphoreType.DMA,
        ],
        compiler_params=pltpu.CompilerParams(use_tc_tiling_on_sc=False),
    )
    def gather_k(nodes_hbm, col_hbm, out_hbm, idx_v, rows_v, sem):
        wid = lax.axis_index("s") * nc + lax.axis_index("c")
        base0 = wid * per_w

        def body(i, carry):
            base = base0 + i * ch
            pltpu.sync_copy(col_hbm.at[pl.ds(base, ch)], idx_v)
            pltpu.async_copy(nodes_hbm.at[idx_v], rows_v, sem).wait()
            pltpu.sync_copy(rows_v, out_hbm.at[pl.ds(base, ch)])
            return carry

        lax.fori_loop(0, per_w // ch, body, 0)

    return gather_k(nodes, col)


def _sc_scatter_sum(mstack, row, n, be):
    e = row.shape[0]
    ep = mstack.shape[1] * 16
    rb = be // 16
    rowp = row if ep == e else jnp.pad(row, (0, ep - e))
    rowp = rowp.reshape(ep // be, 16, rb).transpose(0, 2, 1).reshape(ep)
    info = plsc.get_sparse_core_info()
    nc, ns = info.num_cores, info.num_subcores
    sub = 2000
    zch = 250
    if (nc != 2 or n % (ns * zch) != 0 or ep % (2 * ns * sub) != 0):
        msgs = mstack.reshape(5, ep, 8).transpose(1, 0, 2).reshape(ep, 40)
        return jax.ops.segment_sum(msgs, rowp, num_segments=n)
    eh = ep // 2
    per_t = eh // ns
    nch = per_t // sub
    zrows = n // ns
    zeros = jnp.zeros((zch, 8), dtype=jnp.float32)
    mesh = plsc.VectorSubcoreMesh(core_axis_name="c", subcore_axis_name="s")

    @functools.partial(
        pl.kernel,
        out_type=(jax.ShapeDtypeStruct((5, n, 8), jnp.float32),
                  jax.ShapeDtypeStruct((5, n, 8), jnp.float32)),
        mesh=mesh,
        scratch_types=[
            pltpu.VMEM((sub,), jnp.int32),
            pltpu.VMEM((sub, 8), jnp.float32),
            pltpu.VMEM((zch, 8), jnp.float32),
            pltpu.VMEM_SHARED((n, 8), jnp.float32),
        ],
        compiler_params=pltpu.CompilerParams(use_tc_tiling_on_sc=False),
    )
    def scat_k(msg_hbm, row_hbm, zeros_hbm, o0_hbm, o1_hbm,
               ridx, msgv, zbuf, acc):
        c = lax.axis_index("c")
        s = lax.axis_index("s")
        pltpu.sync_copy(zeros_hbm, zbuf)
        base = c * eh + s * per_t

        for g in range(5):
            def zero_blk(j, carry):
                pltpu.sync_copy(zbuf, acc.at[pl.ds(s * zrows + j * zch, zch)])
                return carry

            lax.fori_loop(0, zrows // zch, zero_blk, 0)
            plsc.subcore_barrier()

            def subchunk(k, carry):
                e0 = base + k * sub
                pltpu.sync_copy(row_hbm.at[pl.ds(e0, sub)], ridx)
                pltpu.sync_copy(msg_hbm.at[g, pl.ds(e0, sub)], msgv)
                pltpu.sync_copy(msgv, acc.at[ridx], add=True)
                return carry

            lax.fori_loop(0, nch, subchunk, 0)
            plsc.subcore_barrier()

            def wr_blk(j, carry):
                r0 = s * zrows + j * zch
                pltpu.sync_copy(acc.at[pl.ds(r0, zch)], zbuf)

                @pl.when(c == 0)
                def _():
                    pltpu.sync_copy(zbuf, o0_hbm.at[g, pl.ds(r0, zch)])

                @pl.when(c == 1)
                def _():
                    pltpu.sync_copy(zbuf, o1_hbm.at[g, pl.ds(r0, zch)])

                return carry

            lax.fori_loop(0, zrows // zch, wr_blk, 0)
            if g < 4:
                plsc.subcore_barrier()
            if g < 4:
                pltpu.sync_copy(zeros_hbm, zbuf)

    o0, o1 = scat_k(mstack.reshape(5, ep, 8), rowp, zeros)
    return (o0 + o1).transpose(1, 0, 2).reshape(n, 40)


def kernel(node_features, edge_index, edge_attr_tensor, node_attr_scalar_raw,
           W1_ss, W1_vv, W1_sv, W1_vs, Wlm_s, Wlm_v,
           W2_ss, W2_vv, W2_sv, W2_vs, Wlu_s, Wlu_v):
    del node_attr_scalar_raw
    row = edge_index[0]
    col = edge_index[1]
    tcat = _edge_tables(W1_ss, W1_vv, W1_sv, W1_vs, Wlm_s, Wlm_v)
    t2r, tsc = _node_tables(W2_ss, W2_vv, W2_sv, W2_vs, Wlu_s, Wlu_v)
    xg = _sc_gather(node_features, col)
    mstack, be = _messages(xg, edge_attr_tensor, tcat)
    agg = _sc_scatter_sum(mstack, row, node_features.shape[0], be)
    return _update(node_features, agg, t2r, tsc)

# --- scband reference (transcript-rebuilt; emitter-appended) ---
"""Pipeline reference for scband-egnnlayer-31714038514064 (READ-ONLY COPY).

The authoritative reference and input builder live on the scoring server;
editing this copy changes nothing except your own understanding.
"""

import jax, jax.numpy as jnp
import numpy as np

N = 100000
E = 1600000
MUL_S = 16
MUL_V = 8
D = MUL_S + 3 * MUL_V  # 40


def _split(x):
    s = x[:, :MUL_S]
    v = x[:, MUL_S:].reshape(x.shape[0], MUL_V, 3)
    return s, v


def _merge(s, v):
    return jnp.concatenate([s, v.reshape(v.shape[0], MUL_V * 3)], axis=-1)


def _fctp_edge(s, v, e_s, e_v, Wss, Wvv, Wsv, Wvs):
    # FullyConnectedTensorProduct(node 16x0e+8x1o, edge 1x0e+1x1o -> 16x0e+8x1o)
    a_s = 1.0 / np.sqrt(MUL_S * 1 + MUL_V * 1)
    out_s = a_s * (jnp.einsum('eu,ev,uvw->ew', s, e_s, Wss)
                   + jnp.einsum('eui,evi,uvw->ew', v, e_v, Wvv) / np.sqrt(3.0))
    a_v = 1.0 / np.sqrt(MUL_S * 1 + MUL_V * 1)
    out_v = a_v * (jnp.einsum('eu,evi,uvw->ewi', s, e_v, Wsv)
                   + jnp.einsum('eui,ev,uvw->ewi', v, e_s, Wvs))
    return out_s, out_v


def _fctp_node(s1, v1, s2, v2, Wss, Wvv, Wsv, Wvs):
    # FullyConnectedTensorProduct(node x hidden -> hidden), both 16x0e+8x1o
    a_s = 1.0 / np.sqrt(MUL_S * MUL_S + MUL_V * MUL_V)
    out_s = a_s * (jnp.einsum('nu,nv,uvw->nw', s1, s2, Wss)
                   + jnp.einsum('nui,nvi,uvw->nw', v1, v2, Wvv) / np.sqrt(3.0))
    a_v = 1.0 / np.sqrt(MUL_S * MUL_V + MUL_V * MUL_S)
    out_v = a_v * (jnp.einsum('nu,nvi,uvw->nwi', s1, v2, Wsv)
                   + jnp.einsum('nui,nv,uvw->nwi', v1, s2, Wvs))
    return out_s, out_v


def _linear(s, v, Ws, Wv):
    # e3nn Linear: block-diagonal per-l, component normalization
    return s @ Ws / np.sqrt(MUL_S), jnp.einsum('nui,uw->nwi', v, Wv) / np.sqrt(MUL_V)


def setup_inputs(seed: int = 0) -> dict:
    key = jax.random.key(seed)
    ks = jax.random.split(key, 16)
    w = lambda k, shape: jax.random.normal(k, shape, dtype=jnp.float32)
    inp = {}
    inp['node_features'] = w(ks[0], (N, D))
    inp['edge_index'] = jax.random.randint(ks[1], (2, E), 0, N, dtype=jnp.int32)
    inp['edge_attr_tensor'] = w(ks[2], (E, 4))
    inp['node_attr_scalar_raw'] = w(ks[3], (N, 1))
    # tp_messages_ij weights
    inp['W1_ss'] = w(ks[4], (MUL_S, 1, MUL_S))
    inp['W1_vv'] = w(ks[5], (MUL_V, 1, MUL_S))
    inp['W1_sv'] = w(ks[6], (MUL_S, 1, MUL_V))
    inp['W1_vs'] = w(ks[7], (MUL_V, 1, MUL_V))
    # linear_messages_direct weights
    inp['Wlm_s'] = w(ks[8], (MUL_S, MUL_S))
    inp['Wlm_v'] = w(ks[9], (MUL_V, MUL_V))
    # tp_update weights
    inp['W2_ss'] = w(ks[10], (MUL_S, MUL_S, MUL_S))
    inp['W2_vv'] = w(ks[11], (MUL_V, MUL_V, MUL_S))
    inp['W2_sv'] = w(ks[12], (MUL_S, MUL_V, MUL_V))
    inp['W2_vs'] = w(ks[13], (MUL_V, MUL_S, MUL_V))
    # linear_update_direct weights
    inp['Wlu_s'] = w(ks[14], (MUL_S, MUL_S))
    inp['Wlu_v'] = w(ks[15], (MUL_V, MUL_V))
    return inp


def reference(node_features, edge_index, edge_attr_tensor, node_attr_scalar_raw,
              W1_ss, W1_vv, W1_sv, W1_vs, Wlm_s, Wlm_v,
              W2_ss, W2_vv, W2_sv, W2_vs, Wlu_s, Wlu_v):
    row = edge_index[0]
    col = edge_index[1]
    r_vec = edge_attr_tensor[:, :3]
    dist = edge_attr_tensor[:, 3:4]
    # edge_attr_e3nn = cat([dist, r_vec]) -> 1x0e (dist) + 1x1o (r_vec)
    e_s = dist
    e_v = r_vec.reshape(-1, 1, 3)
    s, v = _split(node_features)
    sc = jnp.take(s, col, axis=0)
    vc = jnp.take(v, col, axis=0)
    m_s, m_v = _fctp_edge(sc, vc, e_s, e_v, W1_ss, W1_vv, W1_sv, W1_vs)
    d_s, d_v = _linear(sc, vc, Wlm_s, Wlm_v)
    messages = _merge(m_s + d_s, m_v + d_v)
    aggregated = jax.ops.segment_sum(messages, row, num_segments=node_features.shape[0])
    a_s, a_v = _split(aggregated)
    u_s, u_v = _fctp_node(s, v, a_s, a_v, W2_ss, W2_vv, W2_sv, W2_vs)
    l_s, l_v = _linear(s, v, Wlu_s, Wlu_v)
    updated = _merge(u_s + l_s, u_v + l_v)
    return node_features + updated

if __name__ == "__main__":
    import jax
    _d = setup_inputs()
    print(jax.jit(kernel)(*tuple(_d.values())))

</pallas_src>

<mosaic_0001>
#map = affine_map<(d0, d1) -> (0, 0)>
#map1 = affine_map<(d0, d1) -> (0)>
module attributes {stable_mosaic.version = 14 : i64} {
  func.func @gather_k(%arg0: i32, %arg1: i32, %arg2: memref<100000x40xf32, #tpu.memory_space<hbm>>, %arg3: memref<1600000xi32, #tpu.memory_space<hbm>>, %arg4: memref<1600000x40xf32, #tpu.memory_space<hbm>>, %arg5: memref<2000xi32, #tpu.memory_space<vmem>>, %arg6: memref<2000x40xf32, #tpu.memory_space<vmem>>, %arg7: memref<!tpu.dma_semaphore, #tpu.memory_space<semaphore_mem>>) attributes {dimension_semantics = [#tpu.dimension_semantics<core_parallel>, #tpu.dimension_semantics<subcore_parallel>], iteration_bounds = array<i64: 2, 16>, scalar_prefetch = 0 : i64, scratch_operands = 3 : i64, tpu.core_type = #tpu.core_type<sc_vector_subcore>, window_params = [{transform_indices = #map}, {transform_indices = #map1}, {transform_indices = #map}]} {
    %mul3A = arith.constant 2 : i32
    %mul3A_0 = arith.muli %arg1, %mul3A : i32
    %add3A = arith.addi %mul3A_0, %arg0 : i32
    %mul3A_1 = arith.constant 50000 : i32
    %mul3A_2 = arith.muli %add3A, %mul3A_1 : i32
    %scan3A = arith.constant 0 : i32
    %scan3A_3 = arith.constant 0 : i32
    %scan3A_4 = arith.constant 25 : i32
    %scan3A_5 = arith.addi %scan3A_3, %scan3A_4 : i32
    %scan3A_6 = arith.constant 1 : i32
    scf.for %scan3A_8 = %scan3A_3 to %scan3A_5 step %scan3A_6  : i32 {
      %mul3A_9 = arith.constant 2000 : i32
      %mul3A_10 = arith.muli %scan3A_8, %mul3A_9 : i32
      %add3A_11 = arith.addi %mul3A_2, %mul3A_10 : i32
      "tpu.region"() ({
        %run_scoped3A = tpu.sem_alloc : memref<!tpu.dma_semaphore, #tpu.memory_space<semaphore_mem>>
        %dma_start3A_16 = tpu.memref_slice %arg3[%add3A_11] : memref<1600000xi32, #tpu.memory_space<hbm>> -> memref<2000xi32, #tpu.memory_space<hbm>>
        %dma_start3A_17 = tpu.memref_slice %arg3[%add3A_11] : memref<1600000xi32, #tpu.memory_space<hbm>> -> memref<2000xi32, #tpu.memory_space<hbm>>
        tpu.enqueue_dma source(%dma_start3A_17 : memref<2000xi32, #tpu.memory_space<hbm>>) target(%arg5 : memref<2000xi32, #tpu.memory_space<vmem>>) target_semaphore(%run_scoped3A : memref<!tpu.dma_semaphore, #tpu.memory_space<semaphore_mem>>)
        %dma_wait3A_18 = tpu.memref_slice %arg3[%add3A_11] : memref<1600000xi32, #tpu.memory_space<hbm>> -> memref<2000xi32, #tpu.memory_space<hbm>>
        %dma_wait3A_19 = tpu.memref_slice %arg3[%add3A_11] : memref<1600000xi32, #tpu.memory_space<hbm>> -> memref<2000xi32, #tpu.memory_space<hbm>>
        tpu.wait_dma2 semaphore(%run_scoped3A : memref<!tpu.dma_semaphore, #tpu.memory_space<semaphore_mem>>) src(%dma_wait3A_19 : memref<2000xi32, #tpu.memory_space<hbm>>) dst(%arg5 : memref<2000xi32, #tpu.memory_space<vmem>>)
        tpu.yield
      }) : () -> ()
      %dma_start3A = arith.constant 0 : i32
      %dma_start3A_12 = arith.constant 0 : i32
      %dma_start3A_13 = tpu.memref_slice %arg2[%dma_start3A, %dma_start3A_12] : memref<100000x40xf32, #tpu.memory_space<hbm>> -> memref<100000x40xf32, #tpu.memory_space<hbm>>
      tpu.enqueue_indirect_dma source(%dma_start3A_13 : memref<100000x40xf32, #tpu.memory_space<hbm>>) target(%arg6 : memref<2000x40xf32, #tpu.memory_space<vmem>>) offsets(%arg5 : memref<2000xi32, #tpu.memory_space<vmem>>) semaphore(%arg7 : memref<!tpu.dma_semaphore, #tpu.memory_space<semaphore_mem>>)
      %dma_wait3A = arith.constant 0 : i32
      %dma_wait3A_14 = arith.constant 0 : i32
      %dma_wait3A_15 = tpu.memref_slice %arg2[%dma_wait3A, %dma_wait3A_14] : memref<100000x40xf32, #tpu.memory_space<hbm>> -> memref<100000x40xf32, #tpu.memory_space<hbm>>
      tpu.wait_indirect_dma semaphore(%arg7 : memref<!tpu.dma_semaphore, #tpu.memory_space<semaphore_mem>>) src(%dma_wait3A_15 : memref<100000x40xf32, #tpu.memory_space<hbm>>) dst(%arg6 : memref<2000x40xf32, #tpu.memory_space<vmem>>)
      "tpu.region"() ({
        %run_scoped3A = tpu.sem_alloc : memref<!tpu.dma_semaphore, #tpu.memory_space<semaphore_mem>>
        %dma_start3A_16 = arith.constant 0 : i32
        %dma_start3A_17 = tpu.memref_slice %arg4[%add3A_11, %dma_start3A_16] : memref<1600000x40xf32, #tpu.memory_space<hbm>> -> memref<2000x40xf32, #tpu.memory_space<hbm>>
        %dma_start3A_18 = arith.constant 0 : i32
        %dma_start3A_19 = tpu.memref_slice %arg4[%add3A_11, %dma_start3A_18] : memref<1600000x40xf32, #tpu.memory_space<hbm>> -> memref<2000x40xf32, #tpu.memory_space<hbm>>
        tpu.enqueue_dma source(%arg6 : memref<2000x40xf32, #tpu.memory_space<vmem>>) target(%dma_start3A_19 : memref<2000x40xf32, #tpu.memory_space<hbm>>) target_semaphore(%run_scoped3A : memref<!tpu.dma_semaphore, #tpu.memory_space<semaphore_mem>>)
        %dma_wait3A_20 = arith.constant 0 : i32
        %dma_wait3A_21 = tpu.memref_slice %arg4[%add3A_11, %dma_wait3A_20] : memref<1600000x40xf32, #tpu.memory_space<hbm>> -> memref<2000x40xf32, #tpu.memory_space<hbm>>
        %dma_wait3A_22 = arith.constant 0 : i32
        %dma_wait3A_23 = tpu.memref_slice %arg4[%add3A_11, %dma_wait3A_22] : memref<1600000x40xf32, #tpu.memory_space<hbm>> -> memref<2000x40xf32, #tpu.memory_space<hbm>>
        tpu.wait_dma2 semaphore(%run_scoped3A : memref<!tpu.dma_semaphore, #tpu.memory_space<semaphore_mem>>) src(%arg6 : memref<2000x40xf32, #tpu.memory_space<vmem>>) dst(%dma_wait3A_23 : memref<2000x40xf32, #tpu.memory_space<hbm>>)
        tpu.yield
      }) : () -> ()
    }
    %scan3A_7 = arith.constant 25 : i32
    return
  }
}

#map = affine_map<(d0, d1) -> (0, 0, 0)>
#map1 = affine_map<(d0, d1) -> (0)>
#map2 = affine_map<(d0, d1) -> (0, 0)>
module attributes {stable_mosaic.version = 14 : i64} {
  func.func @scat_k(%arg0: i32, %arg1: i32, %arg2: memref<5x1600000x8xf32, #tpu.memory_space<hbm>>, %arg3: memref<1600000xi32, #tpu.memory_space<hbm>>, %arg4: memref<250x8xf32, #tpu.memory_space<hbm>>, %arg5: memref<5x100000x8xf32, #tpu.memory_space<hbm>>, %arg6: memref<5x100000x8xf32, #tpu.memory_space<hbm>>, %arg7: memref<2000xi32, #tpu.memory_space<vmem>>, %arg8: memref<2000x8xf32, #tpu.memory_space<vmem>>, %arg9: memref<250x8xf32, #tpu.memory_space<vmem>>, %arg10: memref<100000x8xf32, #tpu.memory_space<vmem_shared>>) attributes {dimension_semantics = [#tpu.dimension_semantics<core_parallel>, #tpu.dimension_semantics<subcore_parallel>], iteration_bounds = array<i64: 2, 16>, scalar_prefetch = 0 : i64, scratch_operands = 4 : i64, tpu.core_type = #tpu.core_type<sc_vector_subcore>, window_params = [{transform_indices = #map}, {transform_indices = #map1}, {transform_indices = #map2}, {transform_indices = #map}, {transform_indices = #map}]} {
    "tpu.region"() ({
      %run_scoped3A = tpu.sem_alloc : memref<!tpu.dma_semaphore, #tpu.memory_space<semaphore_mem>>
      tpu.enqueue_dma source(%arg4 : memref<250x8xf32, #tpu.memory_space<hbm>>) target(%arg9 : memref<250x8xf32, #tpu.memory_space<vmem>>) target_semaphore(%run_scoped3A : memref<!tpu.dma_semaphore, #tpu.memory_space<semaphore_mem>>)
      tpu.wait_dma2 semaphore(%run_scoped3A : memref<!tpu.dma_semaphore, #tpu.memory_space<semaphore_mem>>) src(%arg4 : memref<250x8xf32, #tpu.memory_space<hbm>>) dst(%arg9 : memref<250x8xf32, #tpu.memory_space<vmem>>)
      tpu.yield
    }) : () -> ()
    %mul3A = arith.constant 800000 : i32
    %mul3A_0 = arith.muli %arg0, %mul3A : i32
    %mul3A_1 = arith.constant 50000 : i32
    %mul3A_2 = arith.muli %arg1, %mul3A_1 : i32
    %add3A = arith.addi %mul3A_0, %mul3A_2 : i32
    %scan3A = arith.constant 0 : i32
    %scan3A_3 = arith.constant 0 : i32
    %scan3A_4 = arith.constant 25 : i32
    %scan3A_5 = arith.addi %scan3A_3, %scan3A_4 : i32
    %scan3A_6 = arith.constant 1 : i32
    scf.for %scan3A_105 = %scan3A_3 to %scan3A_5 step %scan3A_6  : i32 {
      %mul3A_106 = arith.constant 6250 : i32
      %mul3A_107 = arith.muli %arg1, %mul3A_106 : i32
      %mul3A_108 = arith.constant 250 : i32
      %mul3A_109 = arith.muli %scan3A_105, %mul3A_108 : i32
      %add3A_110 = arith.addi %mul3A_107, %mul3A_109 : i32
      "tpu.region"() ({
        %run_scoped3A = tpu.sem_alloc : memref<!tpu.dma_semaphore, #tpu.memory_space<semaphore_mem>>
        %dma_start3A = arith.constant 0 : i32
        %dma_start3A_111 = tpu.memref_slice %arg10[%add3A_110, %dma_start3A] : memref<100000x8xf32, #tpu.memory_space<vmem_shared>> -> memref<250x8xf32, #tpu.memory_space<vmem_shared>>
        %dma_start3A_112 = arith.constant 0 : i32
        %dma_start3A_113 = tpu.memref_slice %arg10[%add3A_110, %dma_start3A_112] : memref<100000x8xf32, #tpu.memory_space<vmem_shared>> -> memref<250x8xf32, #tpu.memory_space<vmem_shared>>
        tpu.enqueue_dma source(%arg9 : memref<250x8xf32, #tpu.memory_space<vmem>>) target(%dma_start3A_113 : memref<250x8xf32, #tpu.memory_space<vmem_shared>>) target_semaphore(%run_scoped3A : memref<!tpu.dma_semaphore, #tpu.memory_space<semaphore_mem>>)
        %dma_wait3A = arith.constant 0 : i32
        %dma_wait3A_114 = tpu.memref_slice %arg10[%add3A_110, %dma_wait3A] : memref<100000x8xf32, #tpu.memory_space<vmem_shared>> -> memref<250x8xf32, #tpu.memory_space<vmem_shared>>
        %dma_wait3A_115 = arith.constant 0 : i32
        %dma_wait3A_116 = tpu.memref_slice %arg10[%add3A_110, %dma_wait3A_115] : memref<100000x8xf32, #tpu.memory_space<vmem_shared>> -> memref<250x8xf32, #tpu.memory_space<vmem_shared>>
        tpu.wait_dma2 semaphore(%run_scoped3A : memref<!tpu.dma_semaphore, #tpu.memory_space<semaphore_mem>>) src(%arg9 : memref<250x8xf32, #tpu.memory_space<vmem>>) dst(%dma_wait3A_116 : memref<250x8xf32, #tpu.memory_space<vmem_shared>>)
        tpu.yield
      }) : () -> ()
    }
    %scan3A_7 = arith.constant 25 : i32
    %barrier3A = arith.constant 0 : index
    tpu.barrier barrier_id(%barrier3A)
    %scan3A_8 = arith.constant 0 : i32
    %scan3A_9 = arith.constant 0 : i32
    %scan3A_10 = arith.constant 25 : i32
    %scan3A_11 = arith.addi %scan3A_9, %scan3A_10 : i32
    %scan3A_12 = arith.constant 1 : i32
    scf.for %scan3A_105 = %scan3A_9 to %scan3A_11 step %scan3A_12  : i32 {
      %mul3A_106 = arith.constant 2000 : i32
      %mul3A_107 = arith.muli %scan3A_105, %mul3A_106 : i32
      %add3A_108 = arith.addi %add3A, %mul3A_107 : i32
      "tpu.region"() ({
        %run_scoped3A_109 = tpu.sem_alloc : memref<!tpu.dma_semaphore, #tpu.memory_space<semaphore_mem>>
        %dma_start3A = tpu.memref_slice %arg3[%add3A_108] : memref<1600000xi32, #tpu.memory_space<hbm>> -> memref<2000xi32, #tpu.memory_space<hbm>>
        %dma_start3A_110 = tpu.memref_slice %arg3[%add3A_108] : memref<1600000xi32, #tpu.memory_space<hbm>> -> memref<2000xi32, #tpu.memory_space<hbm>>
        tpu.enqueue_dma source(%dma_start3A_110 : memref<2000xi32, #tpu.memory_space<hbm>>) target(%arg7 : memref<2000xi32, #tpu.memory_space<vmem>>) target_semaphore(%run_scoped3A_109 : memref<!tpu.dma_semaphore, #tpu.memory_space<semaphore_mem>>)
        %dma_wait3A = tpu.memref_slice %arg3[%add3A_108] : memref<1600000xi32, #tpu.memory_space<hbm>> -> memref<2000xi32, #tpu.memory_space<hbm>>
        %dma_wait3A_111 = tpu.memref_slice %arg3[%add3A_108] : memref<1600000xi32, #tpu.memory_space<hbm>> -> memref<2000xi32, #tpu.memory_space<hbm>>
        tpu.wait_dma2 semaphore(%run_scoped3A_109 : memref<!tpu.dma_semaphore, #tpu.memory_space<semaphore_mem>>) src(%dma_wait3A_111 : memref<2000xi32, #tpu.memory_space<hbm>>) dst(%arg7 : memref<2000xi32, #tpu.memory_space<vmem>>)
        tpu.yield
      }) : () -> ()
      %run_scoped3A = arith.constant 0 : i32
      "tpu.region"() ({
        %run_scoped3A_109 = tpu.sem_alloc : memref<!tpu.dma_semaphore, #tpu.memory_space<semaphore_mem>>
        %dma_start3A = arith.constant 0 : i32
        %dma_start3A_110 = tpu.memref_slice %arg2[%run_scoped3A, %add3A_108, %dma_start3A] : memref<5x1600000x8xf32, #tpu.memory_space<hbm>> -> memref<1x2000x8xf32, #tpu.memory_space<hbm>>
        %dma_start3A_111 = tpu.memref_squeeze %dma_start3A_110 : memref<1x2000x8xf32, #tpu.memory_space<hbm>> -> memref<2000x8xf32, #tpu.memory_space<hbm>>
        %dma_start3A_112 = arith.constant 0 : i32
        %dma_start3A_113 = tpu.memref_slice %arg2[%run_scoped3A, %add3A_108, %dma_start3A_112] : memref<5x1600000x8xf32, #tpu.memory_space<hbm>> -> memref<1x2000x8xf32, #tpu.memory_space<hbm>>
        %dma_start3A_114 = tpu.memref_squeeze %dma_start3A_113 : memref<1x2000x8xf32, #tpu.memory_space<hbm>> -> memref<2000x8xf32, #tpu.memory_space<hbm>>
        tpu.enqueue_dma source(%dma_start3A_114 : memref<2000x8xf32, #tpu.memory_space<hbm>>) target(%arg8 : memref<2000x8xf32, #tpu.memory_space<vmem>>) target_semaphore(%run_scoped3A_109 : memref<!tpu.dma_semaphore, #tpu.memory_space<semaphore_mem>>)
        %dma_wait3A = arith.constant 0 : i32
        %dma_wait3A_115 = tpu.memref_slice %arg2[%run_scoped3A, %add3A_108, %dma_wait3A] : memref<5x1600000x8xf32, #tpu.memory_space<hbm>> -> memref<1x2000x8xf32, #tpu.memory_space<hbm>>
        %dma_wait3A_116 = tpu.memref_squeeze %dma_wait3A_115 : memref<1x2000x8xf32, #tpu.memory_space<hbm>> -> memref<2000x8xf32, #tpu.memory_space<hbm>>
        %dma_wait3A_117 = arith.constant 0 : i32
        %dma_wait3A_118 = tpu.memref_slice %arg2[%run_scoped3A, %add3A_108, %dma_wait3A_117] : memref<5x1600000x8xf32, #tpu.memory_space<hbm>> -> memref<1x2000x8xf32, #tpu.memory_space<hbm>>
        %dma_wait3A_119 = tpu.memref_squeeze %dma_wait3A_118 : memref<1x2000x8xf32, #tpu.memory_space<hbm>> -> memref<2000x8xf32, #tpu.memory_space<hbm>>
        tpu.wait_dma2 semaphore(%run_scoped3A_109 : memref<!tpu.dma_semaphore, #tpu.memory_space<semaphore_mem>>) src(%dma_wait3A_119 : memref<2000x8xf32, #tpu.memory_space<hbm>>) dst(%arg8 : memref<2000x8xf32, #tpu.memory_space<vmem>>)
        tpu.yield
      }) : () -> ()
      "tpu.region"() ({
        %run_scoped3A_109 = tpu.sem_alloc : memref<!tpu.dma_semaphore, #tpu.memory_space<semaphore_mem>>
        %dma_start3A = arith.constant 0 : i32
        %dma_start3A_110 = arith.constant 0 : i32
        %dma_start3A_111 = tpu.memref_slice %arg10[%dma_start3A, %dma_start3A_110] : memref<100000x8xf32, #tpu.memory_space<vmem_shared>> -> memref<100000x8xf32, #tpu.memory_space<vmem_shared>>
        tpu.enqueue_indirect_dma source(%arg8 : memref<2000x8xf32, #tpu.memory_space<vmem>>) target(%dma_start3A_111 : memref<100000x8xf32, #tpu.memory_space<vmem_shared>>) offsets(%arg7 : memref<2000xi32, #tpu.memory_space<vmem>>) semaphore(%run_scoped3A_109 : memref<!tpu.dma_semaphore, #tpu.memory_space<semaphore_mem>>) {add = true}
        %dma_wait3A = arith.constant 0 : i32
        %dma_wait3A_112 = arith.constant 0 : i32
        %dma_wait3A_113 = tpu.memref_slice %arg10[%dma_wait3A, %dma_wait3A_112] : memref<100000x8xf32, #tpu.memory_space<vmem_shared>> -> memref<100000x8xf32, #tpu.memory_space<vmem_shared>>
        tpu.wait_indirect_dma semaphore(%run_scoped3A_109 : memref<!tpu.dma_semaphore, #tpu.memory_space<semaphore_mem>>) src(%arg8 : memref<2000x8xf32, #tpu.memory_space<vmem>>) dst(%dma_wait3A_113 : memref<100000x8xf32, #tpu.memory_space<vmem_shared>>)
        tpu.yield
      }) : () -> ()
    }
    %scan3A_13 = arith.constant 25 : i32
    %barrier3A_14 = arith.constant 0 : index
    tpu.barrier barrier_id(%barrier3A_14)
    %scan3A_15 = arith.constant 0 : i32
    %scan3A_16 = arith.constant 0 : i32
    %scan3A_17 = arith.constant 25 : i32
    %scan3A_18 = arith.addi %scan3A_16, %scan3A_17 : i32
    %scan3A_19 = arith.constant 1 : i32
    scf.for %scan3A_105 = %scan3A_16 to %scan3A_18 step %scan3A_19  : i32 {
      %mul3A_106 = arith.constant 6250 : i32
      %mul3A_107 = arith.muli %arg1, %mul3A_106 : i32
      %mul3A_108 = arith.constant 250 : i32
      %mul3A_109 = arith.muli %scan3A_105, %mul3A_108 : i32
      %add3A_110 = arith.addi %mul3A_107, %mul3A_109 : i32
      "tpu.region"() ({
        %run_scoped3A = tpu.sem_alloc : memref<!tpu.dma_semaphore, #tpu.memory_space<semaphore_mem>>
        %dma_start3A = arith.constant 0 : i32
        %dma_start3A_118 = tpu.memref_slice %arg10[%add3A_110, %dma_start3A] : memref<100000x8xf32, #tpu.memory_space<vmem_shared>> -> memref<250x8xf32, #tpu.memory_space<vmem_shared>>
        %dma_start3A_119 = arith.constant 0 : i32
        %dma_start3A_120 = tpu.memref_slice %arg10[%add3A_110, %dma_start3A_119] : memref<100000x8xf32, #tpu.memory_space<vmem_shared>> -> memref<250x8xf32, #tpu.memory_space<vmem_shared>>
        tpu.enqueue_dma source(%dma_start3A_120 : memref<250x8xf32, #tpu.memory_space<vmem_shared>>) target(%arg9 : memref<250x8xf32, #tpu.memory_space<vmem>>) target_semaphore(%run_scoped3A : memref<!tpu.dma_semaphore, #tpu.memory_space<semaphore_mem>>)
        %dma_wait3A = arith.constant 0 : i32
        %dma_wait3A_121 = tpu.memref_slice %arg10[%add3A_110, %dma_wait3A] : memref<100000x8xf32, #tpu.memory_space<vmem_shared>> -> memref<250x8xf32, #tpu.memory_space<vmem_shared>>
        %dma_wait3A_122 = arith.constant 0 : i32
        %dma_wait3A_123 = tpu.memref_slice %arg10[%add3A_110, %dma_wait3A_122] : memref<100000x8xf32, #tpu.memory_space<vmem_shared>> -> memref<250x8xf32, #tpu.memory_space<vmem_shared>>
        tpu.wait_dma2 semaphore(%run_scoped3A : memref<!tpu.dma_semaphore, #tpu.memory_space<semaphore_mem>>) src(%dma_wait3A_123 : memref<250x8xf32, #tpu.memory_space<vmem_shared>>) dst(%arg9 : memref<250x8xf32, #tpu.memory_space<vmem>>)
        tpu.yield
      }) : () -> ()
      %eq3A = arith.constant 0 : i32
      %eq3A_111 = arith.cmpi eq, %arg0, %eq3A : i32
      %convert_element_type3A = arith.extui %eq3A_111 : i1 to i32
      %cond3A = arith.constant 0 : i32
      %cond3A_112 = arith.cmpi ne, %convert_element_type3A, %cond3A : i32
      scf.if %cond3A_112 {
        %run_scoped3A = arith.constant 0 : i32
        "tpu.region"() ({
          %run_scoped3A_118 = tpu.sem_alloc : memref<!tpu.dma_semaphore, #tpu.memory_space<semaphore_mem>>
          %dma_start3A = arith.constant 0 : i32
          %dma_start3A_119 = tpu.memref_slice %arg5[%run_scoped3A, %add3A_110, %dma_start3A] : memref<5x100000x8xf32, #tpu.memory_space<hbm>> -> memref<1x250x8xf32, #tpu.memory_space<hbm>>
          %dma_start3A_120 = tpu.memref_squeeze %dma_start3A_119 : memref<1x250x8xf32, #tpu.memory_space<hbm>> -> memref<250x8xf32, #tpu.memory_space<hbm>>
          %dma_start3A_121 = arith.constant 0 : i32
          %dma_start3A_122 = tpu.memref_slice %arg5[%run_scoped3A, %add3A_110, %dma_start3A_121] : memref<5x100000x8xf32, #tpu.memory_space<hbm>> -> memref<1x250x8xf32, #tpu.memory_space<hbm>>
          %dma_start3A_123 = tpu.memref_squeeze %dma_start3A_122 : memref<1x250x8xf32, #tpu.memory_space<hbm>> -> memref<250x8xf32, #tpu.memory_space<hbm>>
          tpu.enqueue_dma source(%arg9 : memref<250x8xf32, #tpu.memory_space<vmem>>) target(%dma_start3A_123 : memref<250x8xf32, #tpu.memory_space<hbm>>) target_semaphore(%run_scoped3A_118 : memref<!tpu.dma_semaphore, #tpu.memory_space<semaphore_mem>>)
          %dma_wait3A = arith.constant 0 : i32
          %dma_wait3A_124 = tpu.memref_slice %arg5[%run_scoped3A, %add3A_110, %dma_wait3A] : memref<5x100000x8xf32, #tpu.memory_space<hbm>> -> memref<1x250x8xf32, #tpu.memory_space<hbm>>
          %dma_wait3A_125 = tpu.memref_squeeze %dma_wait3A_124 : memref<1x250x8xf32, #tpu.memory_space<hbm>> -> memref<250x8xf32, #tpu.memory_space<hbm>>
          %dma_wait3A_126 = arith.constant 0 : i32
          %dma_wait3A_127 = tpu.memref_slice %arg5[%run_scoped3A, %add3A_110, %dma_wait3A_126] : memref<5x100000x8xf32, #tpu.memory_space<hbm>> -> memref<1x250x8xf32, #tpu.memory_space<hbm>>
          %dma_wait3A_128 = tpu.memref_squeeze %dma_wait3A_127 : memref<1x250x8xf32, #tpu.memory_space<hbm>> -> memref<250x8xf32, #tpu.memory_space<hbm>>
          tpu.wait_dma2 semaphore(%run_scoped3A_118 : memref<!tpu.dma_semaphore, #tpu.memory_space<semaphore_mem>>) src(%arg9 : memref<250x8xf32, #tpu.memory_space<vmem>>) dst(%dma_wait3A_128 : memref<250x8xf32, #tpu.memory_space<hbm>>)
          tpu.yield
        }) : () -> ()
      } else {
      }
      %eq3A_113 = arith.constant 1 : i32
      %eq3A_114 = arith.cmpi eq, %arg0, %eq3A_113 : i32
      %convert_element_type3A_115 = arith.extui %eq3A_114 : i1 to i32
      %cond3A_116 = arith.constant 0 : i32
      %cond3A_117 = arith.cmpi ne, %convert_element_type3A_115, %cond3A_116 : i32
      scf.if %cond3A_117 {
        %run_scoped3A = arith.constant 0 : i32
        "tpu.region"() ({
          %run_scoped3A_118 = tpu.sem_alloc : memref<!tpu.dma_semaphore, #tpu.memory_space<semaphore_mem>>
          %dma_start3A = arith.constant 0 : i32
          %dma_start3A_119 = tpu.memref_slice %arg6[%run_scoped3A, %add3A_110, %dma_start3A] : memref<5x100000x8xf32, #tpu.memory_space<hbm>> -> memref<1x250x8xf32, #tpu.memory_space<hbm>>
          %dma_start3A_120 = tpu.memref_squeeze %dma_start3A_119 : memref<1x250x8xf32, #tpu.memory_space<hbm>> -> memref<250x8xf32, #tpu.memory_space<hbm>>
          %dma_start3A_121 = arith.constant 0 : i32
          %dma_start3A_122 = tpu.memref_slice %arg6[%run_scoped3A, %add3A_110, %dma_start3A_121] : memref<5x100000x8xf32, #tpu.memory_space<hbm>> -> memref<1x250x8xf32, #tpu.memory_space<hbm>>
          %dma_start3A_123 = tpu.memref_squeeze %dma_start3A_122 : memref<1x250x8xf32, #tpu.memory_space<hbm>> -> memref<250x8xf32, #tpu.memory_space<hbm>>
          tpu.enqueue_dma source(%arg9 : memref<250x8xf32, #tpu.memory_space<vmem>>) target(%dma_start3A_123 : memref<250x8xf32, #tpu.memory_space<hbm>>) target_semaphore(%run_scoped3A_118 : memref<!tpu.dma_semaphore, #tpu.memory_space<semaphore_mem>>)
          %dma_wait3A = arith.constant 0 : i32
          %dma_wait3A_124 = tpu.memref_slice %arg6[%run_scoped3A, %add3A_110, %dma_wait3A] : memref<5x100000x8xf32, #tpu.memory_space<hbm>> -> memref<1x250x8xf32, #tpu.memory_space<hbm>>
          %dma_wait3A_125 = tpu.memref_squeeze %dma_wait3A_124 : memref<1x250x8xf32, #tpu.memory_space<hbm>> -> memref<250x8xf32, #tpu.memory_space<hbm>>
          %dma_wait3A_126 = arith.constant 0 : i32
          %dma_wait3A_127 = tpu.memref_slice %arg6[%run_scoped3A, %add3A_110, %dma_wait3A_126] : memref<5x100000x8xf32, #tpu.memory_space<hbm>> -> memref<1x250x8xf32, #tpu.memory_space<hbm>>
          %dma_wait3A_128 = tpu.memref_squeeze %dma_wait3A_127 : memref<1x250x8xf32, #tpu.memory_space<hbm>> -> memref<250x8xf32, #tpu.memory_space<hbm>>
          tpu.wait_dma2 semaphore(%run_scoped3A_118 : memref<!tpu.dma_semaphore, #tpu.memory_space<semaphore_mem>>) src(%arg9 : memref<250x8xf32, #tpu.memory_space<vmem>>) dst(%dma_wait3A_128 : memref<250x8xf32, #tpu.memory_space<hbm>>)
          tpu.yield
        }) : () -> ()
      } else {
      }
    }
    %scan3A_20 = arith.constant 25 : i32
    %barrier3A_21 = arith.constant 0 : index
    tpu.barrier barrier_id(%barrier3A_21)
    "tpu.region"() ({
      %run_scoped3A = tpu.sem_alloc : memref<!tpu.dma_semaphore, #tpu.memory_space<semaphore_mem>>
      tpu.enqueue_dma source(%arg4 : memref<250x8xf32, #tpu.memory_space<hbm>>) target(%arg9 : memref<250x8xf32, #tpu.memory_space<vmem>>) target_semaphore(%run_scoped3A : memref<!tpu.dma_semaphore, #tpu.memory_space<semaphore_mem>>)
      tpu.wait_dma2 semaphore(%run_scoped3A : memref<!tpu.dma_semaphore, #tpu.memory_space<semaphore_mem>>) src(%arg4 : memref<250x8xf32, #tpu.memory_space<hbm>>) dst(%arg9 : memref<250x8xf32, #tpu.memory_space<vmem>>)
      tpu.yield
    }) : () -> ()
    %scan3A_22 = arith.constant 0 : i32
    %scan3A_23 = arith.constant 0 : i32
    %scan3A_24 = arith.constant 25 : i32
    %scan3A_25 = arith.addi %scan3A_23, %scan3A_24 : i32
    %scan3A_26 = arith.constant 1 : i32
    scf.for %scan3A_105 = %scan3A_23 to %scan3A_25 step %scan3A_26  : i32 {
      %mul3A_106 = arith.constant 6250 : i32
      %mul3A_107 = arith.muli %arg1, %mul3A_106 : i32
      %mul3A_108 = arith.constant 250 : i32
      %mul3A_109 = arith.muli %scan3A_105, %mul3A_108 : i32
      %add3A_110 = arith.addi %mul3A_107, %mul3A_109 : i32
      "tpu.region"() ({
        %run_scoped3A = tpu.sem_alloc : memref<!tpu.dma_semaphore, #tpu.memory_space<semaphore_mem>>
        %dma_start3A = arith.constant 0 : i32
        %dma_start3A_111 = tpu.memref_slice %arg10[%add3A_110, %dma_start3A] : memref<100000x8xf32, #tpu.memory_space<vmem_shared>> -> memref<250x8xf32, #tpu.memory_space<vmem_shared>>
        %dma_start3A_112 = arith.constant 0 : i32
        %dma_start3A_113 = tpu.memref_slice %arg10[%add3A_110, %dma_start3A_112] : memref<100000x8xf32, #tpu.memory_space<vmem_shared>> -> memref<250x8xf32, #tpu.memory_space<vmem_shared>>
        tpu.enqueue_dma source(%arg9 : memref<250x8xf32, #tpu.memory_space<vmem>>) target(%dma_start3A_113 : memref<250x8xf32, #tpu.memory_space<vmem_shared>>) target_semaphore(%run_scoped3A : memref<!tpu.dma_semaphore, #tpu.memory_space<semaphore_mem>>)
        %dma_wait3A = arith.constant 0 : i32
        %dma_wait3A_114 = tpu.memref_slice %arg10[%add3A_110, %dma_wait3A] : memref<100000x8xf32, #tpu.memory_space<vmem_shared>> -> memref<250x8xf32, #tpu.memory_space<vmem_shared>>
        %dma_wait3A_115 = arith.constant 0 : i32
        %dma_wait3A_116 = tpu.memref_slice %arg10[%add3A_110, %dma_wait3A_115] : memref<100000x8xf32, #tpu.memory_space<vmem_shared>> -> memref<250x8xf32, #tpu.memory_space<vmem_shared>>
        tpu.wait_dma2 semaphore(%run_scoped3A : memref<!tpu.dma_semaphore, #tpu.memory_space<semaphore_mem>>) src(%arg9 : memref<250x8xf32, #tpu.memory_space<vmem>>) dst(%dma_wait3A_116 : memref<250x8xf32, #tpu.memory_space<vmem_shared>>)
        tpu.yield
      }) : () -> ()
    }
    %scan3A_27 = arith.constant 25 : i32
    %barrier3A_28 = arith.constant 0 : index
    tpu.barrier barrier_id(%barrier3A_28)
    %scan3A_29 = arith.constant 0 : i32
    %scan3A_30 = arith.constant 0 : i32
    %scan3A_31 = arith.constant 25 : i32
    %scan3A_32 = arith.addi %scan3A_30, %scan3A_31 : i32
    %scan3A_33 = arith.constant 1 : i32
    scf.for %scan3A_105 = %scan3A_30 to %scan3A_32 step %scan3A_33  : i32 {
      %mul3A_106 = arith.constant 2000 : i32
      %mul3A_107 = arith.muli %scan3A_105, %mul3A_106 : i32
      %add3A_108 = arith.addi %add3A, %mul3A_107 : i32
      "tpu.region"() ({
        %run_scoped3A_109 = tpu.sem_alloc : memref<!tpu.dma_semaphore, #tpu.memory_space<semaphore_mem>>
        %dma_start3A = tpu.memref_slice %arg3[%add3A_108] : memref<1600000xi32, #tpu.memory_space<hbm>> -> memref<2000xi32, #tpu.memory_space<hbm>>
        %dma_start3A_110 = tpu.memref_slice %arg3[%add3A_108] : memref<1600000xi32, #tpu.memory_space<hbm>> -> memref<2000xi32, #tpu.memory_space<hbm>>
        tpu.enqueue_dma source(%dma_start3A_110 : memref<2000xi32, #tpu.memory_space<hbm>>) target(%arg7 : memref<2000xi32, #tpu.memory_space<vmem>>) target_semaphore(%run_scoped3A_109 : memref<!tpu.dma_semaphore, #tpu.memory_space<semaphore_mem>>)
        %dma_wait3A = tpu.memref_slice %arg3[%add3A_108] : memref<1600000xi32, #tpu.memory_space<hbm>> -> memref<2000xi32, #tpu.memory_space<hbm>>
        %dma_wait3A_111 = tpu.memref_slice %arg3[%add3A_108] : memref<1600000xi32, #tpu.memory_space<hbm>> -> memref<2000xi32, #tpu.memory_space<hbm>>
        tpu.wait_dma2 semaphore(%run_scoped3A_109 : memref<!tpu.dma_semaphore, #tpu.memory_space<semaphore_mem>>) src(%dma_wait3A_111 : memref<2000xi32, #tpu.memory_space<hbm>>) dst(%arg7 : memref<2000xi32, #tpu.memory_space<vmem>>)
        tpu.yield
      }) : () -> ()
      %run_scoped3A = arith.constant 1 : i32
      "tpu.region"() ({
        %run_scoped3A_109 = tpu.sem_alloc : memref<!tpu.dma_semaphore, #tpu.memory_space<semaphore_mem>>
        %dma_start3A = arith.constant 0 : i32
        %dma_start3A_110 = tpu.memref_slice %arg2[%run_scoped3A, %add3A_108, %dma_start3A] : memref<5x1600000x8xf32, #tpu.memory_space<hbm>> -> memref<1x2000x8xf32, #tpu.memory_space<hbm>>
        %dma_start3A_111 = tpu.memref_squeeze %dma_start3A_110 : memref<1x2000x8xf32, #tpu.memory_space<hbm>> -> memref<2000x8xf32, #tpu.memory_space<hbm>>
        %dma_start3A_112 = arith.constant 0 : i32
        %dma_start3A_113 = tpu.memref_slice %arg2[%run_scoped3A, %add3A_108, %dma_start3A_112] : memref<5x1600000x8xf32, #tpu.memory_space<hbm>> -> memref<1x2000x8xf32, #tpu.memory_space<hbm>>
        %dma_start3A_114 = tpu.memref_squeeze %dma_start3A_113 : memref<1x2000x8xf32, #tpu.memory_space<hbm>> -> memref<2000x8xf32, #tpu.memory_space<hbm>>
        tpu.enqueue_dma source(%dma_start3A_114 : memref<2000x8xf32, #tpu.memory_space<hbm>>) target(%arg8 : memref<2000x8xf32, #tpu.memory_space<vmem>>) target_semaphore(%run_scoped3A_109 : memref<!tpu.dma_semaphore, #tpu.memory_space<semaphore_mem>>)
        %dma_wait3A = arith.constant 0 : i32
        %dma_wait3A_115 = tpu.memref_slice %arg2[%run_scoped3A, %add3A_108, %dma_wait3A] : memref<5x1600000x8xf32, #tpu.memory_space<hbm>> -> memref<1x2000x8xf32, #tpu.memory_space<hbm>>
        %dma_wait3A_116 = tpu.memref_squeeze %dma_wait3A_115 : memref<1x2000x8xf32, #tpu.memory_space<hbm>> -> memref<2000x8xf32, #tpu.memory_space<hbm>>
        %dma_wait3A_117 = arith.constant 0 : i32
        %dma_wait3A_118 = tpu.memref_slice %arg2[%run_scoped3A, %add3A_108, %dma_wait3A_117] : memref<5x1600000x8xf32, #tpu.memory_space<hbm>> -> memref<1x2000x8xf32, #tpu.memory_space<hbm>>
        %dma_wait3A_119 = tpu.memref_squeeze %dma_wait3A_118 : memref<1x2000x8xf32, #tpu.memory_space<hbm>> -> memref<2000x8xf32, #tpu.memory_space<hbm>>
        tpu.wait_dma2 semaphore(%run_scoped3A_109 : memref<!tpu.dma_semaphore, #tpu.memory_space<semaphore_mem>>) src(%dma_wait3A_119 : memref<2000x8xf32, #tpu.memory_space<hbm>>) dst(%arg8 : memref<2000x8xf32, #tpu.memory_space<vmem>>)
        tpu.yield
      }) : () -> ()
      "tpu.region"() ({
        %run_scoped3A_109 = tpu.sem_alloc : memref<!tpu.dma_semaphore, #tpu.memory_space<semaphore_mem>>
        %dma_start3A = arith.constant 0 : i32
        %dma_start3A_110 = arith.constant 0 : i32
        %dma_start3A_111 = tpu.memref_slice %arg10[%dma_start3A, %dma_start3A_110] : memref<100000x8xf32, #tpu.memory_space<vmem_shared>> -> memref<100000x8xf32, #tpu.memory_space<vmem_shared>>
        tpu.enqueue_indirect_dma source(%arg8 : memref<2000x8xf32, #tpu.memory_space<vmem>>) target(%dma_start3A_111 : memref<100000x8xf32, #tpu.memory_space<vmem_shared>>) offsets(%arg7 : memref<2000xi32, #tpu.memory_space<vmem>>) semaphore(%run_scoped3A_109 : memref<!tpu.dma_semaphore, #tpu.memory_space<semaphore_mem>>) {add = true}
        %dma_wait3A = arith.constant 0 : i32
        %dma_wait3A_112 = arith.constant 0 : i32
        %dma_wait3A_113 = tpu.memref_slice %arg10[%dma_wait3A, %dma_wait3A_112] : memref<100000x8xf32, #tpu.memory_space<vmem_shared>> -> memref<100000x8xf32, #tpu.memory_space<vmem_shared>>
        tpu.wait_indirect_dma semaphore(%run_scoped3A_109 : memref<!tpu.dma_semaphore, #tpu.memory_space<semaphore_mem>>) src(%arg8 : memref<2000x8xf32, #tpu.memory_space<vmem>>) dst(%dma_wait3A_113 : memref<100000x8xf32, #tpu.memory_space<vmem_shared>>)
        tpu.yield
      }) : () -> ()
    }
    %scan3A_34 = arith.constant 25 : i32
    %barrier3A_35 = arith.constant 0 : index
    tpu.barrier barrier_id(%barrier3A_35)
    %scan3A_36 = arith.constant 0 : i32
    %scan3A_37 = arith.constant 0 : i32
    %scan3A_38 = arith.constant 25 : i32
    %scan3A_39 = arith.addi %scan3A_37, %scan3A_38 : i32
    %scan3A_40 = arith.constant 1 : i32
    scf.for %scan3A_105 = %scan3A_37 to %scan3A_39 step %scan3A_40  : i32 {
      %mul3A_106 = arith.constant 6250 : i32
      %mul3A_107 = arith.muli %arg1, %mul3A_106 : i32
      %mul3A_108 = arith.constant 250 : i32
      %mul3A_109 = arith.muli %scan3A_105, %mul3A_108 : i32
      %add3A_110 = arith.addi %mul3A_107, %mul3A_109 : i32
      "tpu.region"() ({
        %run_scoped3A = tpu.sem_alloc : memref<!tpu.dma_semaphore, #tpu.memory_space<semaphore_mem>>
        %dma_start3A = arith.constant 0 : i32
        %dma_start3A_118 = tpu.memref_slice %arg10[%add3A_110, %dma_start3A] : memref<100000x8xf32, #tpu.memory_space<vmem_shared>> -> memref<250x8xf32, #tpu.memory_space<vmem_shared>>
        %dma_start3A_119 = arith.constant 0 : i32
        %dma_start3A_120 = tpu.memref_slice %arg10[%add3A_110, %dma_start3A_119] : memref<100000x8xf32, #tpu.memory_space<vmem_shared>> -> memref<250x8xf32, #tpu.memory_space<vmem_shared>>
        tpu.enqueue_dma source(%dma_start3A_120 : memref<250x8xf32, #tpu.memory_space<vmem_shared>>) target(%arg9 : memref<250x8xf32, #tpu.memory_space<vmem>>) target_semaphore(%run_scoped3A : memref<!tpu.dma_semaphore, #tpu.memory_space<semaphore_mem>>)
        %dma_wait3A = arith.constant 0 : i32
        %dma_wait3A_121 = tpu.memref_slice %arg10[%add3A_110, %dma_wait3A] : memref<100000x8xf32, #tpu.memory_space<vmem_shared>> -> memref<250x8xf32, #tpu.memory_space<vmem_shared>>
        %dma_wait3A_122 = arith.constant 0 : i32
        %dma_wait3A_123 = tpu.memref_slice %arg10[%add3A_110, %dma_wait3A_122] : memref<100000x8xf32, #tpu.memory_space<vmem_shared>> -> memref<250x8xf32, #tpu.memory_space<vmem_shared>>
        tpu.wait_dma2 semaphore(%run_scoped3A : memref<!tpu.dma_semaphore, #tpu.memory_space<semaphore_mem>>) src(%dma_wait3A_123 : memref<250x8xf32, #tpu.memory_space<vmem_shared>>) dst(%arg9 : memref<250x8xf32, #tpu.memory_space<vmem>>)
        tpu.yield
      }) : () -> ()
      %eq3A = arith.constant 0 : i32
      %eq3A_111 = arith.cmpi eq, %arg0, %eq3A : i32
      %convert_element_type3A = arith.extui %eq3A_111 : i1 to i32
      %cond3A = arith.constant 0 : i32
      %cond3A_112 = arith.cmpi ne, %convert_element_type3A, %cond3A : i32
      scf.if %cond3A_112 {
        %run_scoped3A = arith.constant 1 : i32
        "tpu.region"() ({
          %run_scoped3A_118 = tpu.sem_alloc : memref<!tpu.dma_semaphore, #tpu.memory_space<semaphore_mem>>
          %dma_start3A = arith.constant 0 : i32
          %dma_start3A_119 = tpu.memref_slice %arg5[%run_scoped3A, %add3A_110, %dma_start3A] : memref<5x100000x8xf32, #tpu.memory_space<hbm>> -> memref<1x250x8xf32, #tpu.memory_space<hbm>>
          %dma_start3A_120 = tpu.memref_squeeze %dma_start3A_119 : memref<1x250x8xf32, #tpu.memory_space<hbm>> -> memref<250x8xf32, #tpu.memory_space<hbm>>
          %dma_start3A_121 = arith.constant 0 : i32
          %dma_start3A_122 = tpu.memref_slice %arg5[%run_scoped3A, %add3A_110, %dma_start3A_121] : memref<5x100000x8xf32, #tpu.memory_space<hbm>> -> memref<1x250x8xf32, #tpu.memory_space<hbm>>
          %dma_start3A_123 = tpu.memref_squeeze %dma_start3A_122 : memref<1x250x8xf32, #tpu.memory_space<hbm>> -> memref<250x8xf32, #tpu.memory_space<hbm>>
          tpu.enqueue_dma source(%arg9 : memref<250x8xf32, #tpu.memory_space<vmem>>) target(%dma_start3A_123 : memref<250x8xf32, #tpu.memory_space<hbm>>) target_semaphore(%run_scoped3A_118 : memref<!tpu.dma_semaphore, #tpu.memory_space<semaphore_mem>>)
          %dma_wait3A = arith.constant 0 : i32
          %dma_wait3A_124 = tpu.memref_slice %arg5[%run_scoped3A, %add3A_110, %dma_wait3A] : memref<5x100000x8xf32, #tpu.memory_space<hbm>> -> memref<1x250x8xf32, #tpu.memory_space<hbm>>
          %dma_wait3A_125 = tpu.memref_squeeze %dma_wait3A_124 : memref<1x250x8xf32, #tpu.memory_space<hbm>> -> memref<250x8xf32, #tpu.memory_space<hbm>>
          %dma_wait3A_126 = arith.constant 0 : i32
          %dma_wait3A_127 = tpu.memref_slice %arg5[%run_scoped3A, %add3A_110, %dma_wait3A_126] : memref<5x100000x8xf32, #tpu.memory_space<hbm>> -> memref<1x250x8xf32, #tpu.memory_space<hbm>>
          %dma_wait3A_128 = tpu.memref_squeeze %dma_wait3A_127 : memref<1x250x8xf32, #tpu.memory_space<hbm>> -> memref<250x8xf32, #tpu.memory_space<hbm>>
          tpu.wait_dma2 semaphore(%run_scoped3A_118 : memref<!tpu.dma_semaphore, #tpu.memory_space<semaphore_mem>>) src(%arg9 : memref<250x8xf32, #tpu.memory_space<vmem>>) dst(%dma_wait3A_128 : memref<250x8xf32, #tpu.memory_space<hbm>>)
          tpu.yield
        }) : () -> ()
      } else {
      }
      %eq3A_113 = arith.constant 1 : i32
      %eq3A_114 = arith.cmpi eq, %arg0, %eq3A_113 : i32
      %convert_element_type3A_115 = arith.extui %eq3A_114 : i1 to i32
      %cond3A_116 = arith.constant 0 : i32
      %cond3A_117 = arith.cmpi ne, %convert_element_type3A_115, %cond3A_116 : i32
      scf.if %cond3A_117 {
        %run_scoped3A = arith.constant 1 : i32
        "tpu.region"() ({
          %run_scoped3A_118 = tpu.sem_alloc : memref<!tpu.dma_semaphore, #tpu.memory_space<semaphore_mem>>
          %dma_start3A = arith.constant 0 : i32
          %dma_start3A_119 = tpu.memref_slice %arg6[%run_scoped3A, %add3A_110, %dma_start3A] : memref<5x100000x8xf32, #tpu.memory_space<hbm>> -> memref<1x250x8xf32, #tpu.memory_space<hbm>>
          %dma_start3A_120 = tpu.memref_squeeze %dma_start3A_119 : memref<1x250x8xf32, #tpu.memory_space<hbm>> -> memref<250x8xf32, #tpu.memory_space<hbm>>
          %dma_start3A_121 = arith.constant 0 : i32
          %dma_start3A_122 = tpu.memref_slice %arg6[%run_scoped3A, %add3A_110, %dma_start3A_121] : memref<5x100000x8xf32, #tpu.memory_space<hbm>> -> memref<1x250x8xf32, #tpu.memory_space<hbm>>
          %dma_start3A_123 = tpu.memref_squeeze %dma_start3A_122 : memref<1x250x8xf32, #tpu.memory_space<hbm>> -> memref<250x8xf32, #tpu.memory_space<hbm>>
          tpu.enqueue_dma source(%arg9 : memref<250x8xf32, #tpu.memory_space<vmem>>) target(%dma_start3A_123 : memref<250x8xf32, #tpu.memory_space<hbm>>) target_semaphore(%run_scoped3A_118 : memref<!tpu.dma_semaphore, #tpu.memory_space<semaphore_mem>>)
          %dma_wait3A = arith.constant 0 : i32
          %dma_wait3A_124 = tpu.memref_slice %arg6[%run_scoped3A, %add3A_110, %dma_wait3A] : memref<5x100000x8xf32, #tpu.memory_space<hbm>> -> memref<1x250x8xf32, #tpu.memory_space<hbm>>
          %dma_wait3A_125 = tpu.memref_squeeze %dma_wait3A_124 : memref<1x250x8xf32, #tpu.memory_space<hbm>> -> memref<250x8xf32, #tpu.memory_space<hbm>>
          %dma_wait3A_126 = arith.constant 0 : i32
          %dma_wait3A_127 = tpu.memref_slice %arg6[%run_scoped3A, %add3A_110, %dma_wait3A_126] : memref<5x100000x8xf32, #tpu.memory_space<hbm>> -> memref<1x250x8xf32, #tpu.memory_space<hbm>>
          %dma_wait3A_128 = tpu.memref_squeeze %dma_wait3A_127 : memref<1x250x8xf32, #tpu.memory_space<hbm>> -> memref<250x8xf32, #tpu.memory_space<hbm>>
          tpu.wait_dma2 semaphore(%run_scoped3A_118 : memref<!tpu.dma_semaphore, #tpu.memory_space<semaphore_mem>>) src(%arg9 : memref<250x8xf32, #tpu.memory_space<vmem>>) dst(%dma_wait3A_128 : memref<250x8xf32, #tpu.memory_space<hbm>>)
          tpu.yield
        }) : () -> ()
      } else {
      }
    }
    %scan3A_41 = arith.constant 25 : i32
    %barrier3A_42 = arith.constant 0 : index
    tpu.barrier barrier_id(%barrier3A_42)
    "tpu.region"() ({
      %run_scoped3A = tpu.sem_alloc : memref<!tpu.dma_semaphore, #tpu.memory_space<semaphore_mem>>
      tpu.enqueue_dma source(%arg4 : memref<250x8xf32, #tpu.memory_space<hbm>>) target(%arg9 : memref<250x8xf32, #tpu.memory_space<vmem>>) target_semaphore(%run_scoped3A : memref<!tpu.dma_semaphore, #tpu.memory_space<semaphore_mem>>)
      tpu.wait_dma2 semaphore(%run_scoped3A : memref<!tpu.dma_semaphore, #tpu.memory_space<semaphore_mem>>) src(%arg4 : memref<250x8xf32, #tpu.memory_space<hbm>>) dst(%arg9 : memref<250x8xf32, #tpu.memory_space<vmem>>)
      tpu.yield
    }) : () -> ()
    %scan3A_43 = arith.constant 0 : i32
    %scan3A_44 = arith.constant 0 : i32
    %scan3A_45 = arith.constant 25 : i32
    %scan3A_46 = arith.addi %scan3A_44, %scan3A_45 : i32
    %scan3A_47 = arith.constant 1 : i32
    scf.for %scan3A_105 = %scan3A_44 to %scan3A_46 step %scan3A_47  : i32 {
      %mul3A_106 = arith.constant 6250 : i32
      %mul3A_107 = arith.muli %arg1, %mul3A_106 : i32
      %mul3A_108 = arith.constant 250 : i32
      %mul3A_109 = arith.muli %scan3A_105, %mul3A_108 : i32
      %add3A_110 = arith.addi %mul3A_107, %mul3A_109 : i32
      "tpu.region"() ({
        %run_scoped3A = tpu.sem_alloc : memref<!tpu.dma_semaphore, #tpu.memory_space<semaphore_mem>>
        %dma_start3A = arith.constant 0 : i32
        %dma_start3A_111 = tpu.memref_slice %arg10[%add3A_110, %dma_start3A] : memref<100000x8xf32, #tpu.memory_space<vmem_shared>> -> memref<250x8xf32, #tpu.memory_space<vmem_shared>>
        %dma_start3A_112 = arith.constant 0 : i32
        %dma_start3A_113 = tpu.memref_slice %arg10[%add3A_110, %dma_start3A_112] : memref<100000x8xf32, #tpu.memory_space<vmem_shared>> -> memref<250x8xf32, #tpu.memory_space<vmem_shared>>
        tpu.enqueue_dma source(%arg9 : memref<250x8xf32, #tpu.memory_space<vmem>>) target(%dma_start3A_113 : memref<250x8xf32, #tpu.memory_space<vmem_shared>>) target_semaphore(%run_scoped3A : memref<!tpu.dma_semaphore, #tpu.memory_space<semaphore_mem>>)
        %dma_wait3A = arith.constant 0 : i32
        %dma_wait3A_114 = tpu.memref_slice %arg10[%add3A_110, %dma_wait3A] : memref<100000x8xf32, #tpu.memory_space<vmem_shared>> -> memref<250x8xf32, #tpu.memory_space<vmem_shared>>
        %dma_wait3A_115 = arith.constant 0 : i32
        %dma_wait3A_116 = tpu.memref_slice %arg10[%add3A_110, %dma_wait3A_115] : memref<100000x8xf32, #tpu.memory_space<vmem_shared>> -> memref<250x8xf32, #tpu.memory_space<vmem_shared>>
        tpu.wait_dma2 semaphore(%run_scoped3A : memref<!tpu.dma_semaphore, #tpu.memory_space<semaphore_mem>>) src(%arg9 : memref<250x8xf32, #tpu.memory_space<vmem>>) dst(%dma_wait3A_116 : memref<250x8xf32, #tpu.memory_space<vmem_shared>>)
        tpu.yield
      }) : () -> ()
    }
    %scan3A_48 = arith.constant 25 : i32
    %barrier3A_49 = arith.constant 0 : index
    tpu.barrier barrier_id(%barrier3A_49)
    %scan3A_50 = arith.constant 0 : i32
    %scan3A_51 = arith.constant 0 : i32
    %scan3A_52 = arith.constant 25 : i32
    %scan3A_53 = arith.addi %scan3A_51, %scan3A_52 : i32
    %scan3A_54 = arith.constant 1 : i32
    scf.for %scan3A_105 = %scan3A_51 to %scan3A_53 step %scan3A_54  : i32 {
      %mul3A_106 = arith.constant 2000 : i32
      %mul3A_107 = arith.muli %scan3A_105, %mul3A_106 : i32
      %add3A_108 = arith.addi %add3A, %mul3A_107 : i32
      "tpu.region"() ({
        %run_scoped3A_109 = tpu.sem_alloc : memref<!tpu.dma_semaphore, #tpu.memory_space<semaphore_mem>>
        %dma_start3A = tpu.memref_slice %arg3[%add3A_108] : memref<1600000xi32, #tpu.memory_space<hbm>> -> memref<2000xi32, #tpu.memory_space<hbm>>
        %dma_start3A_110 = tpu.memref_slice %arg3[%add3A_108] : memref<1600000xi32, #tpu.memory_space<hbm>> -> memref<2000xi32, #tpu.memory_space<hbm>>
        tpu.enqueue_dma source(%dma_start3A_110 : memref<2000xi32, #tpu.memory_space<hbm>>) target(%arg7 : memref<2000xi32, #tpu.memory_space<vmem>>) target_semaphore(%run_scoped3A_109 : memref<!tpu.dma_semaphore, #tpu.memory_space<semaphore_mem>>)
        %dma_wait3A = tpu.memref_slice %arg3[%add3A_108] : memref<1600000xi32, #tpu.memory_space<hbm>> -> memref<2000xi32, #tpu.memory_space<hbm>>
        %dma_wait3A_111 = tpu.memref_slice %arg3[%add3A_108] : memref<1600000xi32, #tpu.memory_space<hbm>> -> memref<2000xi32, #tpu.memory_space<hbm>>
        tpu.wait_dma2 semaphore(%run_scoped3A_109 : memref<!tpu.dma_semaphore, #tpu.memory_space<semaphore_mem>>) src(%dma_wait3A_111 : memref<2000xi32, #tpu.memory_space<hbm>>) dst(%arg7 : memref<2000xi32, #tpu.memory_space<vmem>>)
        tpu.yield
      }) : () -> ()
      %run_scoped3A = arith.constant 2 : i32
      "tpu.region"() ({
        %run_scoped3A_109 = tpu.sem_alloc : memref<!tpu.dma_semaphore, #tpu.memory_space<semaphore_mem>>
        %dma_start3A = arith.constant 0 : i32
        %dma_start3A_110 = tpu.memref_slice %arg2[%run_scoped3A, %add3A_108, %dma_start3A] : memref<5x1600000x8xf32, #tpu.memory_space<hbm>> -> memref<1x2000x8xf32, #tpu.memory_space<hbm>>
        %dma_start3A_111 = tpu.memref_squeeze %dma_start3A_110 : memref<1x2000x8xf32, #tpu.memory_space<hbm>> -> memref<2000x8xf32, #tpu.memory_space<hbm>>
        %dma_start3A_112 = arith.constant 0 : i32
        %dma_start3A_113 = tpu.memref_slice %arg2[%run_scoped3A, %add3A_108, %dma_start3A_112] : memref<5x1600000x8xf32, #tpu.memory_space<hbm>> -> memref<1x2000x8xf32, #tpu.memory_space<hbm>>
        %dma_start3A_114 = tpu.memref_squeeze %dma_start3A_113 : memref<1x2000x8xf32, #tpu.memory_space<hbm>> -> memref<2000x8xf32, #tpu.memory_space<hbm>>
        tpu.enqueue_dma source(%dma_start3A_114 : memref<2000x8xf32, #tpu.memory_space<hbm>>) target(%arg8 : memref<2000x8xf32, #tpu.memory_space<vmem>>) target_semaphore(%run_scoped3A_109 : memref<!tpu.dma_semaphore, #tpu.memory_space<semaphore_mem>>)
        %dma_wait3A = arith.constant 0 : i32
        %dma_wait3A_115 = tpu.memref_slice %arg2[%run_scoped3A, %add3A_108, %dma_wait3A] : memref<5x1600000x8xf32, #tpu.memory_space<hbm>> -> memref<1x2000x8xf32, #tpu.memory_space<hbm>>
        %dma_wait3A_116 = tpu.memref_squeeze %dma_wait3A_115 : memref<1x2000x8xf32, #tpu.memory_space<hbm>> -> memref<2000x8xf32, #tpu.memory_space<hbm>>
        %dma_wait3A_117 = arith.constant 0 : i32
        %dma_wait3A_118 = tpu.memref_slice %arg2[%run_scoped3A, %add3A_108, %dma_wait3A_117] : memref<5x1600000x8xf32, #tpu.memory_space<hbm>> -> memref<1x2000x8xf32, #tpu.memory_space<hbm>>
        %dma_wait3A_119 = tpu.memref_squeeze %dma_wait3A_118 : memref<1x2000x8xf32, #tpu.memory_space<hbm>> -> memref<2000x8xf32, #tpu.memory_space<hbm>>
        tpu.wait_dma2 semaphore(%run_scoped3A_109 : memref<!tpu.dma_semaphore, #tpu.memory_space<semaphore_mem>>) src(%dma_wait3A_119 : memref<2000x8xf32, #tpu.memory_space<hbm>>) dst(%arg8 : memref<2000x8xf32, #tpu.memory_space<vmem>>)
        tpu.yield
      }) : () -> ()
      "tpu.region"() ({
        %run_scoped3A_109 = tpu.sem_alloc : memref<!tpu.dma_semaphore, #tpu.memory_space<semaphore_mem>>
        %dma_start3A = arith.constant 0 : i32
        %dma_start3A_110 = arith.constant 0 : i32
        %dma_start3A_111 = tpu.memref_slice %arg10[%dma_start3A, %dma_start3A_110] : memref<100000x8xf32, #tpu.memory_space<vmem_shared>> -> memref<100000x8xf32, #tpu.memory_space<vmem_shared>>
        tpu.enqueue_indirect_dma source(%arg8 : memref<2000x8xf32, #tpu.memory_space<vmem>>) target(%dma_start3A_111 : memref<100000x8xf32, #tpu.memory_space<vmem_shared>>) offsets(%arg7 : memref<2000xi32, #tpu.memory_space<vmem>>) semaphore(%run_scoped3A_109 : memref<!tpu.dma_semaphore, #tpu.memory_space<semaphore_mem>>) {add = true}
        %dma_wait3A = arith.constant 0 : i32
        %dma_wait3A_112 = arith.constant 0 : i32
        %dma_wait3A_113 = tpu.memref_slice %arg10[%dma_wait3A, %dma_wait3A_112] : memref<100000x8xf32, #tpu.memory_space<vmem_shared>> -> memref<100000x8xf32, #tpu.memory_space<vmem_shared>>
        tpu.wait_indirect_dma semaphore(%run_scoped3A_109 : memref<!tpu.dma_semaphore, #tpu.memory_space<semaphore_mem>>) src(%arg8 : memref<2000x8xf32, #tpu.memory_space<vmem>>) dst(%dma_wait3A_113 : memref<100000x8xf32, #tpu.memory_space<vmem_shared>>)
        tpu.yield
      }) : () -> ()
    }
    %scan3A_55 = arith.constant 25 : i32
    %barrier3A_56 = arith.constant 0 : index
    tpu.barrier barrier_id(%barrier3A_56)
    %scan3A_57 = arith.constant 0 : i32
    %scan3A_58 = arith.constant 0 : i32
    %scan3A_59 = arith.constant 25 : i32
    %scan3A_60 = arith.addi %scan3A_58, %scan3A_59 : i32
    %scan3A_61 = arith.constant 1 : i32
    scf.for %scan3A_105 = %scan3A_58 to %scan3A_60 step %scan3A_61  : i32 {
      %mul3A_106 = arith.constant 6250 : i32
      %mul3A_107 = arith.muli %arg1, %mul3A_106 : i32
      %mul3A_108 = arith.constant 250 : i32
      %mul3A_109 = arith.muli %scan3A_105, %mul3A_108 : i32
      %add3A_110 = arith.addi %mul3A_107, %mul3A_109 : i32
      "tpu.region"() ({
        %run_scoped3A = tpu.sem_alloc : memref<!tpu.dma_semaphore, #tpu.memory_space<semaphore_mem>>
        %dma_start3A = arith.constant 0 : i32
        %dma_start3A_118 = tpu.memref_slice %arg10[%add3A_110, %dma_start3A] : memref<100000x8xf32, #tpu.memory_space<vmem_shared>> -> memref<250x8xf32, #tpu.memory_space<vmem_shared>>
        %dma_start3A_119 = arith.constant 0 : i32
        %dma_start3A_120 = tpu.memref_slice %arg10[%add3A_110, %dma_start3A_119] : memref<100000x8xf32, #tpu.memory_space<vmem_shared>> -> memref<250x8xf32, #tpu.memory_space<vmem_shared>>
        tpu.enqueue_dma source(%dma_start3A_120 : memref<250x8xf32, #tpu.memory_space<vmem_shared>>) target(%arg9 : memref<250x8xf32, #tpu.memory_space<vmem>>) target_semaphore(%run_scoped3A : memref<!tpu.dma_semaphore, #tpu.memory_space<semaphore_mem>>)
        %dma_wait3A = arith.constant 0 : i32
        %dma_wait3A_121 = tpu.memref_slice %arg10[%add3A_110, %dma_wait3A] : memref<100000x8xf32, #tpu.memory_space<vmem_shared>> -> memref<250x8xf32, #tpu.memory_space<vmem_shared>>
        %dma_wait3A_122 = arith.constant 0 : i32
        %dma_wait3A_123 = tpu.memref_slice %arg10[%add3A_110, %dma_wait3A_122] : memref<100000x8xf32, #tpu.memory_space<vmem_shared>> -> memref<250x8xf32, #tpu.memory_space<vmem_shared>>
        tpu.wait_dma2 semaphore(%run_scoped3A : memref<!tpu.dma_semaphore, #tpu.memory_space<semaphore_mem>>) src(%dma_wait3A_123 : memref<250x8xf32, #tpu.memory_space<vmem_shared>>) dst(%arg9 : memref<250x8xf32, #tpu.memory_space<vmem>>)
        tpu.yield
      }) : () -> ()
      %eq3A = arith.constant 0 : i32
      %eq3A_111 = arith.cmpi eq, %arg0, %eq3A : i32
      %convert_element_type3A = arith.extui %eq3A_111 : i1 to i32
      %cond3A = arith.constant 0 : i32
      %cond3A_112 = arith.cmpi ne, %convert_element_type3A, %cond3A : i32
      scf.if %cond3A_112 {
        %run_scoped3A = arith.constant 2 : i32
        "tpu.region"() ({
          %run_scoped3A_118 = tpu.sem_alloc : memref<!tpu.dma_semaphore, #tpu.memory_space<semaphore_mem>>
          %dma_start3A = arith.constant 0 : i32
          %dma_start3A_119 = tpu.memref_slice %arg5[%run_scoped3A, %add3A_110, %dma_start3A] : memref<5x100000x8xf32, #tpu.memory_space<hbm>> -> memref<1x250x8xf32, #tpu.memory_space<hbm>>
          %dma_start3A_120 = tpu.memref_squeeze %dma_start3A_119 : memref<1x250x8xf32, #tpu.memory_space<hbm>> -> memref<250x8xf32, #tpu.memory_space<hbm>>
          %dma_start3A_121 = arith.constant 0 : i32
          %dma_start3A_122 = tpu.memref_slice %arg5[%run_scoped3A, %add3A_110, %dma_start3A_121] : memref<5x100000x8xf32, #tpu.memory_space<hbm>> -> memref<1x250x8xf32, #tpu.memory_space<hbm>>
          %dma_start3A_123 = tpu.memref_squeeze %dma_start3A_122 : memref<1x250x8xf32, #tpu.memory_space<hbm>> -> memref<250x8xf32, #tpu.memory_space<hbm>>
          tpu.enqueue_dma source(%arg9 : memref<250x8xf32, #tpu.memory_space<vmem>>) target(%dma_start3A_123 : memref<250x8xf32, #tpu.memory_space<hbm>>) target_semaphore(%run_scoped3A_118 : memref<!tpu.dma_semaphore, #tpu.memory_space<semaphore_mem>>)
          %dma_wait3A = arith.constant 0 : i32
          %dma_wait3A_124 = tpu.memref_slice %arg5[%run_scoped3A, %add3A_110, %dma_wait3A] : memref<5x100000x8xf32, #tpu.memory_space<hbm>> -> memref<1x250x8xf32, #tpu.memory_space<hbm>>
          %dma_wait3A_125 = tpu.memref_squeeze %dma_wait3A_124 : memref<1x250x8xf32, #tpu.memory_space<hbm>> -> memref<250x8xf32, #tpu.memory_space<hbm>>
          %dma_wait3A_126 = arith.constant 0 : i32
          %dma_wait3A_127 = tpu.memref_slice %arg5[%run_scoped3A, %add3A_110, %dma_wait3A_126] : memref<5x100000x8xf32, #tpu.memory_space<hbm>> -> memref<1x250x8xf32, #tpu.memory_space<hbm>>
          %dma_wait3A_128 = tpu.memref_squeeze %dma_wait3A_127 : memref<1x250x8xf32, #tpu.memory_space<hbm>> -> memref<250x8xf32, #tpu.memory_space<hbm>>
          tpu.wait_dma2 semaphore(%run_scoped3A_118 : memref<!tpu.dma_semaphore, #tpu.memory_space<semaphore_mem>>) src(%arg9 : memref<250x8xf32, #tpu.memory_space<vmem>>) dst(%dma_wait3A_128 : memref<250x8xf32, #tpu.memory_space<hbm>>)
          tpu.yield
        }) : () -> ()
      } else {
      }
      %eq3A_113 = arith.constant 1 : i32
      %eq3A_114 = arith.cmpi eq, %arg0, %eq3A_113 : i32
      %convert_element_type3A_115 = arith.extui %eq3A_114 : i1 to i32
      %cond3A_116 = arith.constant 0 : i32
      %cond3A_117 = arith.cmpi ne, %convert_element_type3A_115, %cond3A_116 : i32
      scf.if %cond3A_117 {
        %run_scoped3A = arith.constant 2 : i32
        "tpu.region"() ({
          %run_scoped3A_118 = tpu.sem_alloc : memref<!tpu.dma_semaphore, #tpu.memory_space<semaphore_mem>>
          %dma_start3A = arith.constant 0 : i32
          %dma_start3A_119 = tpu.memref_slice %arg6[%run_scoped3A, %add3A_110, %dma_start3A] : memref<5x100000x8xf32, #tpu.memory_space<hbm>> -> memref<1x250x8xf32, #tpu.memory_space<hbm>>
          %dma_start3A_120 = tpu.memref_squeeze %dma_start3A_119 : memref<1x250x8xf32, #tpu.memory_space<hbm>> -> memref<250x8xf32, #tpu.memory_space<hbm>>
          %dma_start3A_121 = arith.constant 0 : i32
          %dma_start3A_122 = tpu.memref_slice %arg6[%run_scoped3A, %add3A_110, %dma_start3A_121] : memref<5x100000x8xf32, #tpu.memory_space<hbm>> -> memref<1x250x8xf32, #tpu.memory_space<hbm>>
          %dma_start3A_123 = tpu.memref_squeeze %dma_start3A_122 : memref<1x250x8xf32, #tpu.memory_space<hbm>> -> memref<250x8xf32, #tpu.memory_space<hbm>>
          tpu.enqueue_dma source(%arg9 : memref<250x8xf32, #tpu.memory_space<vmem>>) target(%dma_start3A_123 : memref<250x8xf32, #tpu.memory_space<hbm>>) target_semaphore(%run_scoped3A_118 : memref<!tpu.dma_semaphore, #tpu.memory_space<semaphore_mem>>)
          %dma_wait3A = arith.constant 0 : i32
          %dma_wait3A_124 = tpu.memref_slice %arg6[%run_scoped3A, %add3A_110, %dma_wait3A] : memref<5x100000x8xf32, #tpu.memory_space<hbm>> -> memref<1x250x8xf32, #tpu.memory_space<hbm>>
          %dma_wait3A_125 = tpu.memref_squeeze %dma_wait3A_124 : memref<1x250x8xf32, #tpu.memory_space<hbm>> -> memref<250x8xf32, #tpu.memory_space<hbm>>
          %dma_wait3A_126 = arith.constant 0 : i32
          %dma_wait3A_127 = tpu.memref_slice %arg6[%run_scoped3A, %add3A_110, %dma_wait3A_126] : memref<5x100000x8xf32, #tpu.memory_space<hbm>> -> memref<1x250x8xf32, #tpu.memory_space<hbm>>
          %dma_wait3A_128 = tpu.memref_squeeze %dma_wait3A_127 : memref<1x250x8xf32, #tpu.memory_space<hbm>> -> memref<250x8xf32, #tpu.memory_space<hbm>>
          tpu.wait_dma2 semaphore(%run_scoped3A_118 : memref<!tpu.dma_semaphore, #tpu.memory_space<semaphore_mem>>) src(%arg9 : memref<250x8xf32, #tpu.memory_space<vmem>>) dst(%dma_wait3A_128 : memref<250x8xf32, #tpu.memory_space<hbm>>)
          tpu.yield
        }) : () -> ()
      } else {
      }
    }
    %scan3A_62 = arith.constant 25 : i32
    %barrier3A_63 = arith.constant 0 : index
    tpu.barrier barrier_id(%barrier3A_63)
    "tpu.region"() ({
      %run_scoped3A = tpu.sem_alloc : memref<!tpu.dma_semaphore, #tpu.memory_space<semaphore_mem>>
      tpu.enqueue_dma source(%arg4 : memref<250x8xf32, #tpu.memory_space<hbm>>) target(%arg9 : memref<250x8xf32, #tpu.memory_space<vmem>>) target_semaphore(%run_scoped3A : memref<!tpu.dma_semaphore, #tpu.memory_space<semaphore_mem>>)
      tpu.wait_dma2 semaphore(%run_scoped3A : memref<!tpu.dma_semaphore, #tpu.memory_space<semaphore_mem>>) src(%arg4 : memref<250x8xf32, #tpu.memory_space<hbm>>) dst(%arg9 : memref<250x8xf32, #tpu.memory_space<vmem>>)
      tpu.yield
    }) : () -> ()
    %scan3A_64 = arith.constant 0 : i32
    %scan3A_65 = arith.constant 0 : i32
    %scan3A_66 = arith.constant 25 : i32
    %scan3A_67 = arith.addi %scan3A_65, %scan3A_66 : i32
    %scan3A_68 = arith.constant 1 : i32
    scf.for %scan3A_105 = %scan3A_65 to %scan3A_67 step %scan3A_68  : i32 {
      %mul3A_106 = arith.constant 6250 : i32
      %mul3A_107 = arith.muli %arg1, %mul3A_106 : i32
      %mul3A_108 = arith.constant 250 : i32
      %mul3A_109 = arith.muli %scan3A_105, %mul3A_108 : i32
      %add3A_110 = arith.addi %mul3A_107, %mul3A_109 : i32
      "tpu.region"() ({
        %run_scoped3A = tpu.sem_alloc : memref<!tpu.dma_semaphore, #tpu.memory_space<semaphore_mem>>
        %dma_start3A = arith.constant 0 : i32
        %dma_start3A_111 = tpu.memref_slice %arg10[%add3A_110, %dma_start3A] : memref<100000x8xf32, #tpu.memory_space<vmem_shared>> -> memref<250x8xf32, #tpu.memory_space<vmem_shared>>
        %dma_start3A_112 = arith.constant 0 : i32
        %dma_start3A_113 = tpu.memref_slice %arg10[%add3A_110, %dma_start3A_112] : memref<100000x8xf32, #tpu.memory_space<vmem_shared>> -> memref<250x8xf32, #tpu.memory_space<vmem_shared>>
        tpu.enqueue_dma source(%arg9 : memref<250x8xf32, #tpu.memory_space<vmem>>) target(%dma_start3A_113 : memref<250x8xf32, #tpu.memory_space<vmem_shared>>) target_semaphore(%run_scoped3A : memref<!tpu.dma_semaphore, #tpu.memory_space<semaphore_mem>>)
        %dma_wait3A = arith.constant 0 : i32
        %dma_wait3A_114 = tpu.memref_slice %arg10[%add3A_110, %dma_wait3A] : memref<100000x8xf32, #tpu.memory_space<vmem_shared>> -> memref<250x8xf32, #tpu.memory_space<vmem_shared>>
        %dma_wait3A_115 = arith.constant 0 : i32
        %dma_wait3A_116 = tpu.memref_slice %arg10[%add3A_110, %dma_wait3A_115] : memref<100000x8xf32, #tpu.memory_space<vmem_shared>> -> memref<250x8xf32, #tpu.memory_space<vmem_shared>>
        tpu.wait_dma2 semaphore(%run_scoped3A : memref<!tpu.dma_semaphore, #tpu.memory_space<semaphore_mem>>) src(%arg9 : memref<250x8xf32, #tpu.memory_space<vmem>>) dst(%dma_wait3A_116 : memref<250x8xf32, #tpu.memory_space<vmem_shared>>)
        tpu.yield
      }) : () -> ()
    }
    %scan3A_69 = arith.constant 25 : i32
    %barrier3A_70 = arith.constant 0 : index
    tpu.barrier barrier_id(%barrier3A_70)
    %scan3A_71 = arith.constant 0 : i32
    %scan3A_72 = arith.constant 0 : i32
    %scan3A_73 = arith.constant 25 : i32
    %scan3A_74 = arith.addi %scan3A_72, %scan3A_73 : i32
    %scan3A_75 = arith.constant 1 : i32
    scf.for %scan3A_105 = %scan3A_72 to %scan3A_74 step %scan3A_75  : i32 {
      %mul3A_106 = arith.constant 2000 : i32
      %mul3A_107 = arith.muli %scan3A_105, %mul3A_106 : i32
      %add3A_108 = arith.addi %add3A, %mul3A_107 : i32
      "tpu.region"() ({
        %run_scoped3A_109 = tpu.sem_alloc : memref<!tpu.dma_semaphore, #tpu.memory_space<semaphore_mem>>
        %dma_start3A = tpu.memref_slice %arg3[%add3A_108] : memref<1600000xi32, #tpu.memory_space<hbm>> -> memref<2000xi32, #tpu.memory_space<hbm>>
        %dma_start3A_110 = tpu.memref_slice %arg3[%add3A_108] : memref<1600000xi32, #tpu.memory_space<hbm>> -> memref<2000xi32, #tpu.memory_space<hbm>>
        tpu.enqueue_dma source(%dma_start3A_110 : memref<2000xi32, #tpu.memory_space<hbm>>) target(%arg7 : memref<2000xi32, #tpu.memory_space<vmem>>) target_semaphore(%run_scoped3A_109 : memref<!tpu.dma_semaphore, #tpu.memory_space<semaphore_mem>>)
        %dma_wait3A = tpu.memref_slice %arg3[%add3A_108] : memref<1600000xi32, #tpu.memory_space<hbm>> -> memref<2000xi32, #tpu.memory_space<hbm>>
        %dma_wait3A_111 = tpu.memref_slice %arg3[%add3A_108] : memref<1600000xi32, #tpu.memory_space<hbm>> -> memref<2000xi32, #tpu.memory_space<hbm>>
        tpu.wait_dma2 semaphore(%run_scoped3A_109 : memref<!tpu.dma_semaphore, #tpu.memory_space<semaphore_mem>>) src(%dma_wait3A_111 : memref<2000xi32, #tpu.memory_space<hbm>>) dst(%arg7 : memref<2000xi32, #tpu.memory_space<vmem>>)
        tpu.yield
      }) : () -> ()
      %run_scoped3A = arith.constant 3 : i32
      "tpu.region"() ({
        %run_scoped3A_109 = tpu.sem_alloc : memref<!tpu.dma_semaphore, #tpu.memory_space<semaphore_mem>>
        %dma_start3A = arith.constant 0 : i32
        %dma_start3A_110 = tpu.memref_slice %arg2[%run_scoped3A, %add3A_108, %dma_start3A] : memref<5x1600000x8xf32, #tpu.memory_space<hbm>> -> memref<1x2000x8xf32, #tpu.memory_space<hbm>>
        %dma_start3A_111 = tpu.memref_squeeze %dma_start3A_110 : memref<1x2000x8xf32, #tpu.memory_space<hbm>> -> memref<2000x8xf32, #tpu.memory_space<hbm>>
        %dma_start3A_112 = arith.constant 0 : i32
        %dma_start3A_113 = tpu.memref_slice %arg2[%run_scoped3A, %add3A_108, %dma_start3A_112] : memref<5x1600000x8xf32, #tpu.memory_space<hbm>> -> memref<1x2000x8xf32, #tpu.memory_space<hbm>>
        %dma_start3A_114 = tpu.memref_squeeze %dma_start3A_113 : memref<1x2000x8xf32, #tpu.memory_space<hbm>> -> memref<2000x8xf32, #tpu.memory_space<hbm>>
        tpu.enqueue_dma source(%dma_start3A_114 : memref<2000x8xf32, #tpu.memory_space<hbm>>) target(%arg8 : memref<2000x8xf32, #tpu.memory_space<vmem>>) target_semaphore(%run_scoped3A_109 : memref<!tpu.dma_semaphore, #tpu.memory_space<semaphore_mem>>)
        %dma_wait3A = arith.constant 0 : i32
        %dma_wait3A_115 = tpu.memref_slice %arg2[%run_scoped3A, %add3A_108, %dma_wait3A] : memref<5x1600000x8xf32, #tpu.memory_space<hbm>> -> memref<1x2000x8xf32, #tpu.memory_space<hbm>>
        %dma_wait3A_116 = tpu.memref_squeeze %dma_wait3A_115 : memref<1x2000x8xf32, #tpu.memory_space<hbm>> -> memref<2000x8xf32, #tpu.memory_space<hbm>>
        %dma_wait3A_117 = arith.constant 0 : i32
        %dma_wait3A_118 = tpu.memref_slice %arg2[%run_scoped3A, %add3A_108, %dma_wait3A_117] : memref<5x1600000x8xf32, #tpu.memory_space<hbm>> -> memref<1x2000x8xf32, #tpu.memory_space<hbm>>
        %dma_wait3A_119 = tpu.memref_squeeze %dma_wait3A_118 : memref<1x2000x8xf32, #tpu.memory_space<hbm>> -> memref<2000x8xf32, #tpu.memory_space<hbm>>
        tpu.wait_dma2 semaphore(%run_scoped3A_109 : memref<!tpu.dma_semaphore, #tpu.memory_space<semaphore_mem>>) src(%dma_wait3A_119 : memref<2000x8xf32, #tpu.memory_space<hbm>>) dst(%arg8 : memref<2000x8xf32, #tpu.memory_space<vmem>>)
        tpu.yield
      }) : () -> ()
      "tpu.region"() ({
        %run_scoped3A_109 = tpu.sem_alloc : memref<!tpu.dma_semaphore, #tpu.memory_space<semaphore_mem>>
        %dma_start3A = arith.constant 0 : i32
        %dma_start3A_110 = arith.constant 0 : i32
        %dma_start3A_111 = tpu.memref_slice %arg10[%dma_start3A, %dma_start3A_110] : memref<100000x8xf32, #tpu.memory_space<vmem_shared>> -> memref<100000x8xf32, #tpu.memory_space<vmem_shared>>
        tpu.enqueue_indirect_dma source(%arg8 : memref<2000x8xf32, #tpu.memory_space<vmem>>) target(%dma_start3A_111 : memref<100000x8xf32, #tpu.memory_space<vmem_shared>>) offsets(%arg7 : memref<2000xi32, #tpu.memory_space<vmem>>) semaphore(%run_scoped3A_109 : memref<!tpu.dma_semaphore, #tpu.memory_space<semaphore_mem>>) {add = true}
        %dma_wait3A = arith.constant 0 : i32
        %dma_wait3A_112 = arith.constant 0 : i32
        %dma_wait3A_113 = tpu.memref_slice %arg10[%dma_wait3A, %dma_wait3A_112] : memref<100000x8xf32, #tpu.memory_space<vmem_shared>> -> memref<100000x8xf32, #tpu.memory_space<vmem_shared>>
        tpu.wait_indirect_dma semaphore(%run_scoped3A_109 : memref<!tpu.dma_semaphore, #tpu.memory_space<semaphore_mem>>) src(%arg8 : memref<2000x8xf32, #tpu.memory_space<vmem>>) dst(%dma_wait3A_113 : memref<100000x8xf32, #tpu.memory_space<vmem_shared>>)
        tpu.yield
      }) : () -> ()
    }
    %scan3A_76 = arith.constant 25 : i32
    %barrier3A_77 = arith.constant 0 : index
    tpu.barrier barrier_id(%barrier3A_77)
    %scan3A_78 = arith.constant 0 : i32
    %scan3A_79 = arith.constant 0 : i32
    %scan3A_80 = arith.constant 25 : i32
    %scan3A_81 = arith.addi %scan3A_79, %scan3A_80 : i32
    %scan3A_82 = arith.constant 1 : i32
    scf.for %scan3A_105 = %scan3A_79 to %scan3A_81 step %scan3A_82  : i32 {
      %mul3A_106 = arith.constant 6250 : i32
      %mul3A_107 = arith.muli %arg1, %mul3A_106 : i32
      %mul3A_108 = arith.constant 250 : i32
      %mul3A_109 = arith.muli %scan3A_105, %mul3A_108 : i32
      %add3A_110 = arith.addi %mul3A_107, %mul3A_109 : i32
      "tpu.region"() ({
        %run_scoped3A = tpu.sem_alloc : memref<!tpu.dma_semaphore, #tpu.memory_space<semaphore_mem>>
        %dma_start3A = arith.constant 0 : i32
        %dma_start3A_118 = tpu.memref_slice %arg10[%add3A_110, %dma_start3A] : memref<100000x8xf32, #tpu.memory_space<vmem_shared>> -> memref<250x8xf32, #tpu.memory_space<vmem_shared>>
        %dma_start3A_119 = arith.constant 0 : i32
        %dma_start3A_120 = tpu.memref_slice %arg10[%add3A_110, %dma_start3A_119] : memref<100000x8xf32, #tpu.memory_space<vmem_shared>> -> memref<250x8xf32, #tpu.memory_space<vmem_shared>>
        tpu.enqueue_dma source(%dma_start3A_120 : memref<250x8xf32, #tpu.memory_space<vmem_shared>>) target(%arg9 : memref<250x8xf32, #tpu.memory_space<vmem>>) target_semaphore(%run_scoped3A : memref<!tpu.dma_semaphore, #tpu.memory_space<semaphore_mem>>)
        %dma_wait3A = arith.constant 0 : i32
        %dma_wait3A_121 = tpu.memref_slice %arg10[%add3A_110, %dma_wait3A] : memref<100000x8xf32, #tpu.memory_space<vmem_shared>> -> memref<250x8xf32, #tpu.memory_space<vmem_shared>>
        %dma_wait3A_122 = arith.constant 0 : i32
        %dma_wait3A_123 = tpu.memref_slice %arg10[%add3A_110, %dma_wait3A_122] : memref<100000x8xf32, #tpu.memory_space<vmem_shared>> -> memref<250x8xf32, #tpu.memory_space<vmem_shared>>
        tpu.wait_dma2 semaphore(%run_scoped3A : memref<!tpu.dma_semaphore, #tpu.memory_space<semaphore_mem>>) src(%dma_wait3A_123 : memref<250x8xf32, #tpu.memory_space<vmem_shared>>) dst(%arg9 : memref<250x8xf32, #tpu.memory_space<vmem>>)
        tpu.yield
      }) : () -> ()
      %eq3A = arith.constant 0 : i32
      %eq3A_111 = arith.cmpi eq, %arg0, %eq3A : i32
      %convert_element_type3A = arith.extui %eq3A_111 : i1 to i32
      %cond3A = arith.constant 0 : i32
      %cond3A_112 = arith.cmpi ne, %convert_element_type3A, %cond3A : i32
      scf.if %cond3A_112 {
        %run_scoped3A = arith.constant 3 : i32
        "tpu.region"() ({
          %run_scoped3A_118 = tpu.sem_alloc : memref<!tpu.dma_semaphore, #tpu.memory_space<semaphore_mem>>
          %dma_start3A = arith.constant 0 : i32
          %dma_start3A_119 = tpu.memref_slice %arg5[%run_scoped3A, %add3A_110, %dma_start3A] : memref<5x100000x8xf32, #tpu.memory_space<hbm>> -> memref<1x250x8xf32, #tpu.memory_space<hbm>>
          %dma_start3A_120 = tpu.memref_squeeze %dma_start3A_119 : memref<1x250x8xf32, #tpu.memory_space<hbm>> -> memref<250x8xf32, #tpu.memory_space<hbm>>
          %dma_start3A_121 = arith.constant 0 : i32
          %dma_start3A_122 = tpu.memref_slice %arg5[%run_scoped3A, %add3A_110, %dma_start3A_121] : memref<5x100000x8xf32, #tpu.memory_space<hbm>> -> memref<1x250x8xf32, #tpu.memory_space<hbm>>
          %dma_start3A_123 = tpu.memref_squeeze %dma_start3A_122 : memref<1x250x8xf32, #tpu.memory_space<hbm>> -> memref<250x8xf32, #tpu.memory_space<hbm>>
          tpu.enqueue_dma source(%arg9 : memref<250x8xf32, #tpu.memory_space<vmem>>) target(%dma_start3A_123 : memref<250x8xf32, #tpu.memory_space<hbm>>) target_semaphore(%run_scoped3A_118 : memref<!tpu.dma_semaphore, #tpu.memory_space<semaphore_mem>>)
          %dma_wait3A = arith.constant 0 : i32
          %dma_wait3A_124 = tpu.memref_slice %arg5[%run_scoped3A, %add3A_110, %dma_wait3A] : memref<5x100000x8xf32, #tpu.memory_space<hbm>> -> memref<1x250x8xf32, #tpu.memory_space<hbm>>
          %dma_wait3A_125 = tpu.memref_squeeze %dma_wait3A_124 : memref<1x250x8xf32, #tpu.memory_space<hbm>> -> memref<250x8xf32, #tpu.memory_space<hbm>>
          %dma_wait3A_126 = arith.constant 0 : i32
          %dma_wait3A_127 = tpu.memref_slice %arg5[%run_scoped3A, %add3A_110, %dma_wait3A_126] : memref<5x100000x8xf32, #tpu.memory_space<hbm>> -> memref<1x250x8xf32, #tpu.memory_space<hbm>>
          %dma_wait3A_128 = tpu.memref_squeeze %dma_wait3A_127 : memref<1x250x8xf32, #tpu.memory_space<hbm>> -> memref<250x8xf32, #tpu.memory_space<hbm>>
          tpu.wait_dma2 semaphore(%run_scoped3A_118 : memref<!tpu.dma_semaphore, #tpu.memory_space<semaphore_mem>>) src(%arg9 : memref<250x8xf32, #tpu.memory_space<vmem>>) dst(%dma_wait3A_128 : memref<250x8xf32, #tpu.memory_space<hbm>>)
          tpu.yield
        }) : () -> ()
      } else {
      }
      %eq3A_113 = arith.constant 1 : i32
      %eq3A_114 = arith.cmpi eq, %arg0, %eq3A_113 : i32
      %convert_element_type3A_115 = arith.extui %eq3A_114 : i1 to i32
      %cond3A_116 = arith.constant 0 : i32
      %cond3A_117 = arith.cmpi ne, %convert_element_type3A_115, %cond3A_116 : i32
      scf.if %cond3A_117 {
        %run_scoped3A = arith.constant 3 : i32
        "tpu.region"() ({
          %run_scoped3A_118 = tpu.sem_alloc : memref<!tpu.dma_semaphore, #tpu.memory_space<semaphore_mem>>
          %dma_start3A = arith.constant 0 : i32
          %dma_start3A_119 = tpu.memref_slice %arg6[%run_scoped3A, %add3A_110, %dma_start3A] : memref<5x100000x8xf32, #tpu.memory_space<hbm>> -> memref<1x250x8xf32, #tpu.memory_space<hbm>>
          %dma_start3A_120 = tpu.memref_squeeze %dma_start3A_119 : memref<1x250x8xf32, #tpu.memory_space<hbm>> -> memref<250x8xf32, #tpu.memory_space<hbm>>
          %dma_start3A_121 = arith.constant 0 : i32
          %dma_start3A_122 = tpu.memref_slice %arg6[%run_scoped3A, %add3A_110, %dma_start3A_121] : memref<5x100000x8xf32, #tpu.memory_space<hbm>> -> memref<1x250x8xf32, #tpu.memory_space<hbm>>
          %dma_start3A_123 = tpu.memref_squeeze %dma_start3A_122 : memref<1x250x8xf32, #tpu.memory_space<hbm>> -> memref<250x8xf32, #tpu.memory_space<hbm>>
          tpu.enqueue_dma source(%arg9 : memref<250x8xf32, #tpu.memory_space<vmem>>) target(%dma_start3A_123 : memref<250x8xf32, #tpu.memory_space<hbm>>) target_semaphore(%run_scoped3A_118 : memref<!tpu.dma_semaphore, #tpu.memory_space<semaphore_mem>>)
          %dma_wait3A = arith.constant 0 : i32
          %dma_wait3A_124 = tpu.memref_slice %arg6[%run_scoped3A, %add3A_110, %dma_wait3A] : memref<5x100000x8xf32, #tpu.memory_space<hbm>> -> memref<1x250x8xf32, #tpu.memory_space<hbm>>
          %dma_wait3A_125 = tpu.memref_squeeze %dma_wait3A_124 : memref<1x250x8xf32, #tpu.memory_space<hbm>> -> memref<250x8xf32, #tpu.memory_space<hbm>>
          %dma_wait3A_126 = arith.constant 0 : i32
          %dma_wait3A_127 = tpu.memref_slice %arg6[%run_scoped3A, %add3A_110, %dma_wait3A_126] : memref<5x100000x8xf32, #tpu.memory_space<hbm>> -> memref<1x250x8xf32, #tpu.memory_space<hbm>>
          %dma_wait3A_128 = tpu.memref_squeeze %dma_wait3A_127 : memref<1x250x8xf32, #tpu.memory_space<hbm>> -> memref<250x8xf32, #tpu.memory_space<hbm>>
          tpu.wait_dma2 semaphore(%run_scoped3A_118 : memref<!tpu.dma_semaphore, #tpu.memory_space<semaphore_mem>>) src(%arg9 : memref<250x8xf32, #tpu.memory_space<vmem>>) dst(%dma_wait3A_128 : memref<250x8xf32, #tpu.memory_space<hbm>>)
          tpu.yield
        }) : () -> ()
      } else {
      }
    }
    %scan3A_83 = arith.constant 25 : i32
    %barrier3A_84 = arith.constant 0 : index
    tpu.barrier barrier_id(%barrier3A_84)
    "tpu.region"() ({
      %run_scoped3A = tpu.sem_alloc : memref<!tpu.dma_semaphore, #tpu.memory_space<semaphore_mem>>
      tpu.enqueue_dma source(%arg4 : memref<250x8xf32, #tpu.memory_space<hbm>>) target(%arg9 : memref<250x8xf32, #tpu.memory_space<vmem>>) target_semaphore(%run_scoped3A : memref<!tpu.dma_semaphore, #tpu.memory_space<semaphore_mem>>)
      tpu.wait_dma2 semaphore(%run_scoped3A : memref<!tpu.dma_semaphore, #tpu.memory_space<semaphore_mem>>) src(%arg4 : memref<250x8xf32, #tpu.memory_space<hbm>>) dst(%arg9 : memref<250x8xf32, #tpu.memory_space<vmem>>)
      tpu.yield
    }) : () -> ()
    %scan3A_85 = arith.constant 0 : i32
    %scan3A_86 = arith.constant 0 : i32
    %scan3A_87 = arith.constant 25 : i32
    %scan3A_88 = arith.addi %scan3A_86, %scan3A_87 : i32
    %scan3A_89 = arith.constant 1 : i32
    scf.for %scan3A_105 = %scan3A_86 to %scan3A_88 step %scan3A_89  : i32 {
      %mul3A_106 = arith.constant 6250 : i32
      %mul3A_107 = arith.muli %arg1, %mul3A_106 : i32
      %mul3A_108 = arith.constant 250 : i32
      %mul3A_109 = arith.muli %scan3A_105, %mul3A_108 : i32
      %add3A_110 = arith.addi %mul3A_107, %mul3A_109 : i32
      "tpu.region"() ({
        %run_scoped3A = tpu.sem_alloc : memref<!tpu.dma_semaphore, #tpu.memory_space<semaphore_mem>>
        %dma_start3A = arith.constant 0 : i32
        %dma_start3A_111 = tpu.memref_slice %arg10[%add3A_110, %dma_start3A] : memref<100000x8xf32, #tpu.memory_space<vmem_shared>> -> memref<250x8xf32, #tpu.memory_space<vmem_shared>>
        %dma_start3A_112 = arith.constant 0 : i32
        %dma_start3A_113 = tpu.memref_slice %arg10[%add3A_110, %dma_start3A_112] : memref<100000x8xf32, #tpu.memory_space<vmem_shared>> -> memref<250x8xf32, #tpu.memory_space<vmem_shared>>
        tpu.enqueue_dma source(%arg9 : memref<250x8xf32, #tpu.memory_space<vmem>>) target(%dma_start3A_113 : memref<250x8xf32, #tpu.memory_space<vmem_shared>>) target_semaphore(%run_scoped3A : memref<!tpu.dma_semaphore, #tpu.memory_space<semaphore_mem>>)
        %dma_wait3A = arith.constant 0 : i32
        %dma_wait3A_114 = tpu.memref_slice %arg10[%add3A_110, %dma_wait3A] : memref<100000x8xf32, #tpu.memory_space<vmem_shared>> -> memref<250x8xf32, #tpu.memory_space<vmem_shared>>
        %dma_wait3A_115 = arith.constant 0 : i32
        %dma_wait3A_116 = tpu.memref_slice %arg10[%add3A_110, %dma_wait3A_115] : memref<100000x8xf32, #tpu.memory_space<vmem_shared>> -> memref<250x8xf32, #tpu.memory_space<vmem_shared>>
        tpu.wait_dma2 semaphore(%run_scoped3A : memref<!tpu.dma_semaphore, #tpu.memory_space<semaphore_mem>>) src(%arg9 : memref<250x8xf32, #tpu.memory_space<vmem>>) dst(%dma_wait3A_116 : memref<250x8xf32, #tpu.memory_space<vmem_shared>>)
        tpu.yield
      }) : () -> ()
    }
    %scan3A_90 = arith.constant 25 : i32
    %barrier3A_91 = arith.constant 0 : index
    tpu.barrier barrier_id(%barrier3A_91)
    %scan3A_92 = arith.constant 0 : i32
    %scan3A_93 = arith.constant 0 : i32
    %scan3A_94 = arith.constant 25 : i32
    %scan3A_95 = arith.addi %scan3A_93, %scan3A_94 : i32
    %scan3A_96 = arith.constant 1 : i32
    scf.for %scan3A_105 = %scan3A_93 to %scan3A_95 step %scan3A_96  : i32 {
      %mul3A_106 = arith.constant 2000 : i32
      %mul3A_107 = arith.muli %scan3A_105, %mul3A_106 : i32
      %add3A_108 = arith.addi %add3A, %mul3A_107 : i32
      "tpu.region"() ({
        %run_scoped3A_109 = tpu.sem_alloc : memref<!tpu.dma_semaphore, #tpu.memory_space<semaphore_mem>>
        %dma_start3A = tpu.memref_slice %arg3[%add3A_108] : memref<1600000xi32, #tpu.memory_space<hbm>> -> memref<2000xi32, #tpu.memory_space<hbm>>
        %dma_start3A_110 = tpu.memref_slice %arg3[%add3A_108] : memref<1600000xi32, #tpu.memory_space<hbm>> -> memref<2000xi32, #tpu.memory_space<hbm>>
        tpu.enqueue_dma source(%dma_start3A_110 : memref<2000xi32, #tpu.memory_space<hbm>>) target(%arg7 : memref<2000xi32, #tpu.memory_space<vmem>>) target_semaphore(%run_scoped3A_109 : memref<!tpu.dma_semaphore, #tpu.memory_space<semaphore_mem>>)
        %dma_wait3A = tpu.memref_slice %arg3[%add3A_108] : memref<1600000xi32, #tpu.memory_space<hbm>> -> memref<2000xi32, #tpu.memory_space<hbm>>
        %dma_wait3A_111 = tpu.memref_slice %arg3[%add3A_108] : memref<1600000xi32, #tpu.memory_space<hbm>> -> memref<2000xi32, #tpu.memory_space<hbm>>
        tpu.wait_dma2 semaphore(%run_scoped3A_109 : memref<!tpu.dma_semaphore, #tpu.memory_space<semaphore_mem>>) src(%dma_wait3A_111 : memref<2000xi32, #tpu.memory_space<hbm>>) dst(%arg7 : memref<2000xi32, #tpu.memory_space<vmem>>)
        tpu.yield
      }) : () -> ()
      %run_scoped3A = arith.constant 4 : i32
      "tpu.region"() ({
        %run_scoped3A_109 = tpu.sem_alloc : memref<!tpu.dma_semaphore, #tpu.memory_space<semaphore_mem>>
        %dma_start3A = arith.constant 0 : i32
        %dma_start3A_110 = tpu.memref_slice %arg2[%run_scoped3A, %add3A_108, %dma_start3A] : memref<5x1600000x8xf32, #tpu.memory_space<hbm>> -> memref<1x2000x8xf32, #tpu.memory_space<hbm>>
        %dma_start3A_111 = tpu.memref_squeeze %dma_start3A_110 : memref<1x2000x8xf32, #tpu.memory_space<hbm>> -> memref<2000x8xf32, #tpu.memory_space<hbm>>
        %dma_start3A_112 = arith.constant 0 : i32
        %dma_start3A_113 = tpu.memref_slice %arg2[%run_scoped3A, %add3A_108, %dma_start3A_112] : memref<5x1600000x8xf32, #tpu.memory_space<hbm>> -> memref<1x2000x8xf32, #tpu.memory_space<hbm>>
        %dma_start3A_114 = tpu.memref_squeeze %dma_start3A_113 : memref<1x2000x8xf32, #tpu.memory_space<hbm>> -> memref<2000x8xf32, #tpu.memory_space<hbm>>
        tpu.enqueue_dma source(%dma_start3A_114 : memref<2000x8xf32, #tpu.memory_space<hbm>>) target(%arg8 : memref<2000x8xf32, #tpu.memory_space<vmem>>) target_semaphore(%run_scoped3A_109 : memref<!tpu.dma_semaphore, #tpu.memory_space<semaphore_mem>>)
        %dma_wait3A = arith.constant 0 : i32
        %dma_wait3A_115 = tpu.memref_slice %arg2[%run_scoped3A, %add3A_108, %dma_wait3A] : memref<5x1600000x8xf32, #tpu.memory_space<hbm>> -> memref<1x2000x8xf32, #tpu.memory_space<hbm>>
        %dma_wait3A_116 = tpu.memref_squeeze %dma_wait3A_115 : memref<1x2000x8xf32, #tpu.memory_space<hbm>> -> memref<2000x8xf32, #tpu.memory_space<hbm>>
        %dma_wait3A_117 = arith.constant 0 : i32
        %dma_wait3A_118 = tpu.memref_slice %arg2[%run_scoped3A, %add3A_108, %dma_wait3A_117] : memref<5x1600000x8xf32, #tpu.memory_space<hbm>> -> memref<1x2000x8xf32, #tpu.memory_space<hbm>>
        %dma_wait3A_119 = tpu.memref_squeeze %dma_wait3A_118 : memref<1x2000x8xf32, #tpu.memory_space<hbm>> -> memref<2000x8xf32, #tpu.memory_space<hbm>>
        tpu.wait_dma2 semaphore(%run_scoped3A_109 : memref<!tpu.dma_semaphore, #tpu.memory_space<semaphore_mem>>) src(%dma_wait3A_119 : memref<2000x8xf32, #tpu.memory_space<hbm>>) dst(%arg8 : memref<2000x8xf32, #tpu.memory_space<vmem>>)
        tpu.yield
      }) : () -> ()
      "tpu.region"() ({
        %run_scoped3A_109 = tpu.sem_alloc : memref<!tpu.dma_semaphore, #tpu.memory_space<semaphore_mem>>
        %dma_start3A = arith.constant 0 : i32
        %dma_start3A_110 = arith.constant 0 : i32
        %dma_start3A_111 = tpu.memref_slice %arg10[%dma_start3A, %dma_start3A_110] : memref<100000x8xf32, #tpu.memory_space<vmem_shared>> -> memref<100000x8xf32, #tpu.memory_space<vmem_shared>>
        tpu.enqueue_indirect_dma source(%arg8 : memref<2000x8xf32, #tpu.memory_space<vmem>>) target(%dma_start3A_111 : memref<100000x8xf32, #tpu.memory_space<vmem_shared>>) offsets(%arg7 : memref<2000xi32, #tpu.memory_space<vmem>>) semaphore(%run_scoped3A_109 : memref<!tpu.dma_semaphore, #tpu.memory_space<semaphore_mem>>) {add = true}
        %dma_wait3A = arith.constant 0 : i32
        %dma_wait3A_112 = arith.constant 0 : i32
        %dma_wait3A_113 = tpu.memref_slice %arg10[%dma_wait3A, %dma_wait3A_112] : memref<100000x8xf32, #tpu.memory_space<vmem_shared>> -> memref<100000x8xf32, #tpu.memory_space<vmem_shared>>
        tpu.wait_indirect_dma semaphore(%run_scoped3A_109 : memref<!tpu.dma_semaphore, #tpu.memory_space<semaphore_mem>>) src(%arg8 : memref<2000x8xf32, #tpu.memory_space<vmem>>) dst(%dma_wait3A_113 : memref<100000x8xf32, #tpu.memory_space<vmem_shared>>)
        tpu.yield
      }) : () -> ()
    }
    %scan3A_97 = arith.constant 25 : i32
    %barrier3A_98 = arith.constant 0 : index
    tpu.barrier barrier_id(%barrier3A_98)
    %scan3A_99 = arith.constant 0 : i32
    %scan3A_100 = arith.constant 0 : i32
    %scan3A_101 = arith.constant 25 : i32
    %scan3A_102 = arith.addi %scan3A_100, %scan3A_101 : i32
    %scan3A_103 = arith.constant 1 : i32
    scf.for %scan3A_105 = %scan3A_100 to %scan3A_102 step %scan3A_103  : i32 {
      %mul3A_106 = arith.constant 6250 : i32
      %mul3A_107 = arith.muli %arg1, %mul3A_106 : i32
      %mul3A_108 = arith.constant 250 : i32
      %mul3A_109 = arith.muli %scan3A_105, %mul3A_108 : i32
      %add3A_110 = arith.addi %mul3A_107, %mul3A_109 : i32
      "tpu.region"() ({
        %run_scoped3A = tpu.sem_alloc : memref<!tpu.dma_semaphore, #tpu.memory_space<semaphore_mem>>
        %dma_start3A = arith.constant 0 : i32
        %dma_start3A_118 = tpu.memref_slice %arg10[%add3A_110, %dma_start3A] : memref<100000x8xf32, #tpu.memory_space<vmem_shared>> -> memref<250x8xf32, #tpu.memory_space<vmem_shared>>
        %dma_start3A_119 = arith.constant 0 : i32
        %dma_start3A_120 = tpu.memref_slice %arg10[%add3A_110, %dma_start3A_119] : memref<100000x8xf32, #tpu.memory_space<vmem_shared>> -> memref<250x8xf32, #tpu.memory_space<vmem_shared>>
        tpu.enqueue_dma source(%dma_start3A_120 : memref<250x8xf32, #tpu.memory_space<vmem_shared>>) target(%arg9 : memref<250x8xf32, #tpu.memory_space<vmem>>) target_semaphore(%run_scoped3A : memref<!tpu.dma_semaphore, #tpu.memory_space<semaphore_mem>>)
        %dma_wait3A = arith.constant 0 : i32
        %dma_wait3A_121 = tpu.memref_slice %arg10[%add3A_110, %dma_wait3A] : memref<100000x8xf32, #tpu.memory_space<vmem_shared>> -> memref<250x8xf32, #tpu.memory_space<vmem_shared>>
        %dma_wait3A_122 = arith.constant 0 : i32
        %dma_wait3A_123 = tpu.memref_slice %arg10[%add3A_110, %dma_wait3A_122] : memref<100000x8xf32, #tpu.memory_space<vmem_shared>> -> memref<250x8xf32, #tpu.memory_space<vmem_shared>>
        tpu.wait_dma2 semaphore(%run_scoped3A : memref<!tpu.dma_semaphore, #tpu.memory_space<semaphore_mem>>) src(%dma_wait3A_123 : memref<250x8xf32, #tpu.memory_space<vmem_shared>>) dst(%arg9 : memref<250x8xf32, #tpu.memory_space<vmem>>)
        tpu.yield
      }) : () -> ()
      %eq3A = arith.constant 0 : i32
      %eq3A_111 = arith.cmpi eq, %arg0, %eq3A : i32
      %convert_element_type3A = arith.extui %eq3A_111 : i1 to i32
      %cond3A = arith.constant 0 : i32
      %cond3A_112 = arith.cmpi ne, %convert_element_type3A, %cond3A : i32
      scf.if %cond3A_112 {
        %run_scoped3A = arith.constant 4 : i32
        "tpu.region"() ({
          %run_scoped3A_118 = tpu.sem_alloc : memref<!tpu.dma_semaphore, #tpu.memory_space<semaphore_mem>>
          %dma_start3A = arith.constant 0 : i32
          %dma_start3A_119 = tpu.memref_slice %arg5[%run_scoped3A, %add3A_110, %dma_start3A] : memref<5x100000x8xf32, #tpu.memory_space<hbm>> -> memref<1x250x8xf32, #tpu.memory_space<hbm>>
          %dma_start3A_120 = tpu.memref_squeeze %dma_start3A_119 : memref<1x250x8xf32, #tpu.memory_space<hbm>> -> memref<250x8xf32, #tpu.memory_space<hbm>>
          %dma_start3A_121 = arith.constant 0 : i32
          %dma_start3A_122 = tpu.memref_slice %arg5[%run_scoped3A, %add3A_110, %dma_start3A_121] : memref<5x100000x8xf32, #tpu.memory_space<hbm>> -> memref<1x250x8xf32, #tpu.memory_space<hbm>>
          %dma_start3A_123 = tpu.memref_squeeze %dma_start3A_122 : memref<1x250x8xf32, #tpu.memory_space<hbm>> -> memref<250x8xf32, #tpu.memory_space<hbm>>
          tpu.enqueue_dma source(%arg9 : memref<250x8xf32, #tpu.memory_space<vmem>>) target(%dma_start3A_123 : memref<250x8xf32, #tpu.memory_space<hbm>>) target_semaphore(%run_scoped3A_118 : memref<!tpu.dma_semaphore, #tpu.memory_space<semaphore_mem>>)
          %dma_wait3A = arith.constant 0 : i32
          %dma_wait3A_124 = tpu.memref_slice %arg5[%run_scoped3A, %add3A_110, %dma_wait3A] : memref<5x100000x8xf32, #tpu.memory_space<hbm>> -> memref<1x250x8xf32, #tpu.memory_space<hbm>>
          %dma_wait3A_125 = tpu.memref_squeeze %dma_wait3A_124 : memref<1x250x8xf32, #tpu.memory_space<hbm>> -> memref<250x8xf32, #tpu.memory_space<hbm>>
          %dma_wait3A_126 = arith.constant 0 : i32
          %dma_wait3A_127 = tpu.memref_slice %arg5[%run_scoped3A, %add3A_110, %dma_wait3A_126] : memref<5x100000x8xf32, #tpu.memory_space<hbm>> -> memref<1x250x8xf32, #tpu.memory_space<hbm>>
          %dma_wait3A_128 = tpu.memref_squeeze %dma_wait3A_127 : memref<1x250x8xf32, #tpu.memory_space<hbm>> -> memref<250x8xf32, #tpu.memory_space<hbm>>
          tpu.wait_dma2 semaphore(%run_scoped3A_118 : memref<!tpu.dma_semaphore, #tpu.memory_space<semaphore_mem>>) src(%arg9 : memref<250x8xf32, #tpu.memory_space<vmem>>) dst(%dma_wait3A_128 : memref<250x8xf32, #tpu.memory_space<hbm>>)
          tpu.yield
        }) : () -> ()
      } else {
      }
      %eq3A_113 = arith.constant 1 : i32
      %eq3A_114 = arith.cmpi eq, %arg0, %eq3A_113 : i32
      %convert_element_type3A_115 = arith.extui %eq3A_114 : i1 to i32
      %cond3A_116 = arith.constant 0 : i32
      %cond3A_117 = arith.cmpi ne, %convert_element_type3A_115, %cond3A_116 : i32
      scf.if %cond3A_117 {
        %run_scoped3A = arith.constant 4 : i32
        "tpu.region"() ({
          %run_scoped3A_118 = tpu.sem_alloc : memref<!tpu.dma_semaphore, #tpu.memory_space<semaphore_mem>>
          %dma_start3A = arith.constant 0 : i32
          %dma_start3A_119 = tpu.memref_slice %arg6[%run_scoped3A, %add3A_110, %dma_start3A] : memref<5x100000x8xf32, #tpu.memory_space<hbm>> -> memref<1x250x8xf32, #tpu.memory_space<hbm>>
          %dma_start3A_120 = tpu.memref_squeeze %dma_start3A_119 : memref<1x250x8xf32, #tpu.memory_space<hbm>> -> memref<250x8xf32, #tpu.memory_space<hbm>>
          %dma_start3A_121 = arith.constant 0 : i32
          %dma_start3A_122 = tpu.memref_slice %arg6[%run_scoped3A, %add3A_110, %dma_start3A_121] : memref<5x100000x8xf32, #tpu.memory_space<hbm>> -> memref<1x250x8xf32, #tpu.memory_space<hbm>>
          %dma_start3A_123 = tpu.memref_squeeze %dma_start3A_122 : memref<1x250x8xf32, #tpu.memory_space<hbm>> -> memref<250x8xf32, #tpu.memory_space<hbm>>
          tpu.enqueue_dma source(%arg9 : memref<250x8xf32, #tpu.memory_space<vmem>>) target(%dma_start3A_123 : memref<250x8xf32, #tpu.memory_space<hbm>>) target_semaphore(%run_scoped3A_118 : memref<!tpu.dma_semaphore, #tpu.memory_space<semaphore_mem>>)
          %dma_wait3A = arith.constant 0 : i32
          %dma_wait3A_124 = tpu.memref_slice %arg6[%run_scoped3A, %add3A_110, %dma_wait3A] : memref<5x100000x8xf32, #tpu.memory_space<hbm>> -> memref<1x250x8xf32, #tpu.memory_space<hbm>>
          %dma_wait3A_125 = tpu.memref_squeeze %dma_wait3A_124 : memref<1x250x8xf32, #tpu.memory_space<hbm>> -> memref<250x8xf32, #tpu.memory_space<hbm>>
          %dma_wait3A_126 = arith.constant 0 : i32
          %dma_wait3A_127 = tpu.memref_slice %arg6[%run_scoped3A, %add3A_110, %dma_wait3A_126] : memref<5x100000x8xf32, #tpu.memory_space<hbm>> -> memref<1x250x8xf32, #tpu.memory_space<hbm>>
          %dma_wait3A_128 = tpu.memref_squeeze %dma_wait3A_127 : memref<1x250x8xf32, #tpu.memory_space<hbm>> -> memref<250x8xf32, #tpu.memory_space<hbm>>
          tpu.wait_dma2 semaphore(%run_scoped3A_118 : memref<!tpu.dma_semaphore, #tpu.memory_space<semaphore_mem>>) src(%arg9 : memref<250x8xf32, #tpu.memory_space<vmem>>) dst(%dma_wait3A_128 : memref<250x8xf32, #tpu.memory_space<hbm>>)
          tpu.yield
        }) : () -> ()
      } else {
      }
    }
    %scan3A_104 = arith.constant 25 : i32
    return
  }
}

module attributes {stable_mosaic.version = 14 : i64} {
  func.func @_msg_body(%arg0: i32, %arg1: memref<3200x40xf32, #tpu.memory_space<vmem>>, %arg2: memref<3200x4xf32, #tpu.memory_space<vmem>>, %arg3: memref<40x200xf32, #tpu.memory_space<vmem>>, %arg4: memref<5x200x128xf32, #tpu.memory_space<vmem>>) attributes {dimension_semantics = [#tpu.dimension_semantics<arbitrary>], iteration_bounds = array<i64: 500>, scalar_prefetch = 0 : i64, scratch_operands = 0 : i64, tpu.core_type = #tpu.core_type<tc>, window_params = [{transform_indices = @transform_0, window_bounds = array<i64: 3200, 40>}, {transform_indices = @transform_1, window_bounds = array<i64: 3200, 4>}, {pipeline_mode = #tpu.pipeline_mode<synchronous>, transform_indices = @transform_2, window_bounds = array<i64: 40, 200>}, {transform_indices = @transform_3, window_bounds = array<i64: 5, 200, 128>}]} {
    %get3A = arith.constant 0 : index
    %get3A_0 = arith.constant 0 : index
    %get3A_1 = vector.load %arg1[%get3A, %get3A_0] : memref<3200x40xf32, #tpu.memory_space<vmem>>, vector<3200x40xf32>
    %get3A_2 = arith.constant 0 : index
    %get3A_3 = arith.constant 0 : index
    %get3A_4 = vector.load %arg3[%get3A_2, %get3A_3] : memref<40x200xf32, #tpu.memory_space<vmem>>, vector<40x200xf32>
    %dot_general3A = arith.constant dense<0.000000e+00> : vector<3200x200xf32>
    %dot_general3A_5 = tpu.matmul %get3A_1, %get3A_4, %dot_general3A {dimension_numbers = #tpu.dot_dimension_numbers<[1], [0], [0], [1], [0, 0, 1, 1], [], []>, transpose_lhs_hint = false} : vector<3200x40xf32>, vector<40x200xf32>, vector<3200x200xf32> -> vector<3200x200xf32>
    %get3A_6 = arith.constant 0 : index
    %get3A_7 = arith.constant 0 : index
    %get3A_8 = vector.load %arg2[%get3A_6, %get3A_7] : memref<3200x4xf32, #tpu.memory_space<vmem>>, vector<3200x4xf32>
    %slice3A = vector.extract_strided_slice %dot_general3A_5 {offsets = [0, 0], sizes = [3200, 40], strides = [1, 1]} : vector<3200x200xf32> to vector<3200x40xf32>
    %slice3A_9 = vector.extract_strided_slice %get3A_8 {offsets = [0, 3], sizes = [3200, 1], strides = [1, 1]} : vector<3200x4xf32> to vector<3200x1xf32>
    %slice3A_10 = vector.extract_strided_slice %dot_general3A_5 {offsets = [0, 40], sizes = [3200, 40], strides = [1, 1]} : vector<3200x200xf32> to vector<3200x40xf32>
    %mul3A = vector.broadcast %slice3A_9 : vector<3200x1xf32> to vector<3200x40xf32>
    %mul3A_11 = arith.mulf %mul3A, %slice3A_10 : vector<3200x40xf32>
    %add3A = arith.addf %slice3A, %mul3A_11 : vector<3200x40xf32>
    %slice3A_12 = vector.extract_strided_slice %get3A_8 {offsets = [0, 0], sizes = [3200, 1], strides = [1, 1]} : vector<3200x4xf32> to vector<3200x1xf32>
    %slice3A_13 = vector.extract_strided_slice %dot_general3A_5 {offsets = [0, 80], sizes = [3200, 40], strides = [1, 1]} : vector<3200x200xf32> to vector<3200x40xf32>
    %mul3A_14 = vector.broadcast %slice3A_12 : vector<3200x1xf32> to vector<3200x40xf32>
    %mul3A_15 = arith.mulf %mul3A_14, %slice3A_13 : vector<3200x40xf32>
    %add3A_16 = arith.addf %add3A, %mul3A_15 : vector<3200x40xf32>
    %slice3A_17 = vector.extract_strided_slice %get3A_8 {offsets = [0, 1], sizes = [3200, 1], strides = [1, 1]} : vector<3200x4xf32> to vector<3200x1xf32>
    %slice3A_18 = vector.extract_strided_slice %dot_general3A_5 {offsets = [0, 120], sizes = [3200, 40], strides = [1, 1]} : vector<3200x200xf32> to vector<3200x40xf32>
    %mul3A_19 = vector.broadcast %slice3A_17 : vector<3200x1xf32> to vector<3200x40xf32>
    %mul3A_20 = arith.mulf %mul3A_19, %slice3A_18 : vector<3200x40xf32>
    %add3A_21 = arith.addf %add3A_16, %mul3A_20 : vector<3200x40xf32>
    %slice3A_22 = vector.extract_strided_slice %get3A_8 {offsets = [0, 2], sizes = [3200, 1], strides = [1, 1]} : vector<3200x4xf32> to vector<3200x1xf32>
    %slice3A_23 = vector.extract_strided_slice %dot_general3A_5 {offsets = [0, 160], sizes = [3200, 40], strides = [1, 1]} : vector<3200x200xf32> to vector<3200x40xf32>
    %mul3A_24 = vector.broadcast %slice3A_22 : vector<3200x1xf32> to vector<3200x40xf32>
    %mul3A_25 = arith.mulf %mul3A_24, %slice3A_23 : vector<3200x40xf32>
    %add3A_26 = arith.addf %add3A_21, %mul3A_25 : vector<3200x40xf32>
    %slice3A_27 = vector.extract_strided_slice %add3A_26 {offsets = [0, 0], sizes = [200, 8], strides = [1, 1]} : vector<3200x40xf32> to vector<200x8xf32>
    %swap3A = arith.constant 0 : index
    %swap3A_28 = arith.constant 0 : index
    %swap3A_29 = arith.constant 0 : index
    %swap3A_30 = vector.load %arg4[%swap3A, %swap3A_28, %swap3A_29] : memref<5x200x128xf32, #tpu.memory_space<vmem>>, vector<1x200x8xf32>
    %swap3A_31 = vector.shape_cast %swap3A_30 : vector<1x200x8xf32> to vector<200x8xf32>
    %swap3A_32 = vector.shape_cast %slice3A_27 : vector<200x8xf32> to vector<1x200x8xf32>
    tpu.vector_store %arg4[%swap3A, %swap3A_28, %swap3A_29], %swap3A_32 {strides = array<i32>} : memref<5x200x128xf32, #tpu.memory_space<vmem>>, vector<1x200x8xf32>,
    %slice3A_33 = vector.extract_strided_slice %add3A_26 {offsets = [200, 0], sizes = [200, 8], strides = [1, 1]} : vector<3200x40xf32> to vector<200x8xf32>
    %swap3A_34 = arith.constant 0 : index
    %swap3A_35 = arith.constant 0 : index
    %swap3A_36 = arith.constant 8 : index
    %swap3A_37 = vector.load %arg4[%swap3A_34, %swap3A_35, %swap3A_36] : memref<5x200x128xf32, #tpu.memory_space<vmem>>, vector<1x200x8xf32>
    %swap3A_38 = vector.shape_cast %swap3A_37 : vector<1x200x8xf32> to vector<200x8xf32>
    %swap3A_39 = vector.shape_cast %slice3A_33 : vector<200x8xf32> to vector<1x200x8xf32>
    tpu.vector_store %arg4[%swap3A_34, %swap3A_35, %swap3A_36], %swap3A_39 {strides = array<i32>} : memref<5x200x128xf32, #tpu.memory_space<vmem>>, vector<1x200x8xf32>,
    %slice3A_40 = vector.extract_strided_slice %add3A_26 {offsets = [400, 0], sizes = [200, 8], strides = [1, 1]} : vector<3200x40xf32> to vector<200x8xf32>
    %swap3A_41 = arith.constant 0 : index
    %swap3A_42 = arith.constant 0 : index
    %swap3A_43 = arith.constant 16 : index
    %swap3A_44 = vector.load %arg4[%swap3A_41, %swap3A_42, %swap3A_43] : memref<5x200x128xf32, #tpu.memory_space<vmem>>, vector<1x200x8xf32>
    %swap3A_45 = vector.shape_cast %swap3A_44 : vector<1x200x8xf32> to vector<200x8xf32>
    %swap3A_46 = vector.shape_cast %slice3A_40 : vector<200x8xf32> to vector<1x200x8xf32>
    tpu.vector_store %arg4[%swap3A_41, %swap3A_42, %swap3A_43], %swap3A_46 {strides = array<i32>} : memref<5x200x128xf32, #tpu.memory_space<vmem>>, vector<1x200x8xf32>,
    %slice3A_47 = vector.extract_strided_slice %add3A_26 {offsets = [600, 0], sizes = [200, 8], strides = [1, 1]} : vector<3200x40xf32> to vector<200x8xf32>
    %swap3A_48 = arith.constant 0 : index
    %swap3A_49 = arith.constant 0 : index
    %swap3A_50 = arith.constant 24 : index
    %swap3A_51 = vector.load %arg4[%swap3A_48, %swap3A_49, %swap3A_50] : memref<5x200x128xf32, #tpu.memory_space<vmem>>, vector<1x200x8xf32>
    %swap3A_52 = vector.shape_cast %swap3A_51 : vector<1x200x8xf32> to vector<200x8xf32>
    %swap3A_53 = vector.shape_cast %slice3A_47 : vector<200x8xf32> to vector<1x200x8xf32>
    tpu.vector_store %arg4[%swap3A_48, %swap3A_49, %swap3A_50], %swap3A_53 {strides = array<i32>} : memref<5x200x128xf32, #tpu.memory_space<vmem>>, vector<1x200x8xf32>,
    %slice3A_54 = vector.extract_strided_slice %add3A_26 {offsets = [800, 0], sizes = [200, 8], strides = [1, 1]} : vector<3200x40xf32> to vector<200x8xf32>
    %swap3A_55 = arith.constant 0 : index
    %swap3A_56 = arith.constant 0 : index
    %swap3A_57 = arith.constant 32 : index
    %swap3A_58 = vector.load %arg4[%swap3A_55, %swap3A_56, %swap3A_57] : memref<5x200x128xf32, #tpu.memory_space<vmem>>, vector<1x200x8xf32>
    %swap3A_59 = vector.shape_cast %swap3A_58 : vector<1x200x8xf32> to vector<200x8xf32>
    %swap3A_60 = vector.shape_cast %slice3A_54 : vector<200x8xf32> to vector<1x200x8xf32>
    tpu.vector_store %arg4[%swap3A_55, %swap3A_56, %swap3A_57], %swap3A_60 {strides = array<i32>} : memref<5x200x128xf32, #tpu.memory_space<vmem>>, vector<1x200x8xf32>,
    %slice3A_61 = vector.extract_strided_slice %add3A_26 {offsets = [1000, 0], sizes = [200, 8], strides = [1, 1]} : vector<3200x40xf32> to vector<200x8xf32>
    %swap3A_62 = arith.constant 0 : index
    %swap3A_63 = arith.constant 0 : index
    %swap3A_64 = arith.constant 40 : index
    %swap3A_65 = vector.load %arg4[%swap3A_62, %swap3A_63, %swap3A_64] : memref<5x200x128xf32, #tpu.memory_space<vmem>>, vector<1x200x8xf32>
    %swap3A_66 = vector.shape_cast %swap3A_65 : vector<1x200x8xf32> to vector<200x8xf32>
    %swap3A_67 = vector.shape_cast %slice3A_61 : vector<200x8xf32> to vector<1x200x8xf32>
    tpu.vector_store %arg4[%swap3A_62, %swap3A_63, %swap3A_64], %swap3A_67 {strides = array<i32>} : memref<5x200x128xf32, #tpu.memory_space<vmem>>, vector<1x200x8xf32>,
    %slice3A_68 = vector.extract_strided_slice %add3A_26 {offsets = [1200, 0], sizes = [200, 8], strides = [1, 1]} : vector<3200x40xf32> to vector<200x8xf32>
    %swap3A_69 = arith.constant 0 : index
    %swap3A_70 = arith.constant 0 : index
    %swap3A_71 = arith.constant 48 : index
    %swap3A_72 = vector.load %arg4[%swap3A_69, %swap3A_70, %swap3A_71] : memref<5x200x128xf32, #tpu.memory_space<vmem>>, vector<1x200x8xf32>
    %swap3A_73 = vector.shape_cast %swap3A_72 : vector<1x200x8xf32> to vector<200x8xf32>
    %swap3A_74 = vector.shape_cast %slice3A_68 : vector<200x8xf32> to vector<1x200x8xf32>
    tpu.vector_store %arg4[%swap3A_69, %swap3A_70, %swap3A_71], %swap3A_74 {strides = array<i32>} : memref<5x200x128xf32, #tpu.memory_space<vmem>>, vector<1x200x8xf32>,
    %slice3A_75 = vector.extract_strided_slice %add3A_26 {offsets = [1400, 0], sizes = [200, 8], strides = [1, 1]} : vector<3200x40xf32> to vector<200x8xf32>
    %swap3A_76 = arith.constant 0 : index
    %swap3A_77 = arith.constant 0 : index
    %swap3A_78 = arith.constant 56 : index
    %swap3A_79 = vector.load %arg4[%swap3A_76, %swap3A_77, %swap3A_78] : memref<5x200x128xf32, #tpu.memory_space<vmem>>, vector<1x200x8xf32>
    %swap3A_80 = vector.shape_cast %swap3A_79 : vector<1x200x8xf32> to vector<200x8xf32>
    %swap3A_81 = vector.shape_cast %slice3A_75 : vector<200x8xf32> to vector<1x200x8xf32>
    tpu.vector_store %arg4[%swap3A_76, %swap3A_77, %swap3A_78], %swap3A_81 {strides = array<i32>} : memref<5x200x128xf32, #tpu.memory_space<vmem>>, vector<1x200x8xf32>,
    %slice3A_82 = vector.extract_strided_slice %add3A_26 {offsets = [1600, 0], sizes = [200, 8], strides = [1, 1]} : vector<3200x40xf32> to vector<200x8xf32>
    %swap3A_83 = arith.constant 0 : index
    %swap3A_84 = arith.constant 0 : index
    %swap3A_85 = arith.constant 64 : index
    %swap3A_86 = vector.load %arg4[%swap3A_83, %swap3A_84, %swap3A_85] : memref<5x200x128xf32, #tpu.memory_space<vmem>>, vector<1x200x8xf32>
    %swap3A_87 = vector.shape_cast %swap3A_86 : vector<1x200x8xf32> to vector<200x8xf32>
    %swap3A_88 = vector.shape_cast %slice3A_82 : vector<200x8xf32> to vector<1x200x8xf32>
    tpu.vector_store %arg4[%swap3A_83, %swap3A_84, %swap3A_85], %swap3A_88 {strides = array<i32>} : memref<5x200x128xf32, #tpu.memory_space<vmem>>, vector<1x200x8xf32>,
    %slice3A_89 = vector.extract_strided_slice %add3A_26 {offsets = [1800, 0], sizes = [200, 8], strides = [1, 1]} : vector<3200x40xf32> to vector<200x8xf32>
    %swap3A_90 = arith.constant 0 : index
    %swap3A_91 = arith.constant 0 : index
    %swap3A_92 = arith.constant 72 : index
    %swap3A_93 = vector.load %arg4[%swap3A_90, %swap3A_91, %swap3A_92] : memref<5x200x128xf32, #tpu.memory_space<vmem>>, vector<1x200x8xf32>
    %swap3A_94 = vector.shape_cast %swap3A_93 : vector<1x200x8xf32> to vector<200x8xf32>
    %swap3A_95 = vector.shape_cast %slice3A_89 : vector<200x8xf32> to vector<1x200x8xf32>
    tpu.vector_store %arg4[%swap3A_90, %swap3A_91, %swap3A_92], %swap3A_95 {strides = array<i32>} : memref<5x200x128xf32, #tpu.memory_space<vmem>>, vector<1x200x8xf32>,
    %slice3A_96 = vector.extract_strided_slice %add3A_26 {offsets = [2000, 0], sizes = [200, 8], strides = [1, 1]} : vector<3200x40xf32> to vector<200x8xf32>
    %swap3A_97 = arith.constant 0 : index
    %swap3A_98 = arith.constant 0 : index
    %swap3A_99 = arith.constant 80 : index
    %swap3A_100 = vector.load %arg4[%swap3A_97, %swap3A_98, %swap3A_99] : memref<5x200x128xf32, #tpu.memory_space<vmem>>, vector<1x200x8xf32>
    %swap3A_101 = vector.shape_cast %swap3A_100 : vector<1x200x8xf32> to vector<200x8xf32>
    %swap3A_102 = vector.shape_cast %slice3A_96 : vector<200x8xf32> to vector<1x200x8xf32>
    tpu.vector_store %arg4[%swap3A_97, %swap3A_98, %swap3A_99], %swap3A_102 {strides = array<i32>} : memref<5x200x128xf32, #tpu.memory_space<vmem>>, vector<1x200x8xf32>,
    %slice3A_103 = vector.extract_strided_slice %add3A_26 {offsets = [2200, 0], sizes = [200, 8], strides = [1, 1]} : vector<3200x40xf32> to vector<200x8xf32>
    %swap3A_104 = arith.constant 0 : index
    %swap3A_105 = arith.constant 0 : index
    %swap3A_106 = arith.constant 88 : index
    %swap3A_107 = vector.load %arg4[%swap3A_104, %swap3A_105, %swap3A_106] : memref<5x200x128xf32, #tpu.memory_space<vmem>>, vector<1x200x8xf32>
    %swap3A_108 = vector.shape_cast %swap3A_107 : vector<1x200x8xf32> to vector<200x8xf32>
    %swap3A_109 = vector.shape_cast %slice3A_103 : vector<200x8xf32> to vector<1x200x8xf32>
    tpu.vector_store %arg4[%swap3A_104, %swap3A_105, %swap3A_106], %swap3A_109 {strides = array<i32>} : memref<5x200x128xf32, #tpu.memory_space<vmem>>, vector<1x200x8xf32>,
    %slice3A_110 = vector.extract_strided_slice %add3A_26 {offsets = [2400, 0], sizes = [200, 8], strides = [1, 1]} : vector<3200x40xf32> to vector<200x8xf32>
    %swap3A_111 = arith.constant 0 : index
    %swap3A_112 = arith.constant 0 : index
    %swap3A_113 = arith.constant 96 : index
    %swap3A_114 = vector.load %arg4[%swap3A_111, %swap3A_112, %swap3A_113] : memref<5x200x128xf32, #tpu.memory_space<vmem>>, vector<1x200x8xf32>
    %swap3A_115 = vector.shape_cast %swap3A_114 : vector<1x200x8xf32> to vector<200x8xf32>
    %swap3A_116 = vector.shape_cast %slice3A_110 : vector<200x8xf32> to vector<1x200x8xf32>
    tpu.vector_store %arg4[%swap3A_111, %swap3A_112, %swap3A_113], %swap3A_116 {strides = array<i32>} : memref<5x200x128xf32, #tpu.memory_space<vmem>>, vector<1x200x8xf32>,
    %slice3A_117 = vector.extract_strided_slice %add3A_26 {offsets = [2600, 0], sizes = [200, 8], strides = [1, 1]} : vector<3200x40xf32> to vector<200x8xf32>
    %swap3A_118 = arith.constant 0 : index
    %swap3A_119 = arith.constant 0 : index
    %swap3A_120 = arith.constant 104 : index
    %swap3A_121 = vector.load %arg4[%swap3A_118, %swap3A_119, %swap3A_120] : memref<5x200x128xf32, #tpu.memory_space<vmem>>, vector<1x200x8xf32>
    %swap3A_122 = vector.shape_cast %swap3A_121 : vector<1x200x8xf32> to vector<200x8xf32>
    %swap3A_123 = vector.shape_cast %slice3A_117 : vector<200x8xf32> to vector<1x200x8xf32>
    tpu.vector_store %arg4[%swap3A_118, %swap3A_119, %swap3A_120], %swap3A_123 {strides = array<i32>} : memref<5x200x128xf32, #tpu.memory_space<vmem>>, vector<1x200x8xf32>,
    %slice3A_124 = vector.extract_strided_slice %add3A_26 {offsets = [2800, 0], sizes = [200, 8], strides = [1, 1]} : vector<3200x40xf32> to vector<200x8xf32>
    %swap3A_125 = arith.constant 0 : index
    %swap3A_126 = arith.constant 0 : index
    %swap3A_127 = arith.constant 112 : index
    %swap3A_128 = vector.load %arg4[%swap3A_125, %swap3A_126, %swap3A_127] : memref<5x200x128xf32, #tpu.memory_space<vmem>>, vector<1x200x8xf32>
    %swap3A_129 = vector.shape_cast %swap3A_128 : vector<1x200x8xf32> to vector<200x8xf32>
    %swap3A_130 = vector.shape_cast %slice3A_124 : vector<200x8xf32> to vector<1x200x8xf32>
    tpu.vector_store %arg4[%swap3A_125, %swap3A_126, %swap3A_127], %swap3A_130 {strides = array<i32>} : memref<5x200x128xf32, #tpu.memory_space<vmem>>, vector<1x200x8xf32>,
    %slice3A_131 = vector.extract_strided_slice %add3A_26 {offsets = [3000, 0], sizes = [200, 8], strides = [1, 1]} : vector<3200x40xf32> to vector<200x8xf32>
    %swap3A_132 = arith.constant 0 : index
    %swap3A_133 = arith.constant 0 : index
    %swap3A_134 = arith.constant 120 : index
    %swap3A_135 = vector.load %arg4[%swap3A_132, %swap3A_133, %swap3A_134] : memref<5x200x128xf32, #tpu.memory_space<vmem>>, vector<1x200x8xf32>
    %swap3A_136 = vector.shape_cast %swap3A_135 : vector<1x200x8xf32> to vector<200x8xf32>
    %swap3A_137 = vector.shape_cast %slice3A_131 : vector<200x8xf32> to vector<1x200x8xf32>
    tpu.vector_store %arg4[%swap3A_132, %swap3A_133, %swap3A_134], %swap3A_137 {strides = array<i32>} : memref<5x200x128xf32, #tpu.memory_space<vmem>>, vector<1x200x8xf32>,
    %slice3A_138 = vector.extract_strided_slice %add3A_26 {offsets = [0, 8], sizes = [200, 8], strides = [1, 1]} : vector<3200x40xf32> to vector<200x8xf32>
    %swap3A_139 = arith.constant 1 : index
    %swap3A_140 = arith.constant 0 : index
    %swap3A_141 = arith.constant 0 : index
    %swap3A_142 = vector.load %arg4[%swap3A_139, %swap3A_140, %swap3A_141] : memref<5x200x128xf32, #tpu.memory_space<vmem>>, vector<1x200x8xf32>
    %swap3A_143 = vector.shape_cast %swap3A_142 : vector<1x200x8xf32> to vector<200x8xf32>
    %swap3A_144 = vector.shape_cast %slice3A_138 : vector<200x8xf32> to vector<1x200x8xf32>
    tpu.vector_store %arg4[%swap3A_139, %swap3A_140, %swap3A_141], %swap3A_144 {strides = array<i32>} : memref<5x200x128xf32, #tpu.memory_space<vmem>>, vector<1x200x8xf32>,
    %slice3A_145 = vector.extract_strided_slice %add3A_26 {offsets = [200, 8], sizes = [200, 8], strides = [1, 1]} : vector<3200x40xf32> to vector<200x8xf32>
    %swap3A_146 = arith.constant 1 : index
    %swap3A_147 = arith.constant 0 : index
    %swap3A_148 = arith.constant 8 : index
    %swap3A_149 = vector.load %arg4[%swap3A_146, %swap3A_147, %swap3A_148] : memref<5x200x128xf32, #tpu.memory_space<vmem>>, vector<1x200x8xf32>
    %swap3A_150 = vector.shape_cast %swap3A_149 : vector<1x200x8xf32> to vector<200x8xf32>
    %swap3A_151 = vector.shape_cast %slice3A_145 : vector<200x8xf32> to vector<1x200x8xf32>
    tpu.vector_store %arg4[%swap3A_146, %swap3A_147, %swap3A_148], %swap3A_151 {strides = array<i32>} : memref<5x200x128xf32, #tpu.memory_space<vmem>>, vector<1x200x8xf32>,
    %slice3A_152 = vector.extract_strided_slice %add3A_26 {offsets = [400, 8], sizes = [200, 8], strides = [1, 1]} : vector<3200x40xf32> to vector<200x8xf32>
    %swap3A_153 = arith.constant 1 : index
    %swap3A_154 = arith.constant 0 : index
    %swap3A_155 = arith.constant 16 : index
    %swap3A_156 = vector.load %arg4[%swap3A_153, %swap3A_154, %swap3A_155] : memref<5x200x128xf32, #tpu.memory_space<vmem>>, vector<1x200x8xf32>
    %swap3A_157 = vector.shape_cast %swap3A_156 : vector<1x200x8xf32> to vector<200x8xf32>
    %swap3A_158 = vector.shape_cast %slice3A_152 : vector<200x8xf32> to vector<1x200x8xf32>
    tpu.vector_store %arg4[%swap3A_153, %swap3A_154, %swap3A_155], %swap3A_158 {strides = array<i32>} : memref<5x200x128xf32, #tpu.memory_space<vmem>>, vector<1x200x8xf32>,
    %slice3A_159 = vector.extract_strided_slice %add3A_26 {offsets = [600, 8], sizes = [200, 8], strides = [1, 1]} : vector<3200x40xf32> to vector<200x8xf32>
    %swap3A_160 = arith.constant 1 : index
    %swap3A_161 = arith.constant 0 : index
    %swap3A_162 = arith.constant 24 : index
    %swap3A_163 = vector.load %arg4[%swap3A_160, %swap3A_161, %swap3A_162] : memref<5x200x128xf32, #tpu.memory_space<vmem>>, vector<1x200x8xf32>
    %swap3A_164 = vector.shape_cast %swap3A_163 : vector<1x200x8xf32> to vector<200x8xf32>
    %swap3A_165 = vector.shape_cast %slice3A_159 : vector<200x8xf32> to vector<1x200x8xf32>
    tpu.vector_store %arg4[%swap3A_160, %swap3A_161, %swap3A_162], %swap3A_165 {strides = array<i32>} : memref<5x200x128xf32, #tpu.memory_space<vmem>>, vector<1x200x8xf32>,
    %slice3A_166 = vector.extract_strided_slice %add3A_26 {offsets = [800, 8], sizes = [200, 8], strides = [1, 1]} : vector<3200x40xf32> to vector<200x8xf32>
    %swap3A_167 = arith.constant 1 : index
    %swap3A_168 = arith.constant 0 : index
    %swap3A_169 = arith.constant 32 : index
    %swap3A_170 = vector.load %arg4[%swap3A_167, %swap3A_168, %swap3A_169] : memref<5x200x128xf32, #tpu.memory_space<vmem>>, vector<1x200x8xf32>
    %swap3A_171 = vector.shape_cast %swap3A_170 : vector<1x200x8xf32> to vector<200x8xf32>
    %swap3A_172 = vector.shape_cast %slice3A_166 : vector<200x8xf32> to vector<1x200x8xf32>
    tpu.vector_store %arg4[%swap3A_167, %swap3A_168, %swap3A_169], %swap3A_172 {strides = array<i32>} : memref<5x200x128xf32, #tpu.memory_space<vmem>>, vector<1x200x8xf32>,
    %slice3A_173 = vector.extract_strided_slice %add3A_26 {offsets = [1000, 8], sizes = [200, 8], strides = [1, 1]} : vector<3200x40xf32> to vector<200x8xf32>
    %swap3A_174 = arith.constant 1 : index
    %swap3A_175 = arith.constant 0 : index
    %swap3A_176 = arith.constant 40 : index
    %swap3A_177 = vector.load %arg4[%swap3A_174, %swap3A_175, %swap3A_176] : memref<5x200x128xf32, #tpu.memory_space<vmem>>, vector<1x200x8xf32>
    %swap3A_178 = vector.shape_cast %swap3A_177 : vector<1x200x8xf32> to vector<200x8xf32>
    %swap3A_179 = vector.shape_cast %slice3A_173 : vector<200x8xf32> to vector<1x200x8xf32>
    tpu.vector_store %arg4[%swap3A_174, %swap3A_175, %swap3A_176], %swap3A_179 {strides = array<i32>} : memref<5x200x128xf32, #tpu.memory_space<vmem>>, vector<1x200x8xf32>,
    %slice3A_180 = vector.extract_strided_slice %add3A_26 {offsets = [1200, 8], sizes = [200, 8], strides = [1, 1]} : vector<3200x40xf32> to vector<200x8xf32>
    %swap3A_181 = arith.constant 1 : index
    %swap3A_182 = arith.constant 0 : index
    %swap3A_183 = arith.constant 48 : index
    %swap3A_184 = vector.load %arg4[%swap3A_181, %swap3A_182, %swap3A_183] : memref<5x200x128xf32, #tpu.memory_space<vmem>>, vector<1x200x8xf32>
    %swap3A_185 = vector.shape_cast %swap3A_184 : vector<1x200x8xf32> to vector<200x8xf32>
    %swap3A_186 = vector.shape_cast %slice3A_180 : vector<200x8xf32> to vector<1x200x8xf32>
    tpu.vector_store %arg4[%swap3A_181, %swap3A_182, %swap3A_183], %swap3A_186 {strides = array<i32>} : memref<5x200x128xf32, #tpu.memory_space<vmem>>, vector<1x200x8xf32>,
    %slice3A_187 = vector.extract_strided_slice %add3A_26 {offsets = [1400, 8], sizes = [200, 8], strides = [1, 1]} : vector<3200x40xf32> to vector<200x8xf32>
    %swap3A_188 = arith.constant 1 : index
    %swap3A_189 = arith.constant 0 : index
    %swap3A_190 = arith.constant 56 : index
    %swap3A_191 = vector.load %arg4[%swap3A_188, %swap3A_189, %swap3A_190] : memref<5x200x128xf32, #tpu.memory_space<vmem>>, vector<1x200x8xf32>
    %swap3A_192 = vector.shape_cast %swap3A_191 : vector<1x200x8xf32> to vector<200x8xf32>
    %swap3A_193 = vector.shape_cast %slice3A_187 : vector<200x8xf32> to vector<1x200x8xf32>
    tpu.vector_store %arg4[%swap3A_188, %swap3A_189, %swap3A_190], %swap3A_193 {strides = array<i32>} : memref<5x200x128xf32, #tpu.memory_space<vmem>>, vector<1x200x8xf32>,
    %slice3A_194 = vector.extract_strided_slice %add3A_26 {offsets = [1600, 8], sizes = [200, 8], strides = [1, 1]} : vector<3200x40xf32> to vector<200x8xf32>
    %swap3A_195 = arith.constant 1 : index
    %swap3A_196 = arith.constant 0 : index
    %swap3A_197 = arith.constant 64 : index
    %swap3A_198 = vector.load %arg4[%swap3A_195, %swap3A_196, %swap3A_197] : memref<5x200x128xf32, #tpu.memory_space<vmem>>, vector<1x200x8xf32>
    %swap3A_199 = vector.shape_cast %swap3A_198 : vector<1x200x8xf32> to vector<200x8xf32>
    %swap3A_200 = vector.shape_cast %slice3A_194 : vector<200x8xf32> to vector<1x200x8xf32>
    tpu.vector_store %arg4[%swap3A_195, %swap3A_196, %swap3A_197], %swap3A_200 {strides = array<i32>} : memref<5x200x128xf32, #tpu.memory_space<vmem>>, vector<1x200x8xf32>,
    %slice3A_201 = vector.extract_strided_slice %add3A_26 {offsets = [1800, 8], sizes = [200, 8], strides = [1, 1]} : vector<3200x40xf32> to vector<200x8xf32>
    %swap3A_202 = arith.constant 1 : index
    %swap3A_203 = arith.constant 0 : index
    %swap3A_204 = arith.constant 72 : index
    %swap3A_205 = vector.load %arg4[%swap3A_202, %swap3A_203, %swap3A_204] : memref<5x200x128xf32, #tpu.memory_space<vmem>>, vector<1x200x8xf32>
    %swap3A_206 = vector.shape_cast %swap3A_205 : vector<1x200x8xf32> to vector<200x8xf32>
    %swap3A_207 = vector.shape_cast %slice3A_201 : vector<200x8xf32> to vector<1x200x8xf32>
    tpu.vector_store %arg4[%swap3A_202, %swap3A_203, %swap3A_204], %swap3A_207 {strides = array<i32>} : memref<5x200x128xf32, #tpu.memory_space<vmem>>, vector<1x200x8xf32>,
    %slice3A_208 = vector.extract_strided_slice %add3A_26 {offsets = [2000, 8], sizes = [200, 8], strides = [1, 1]} : vector<3200x40xf32> to vector<200x8xf32>
    %swap3A_209 = arith.constant 1 : index
    %swap3A_210 = arith.constant 0 : index
    %swap3A_211 = arith.constant 80 : index
    %swap3A_212 = vector.load %arg4[%swap3A_209, %swap3A_210, %swap3A_211] : memref<5x200x128xf32, #tpu.memory_space<vmem>>, vector<1x200x8xf32>
    %swap3A_213 = vector.shape_cast %swap3A_212 : vector<1x200x8xf32> to vector<200x8xf32>
    %swap3A_214 = vector.shape_cast %slice3A_208 : vector<200x8xf32> to vector<1x200x8xf32>
    tpu.vector_store %arg4[%swap3A_209, %swap3A_210, %swap3A_211], %swap3A_214 {strides = array<i32>} : memref<5x200x128xf32, #tpu.memory_space<vmem>>, vector<1x200x8xf32>,
    %slice3A_215 = vector.extract_strided_slice %add3A_26 {offsets = [2200, 8], sizes = [200, 8], strides = [1, 1]} : vector<3200x40xf32> to vector<200x8xf32>
    %swap3A_216 = arith.constant 1 : index
    %swap3A_217 = arith.constant 0 : index
    %swap3A_218 = arith.constant 88 : index
    %swap3A_219 = vector.load %arg4[%swap3A_216, %swap3A_217, %swap3A_218] : memref<5x200x128xf32, #tpu.memory_space<vmem>>, vector<1x200x8xf32>
    %swap3A_220 = vector.shape_cast %swap3A_219 : vector<1x200x8xf32> to vector<200x8xf32>
    %swap3A_221 = vector.shape_cast %slice3A_215 : vector<200x8xf32> to vector<1x200x8xf32>
    tpu.vector_store %arg4[%swap3A_216, %swap3A_217, %swap3A_218], %swap3A_221 {strides = array<i32>} : memref<5x200x128xf32, #tpu.memory_space<vmem>>, vector<1x200x8xf32>,
    %slice3A_222 = vector.extract_strided_slice %add3A_26 {offsets = [2400, 8], sizes = [200, 8], strides = [1, 1]} : vector<3200x40xf32> to vector<200x8xf32>
    %swap3A_223 = arith.constant 1 : index
    %swap3A_224 = arith.constant 0 : index
    %swap3A_225 = arith.constant 96 : index
    %swap3A_226 = vector.load %arg4[%swap3A_223, %swap3A_224, %swap3A_225] : memref<5x200x128xf32, #tpu.memory_space<vmem>>, vector<1x200x8xf32>
    %swap3A_227 = vector.shape_cast %swap3A_226 : vector<1x200x8xf32> to vector<200x8xf32>
    %swap3A_228 = vector.shape_cast %slice3A_222 : vector<200x8xf32> to vector<1x200x8xf32>
    tpu.vector_store %arg4[%swap3A_223, %swap3A_224, %swap3A_225], %swap3A_228 {strides = array<i32>} : memref<5x200x128xf32, #tpu.memory_space<vmem>>, vector<1x200x8xf32>,
    %slice3A_229 = vector.extract_strided_slice %add3A_26 {offsets = [2600, 8], sizes = [200, 8], strides = [1, 1]} : vector<3200x40xf32> to vector<200x8xf32>
    %swap3A_230 = arith.constant 1 : index
    %swap3A_231 = arith.constant 0 : index
    %swap3A_232 = arith.constant 104 : index
    %swap3A_233 = vector.load %arg4[%swap3A_230, %swap3A_231, %swap3A_232] : memref<5x200x128xf32, #tpu.memory_space<vmem>>, vector<1x200x8xf32>
    %swap3A_234 = vector.shape_cast %swap3A_233 : vector<1x200x8xf32> to vector<200x8xf32>
    %swap3A_235 = vector.shape_cast %slice3A_229 : vector<200x8xf32> to vector<1x200x8xf32>
    tpu.vector_store %arg4[%swap3A_230, %swap3A_231, %swap3A_232], %swap3A_235 {strides = array<i32>} : memref<5x200x128xf32, #tpu.memory_space<vmem>>, vector<1x200x8xf32>,
    %slice3A_236 = vector.extract_strided_slice %add3A_26 {offsets = [2800, 8], sizes = [200, 8], strides = [1, 1]} : vector<3200x40xf32> to vector<200x8xf32>
    %swap3A_237 = arith.constant 1 : index
    %swap3A_238 = arith.constant 0 : index
    %swap3A_239 = arith.constant 112 : index
    %swap3A_240 = vector.load %arg4[%swap3A_237, %swap3A_238, %swap3A_239] : memref<5x200x128xf32, #tpu.memory_space<vmem>>, vector<1x200x8xf32>
    %swap3A_241 = vector.shape_cast %swap3A_240 : vector<1x200x8xf32> to vector<200x8xf32>
    %swap3A_242 = vector.shape_cast %slice3A_236 : vector<200x8xf32> to vector<1x200x8xf32>
    tpu.vector_store %arg4[%swap3A_237, %swap3A_238, %swap3A_239], %swap3A_242 {strides = array<i32>} : memref<5x200x128xf32, #tpu.memory_space<vmem>>, vector<1x200x8xf32>,
    %slice3A_243 = vector.extract_strided_slice %add3A_26 {offsets = [3000, 8], sizes = [200, 8], strides = [1, 1]} : vector<3200x40xf32> to vector<200x8xf32>
    %swap3A_244 = arith.constant 1 : index
    %swap3A_245 = arith.constant 0 : index
    %swap3A_246 = arith.constant 120 : index
    %swap3A_247 = vector.load %arg4[%swap3A_244, %swap3A_245, %swap3A_246] : memref<5x200x128xf32, #tpu.memory_space<vmem>>, vector<1x200x8xf32>
    %swap3A_248 = vector.shape_cast %swap3A_247 : vector<1x200x8xf32> to vector<200x8xf32>
    %swap3A_249 = vector.shape_cast %slice3A_243 : vector<200x8xf32> to vector<1x200x8xf32>
    tpu.vector_store %arg4[%swap3A_244, %swap3A_245, %swap3A_246], %swap3A_249 {strides = array<i32>} : memref<5x200x128xf32, #tpu.memory_space<vmem>>, vector<1x200x8xf32>,
    %slice3A_250 = vector.extract_strided_slice %add3A_26 {offsets = [0, 16], sizes = [200, 8], strides = [1, 1]} : vector<3200x40xf32> to vector<200x8xf32>
    %swap3A_251 = arith.constant 2 : index
    %swap3A_252 = arith.constant 0 : index
    %swap3A_253 = arith.constant 0 : index
    %swap3A_254 = vector.load %arg4[%swap3A_251, %swap3A_252, %swap3A_253] : memref<5x200x128xf32, #tpu.memory_space<vmem>>, vector<1x200x8xf32>
    %swap3A_255 = vector.shape_cast %swap3A_254 : vector<1x200x8xf32> to vector<200x8xf32>
    %swap3A_256 = vector.shape_cast %slice3A_250 : vector<200x8xf32> to vector<1x200x8xf32>
    tpu.vector_store %arg4[%swap3A_251, %swap3A_252, %swap3A_253], %swap3A_256 {strides = array<i32>} : memref<5x200x128xf32, #tpu.memory_space<vmem>>, vector<1x200x8xf32>,
    %slice3A_257 = vector.extract_strided_slice %add3A_26 {offsets = [200, 16], sizes = [200, 8], strides = [1, 1]} : vector<3200x40xf32> to vector<200x8xf32>
    %swap3A_258 = arith.constant 2 : index
    %swap3A_259 = arith.constant 0 : index
    %swap3A_260 = arith.constant 8 : index
    %swap3A_261 = vector.load %arg4[%swap3A_258, %swap3A_259, %swap3A_260] : memref<5x200x128xf32, #tpu.memory_space<vmem>>, vector<1x200x8xf32>
    %swap3A_262 = vector.shape_cast %swap3A_261 : vector<1x200x8xf32> to vector<200x8xf32>
    %swap3A_263 = vector.shape_cast %slice3A_257 : vector<200x8xf32> to vector<1x200x8xf32>
    tpu.vector_store %arg4[%swap3A_258, %swap3A_259, %swap3A_260], %swap3A_263 {strides = array<i32>} : memref<5x200x128xf32, #tpu.memory_space<vmem>>, vector<1x200x8xf32>,
    %slice3A_264 = vector.extract_strided_slice %add3A_26 {offsets = [400, 16], sizes = [200, 8], strides = [1, 1]} : vector<3200x40xf32> to vector<200x8xf32>
    %swap3A_265 = arith.constant 2 : index
    %swap3A_266 = arith.constant 0 : index
    %swap3A_267 = arith.constant 16 : index
    %swap3A_268 = vector.load %arg4[%swap3A_265, %swap3A_266, %swap3A_267] : memref<5x200x128xf32, #tpu.memory_space<vmem>>, vector<1x200x8xf32>
    %swap3A_269 = vector.shape_cast %swap3A_268 : vector<1x200x8xf32> to vector<200x8xf32>
    %swap3A_270 = vector.shape_cast %slice3A_264 : vector<200x8xf32> to vector<1x200x8xf32>
    tpu.vector_store %arg4[%swap3A_265, %swap3A_266, %swap3A_267], %swap3A_270 {strides = array<i32>} : memref<5x200x128xf32, #tpu.memory_space<vmem>>, vector<1x200x8xf32>,
    %slice3A_271 = vector.extract_strided_slice %add3A_26 {offsets = [600, 16], sizes = [200, 8], strides = [1, 1]} : vector<3200x40xf32> to vector<200x8xf32>
    %swap3A_272 = arith.constant 2 : index
    %swap3A_273 = arith.constant 0 : index
    %swap3A_274 = arith.constant 24 : index
    %swap3A_275 = vector.load %arg4[%swap3A_272, %swap3A_273, %swap3A_274] : memref<5x200x128xf32, #tpu.memory_space<vmem>>, vector<1x200x8xf32>
    %swap3A_276 = vector.shape_cast %swap3A_275 : vector<1x200x8xf32> to vector<200x8xf32>
    %swap3A_277 = vector.shape_cast %slice3A_271 : vector<200x8xf32> to vector<1x200x8xf32>
    tpu.vector_store %arg4[%swap3A_272, %swap3A_273, %swap3A_274], %swap3A_277 {strides = array<i32>} : memref<5x200x128xf32, #tpu.memory_space<vmem>>, vector<1x200x8xf32>,
    %slice3A_278 = vector.extract_strided_slice %add3A_26 {offsets = [800, 16], sizes = [200, 8], strides = [1, 1]} : vector<3200x40xf32> to vector<200x8xf32>
    %swap3A_279 = arith.constant 2 : index
    %swap3A_280 = arith.constant 0 : index
    %swap3A_281 = arith.constant 32 : index
    %swap3A_282 = vector.load %arg4[%swap3A_279, %swap3A_280, %swap3A_281] : memref<5x200x128xf32, #tpu.memory_space<vmem>>, vector<1x200x8xf32>
    %swap3A_283 = vector.shape_cast %swap3A_282 : vector<1x200x8xf32> to vector<200x8xf32>
    %swap3A_284 = vector.shape_cast %slice3A_278 : vector<200x8xf32> to vector<1x200x8xf32>
    tpu.vector_store %arg4[%swap3A_279, %swap3A_280, %swap3A_281], %swap3A_284 {strides = array<i32>} : memref<5x200x128xf32, #tpu.memory_space<vmem>>, vector<1x200x8xf32>,
    %slice3A_285 = vector.extract_strided_slice %add3A_26 {offsets = [1000, 16], sizes = [200, 8], strides = [1, 1]} : vector<3200x40xf32> to vector<200x8xf32>
    %swap3A_286 = arith.constant 2 : index
    %swap3A_287 = arith.constant 0 : index
    %swap3A_288 = arith.constant 40 : index
    %swap3A_289 = vector.load %arg4[%swap3A_286, %swap3A_287, %swap3A_288] : memref<5x200x128xf32, #tpu.memory_space<vmem>>, vector<1x200x8xf32>
    %swap3A_290 = vector.shape_cast %swap3A_289 : vector<1x200x8xf32> to vector<200x8xf32>
    %swap3A_291 = vector.shape_cast %slice3A_285 : vector<200x8xf32> to vector<1x200x8xf32>
    tpu.vector_store %arg4[%swap3A_286, %swap3A_287, %swap3A_288], %swap3A_291 {strides = array<i32>} : memref<5x200x128xf32, #tpu.memory_space<vmem>>, vector<1x200x8xf32>,
    %slice3A_292 = vector.extract_strided_slice %add3A_26 {offsets = [1200, 16], sizes = [200, 8], strides = [1, 1]} : vector<3200x40xf32> to vector<200x8xf32>
    %swap3A_293 = arith.constant 2 : index
    %swap3A_294 = arith.constant 0 : index
    %swap3A_295 = arith.constant 48 : index
    %swap3A_296 = vector.load %arg4[%swap3A_293, %swap3A_294, %swap3A_295] : memref<5x200x128xf32, #tpu.memory_space<vmem>>, vector<1x200x8xf32>
    %swap3A_297 = vector.shape_cast %swap3A_296 : vector<1x200x8xf32> to vector<200x8xf32>
    %swap3A_298 = vector.shape_cast %slice3A_292 : vector<200x8xf32> to vector<1x200x8xf32>
    tpu.vector_store %arg4[%swap3A_293, %swap3A_294, %swap3A_295], %swap3A_298 {strides = array<i32>} : memref<5x200x128xf32, #tpu.memory_space<vmem>>, vector<1x200x8xf32>,
    %slice3A_299 = vector.extract_strided_slice %add3A_26 {offsets = [1400, 16], sizes = [200, 8], strides = [1, 1]} : vector<3200x40xf32> to vector<200x8xf32>
    %swap3A_300 = arith.constant 2 : index
    %swap3A_301 = arith.constant 0 : index
    %swap3A_302 = arith.constant 56 : index
    %swap3A_303 = vector.load %arg4[%swap3A_300, %swap3A_301, %swap3A_302] : memref<5x200x128xf32, #tpu.memory_space<vmem>>, vector<1x200x8xf32>
    %swap3A_304 = vector.shape_cast %swap3A_303 : vector<1x200x8xf32> to vector<200x8xf32>
    %swap3A_305 = vector.shape_cast %slice3A_299 : vector<200x8xf32> to vector<1x200x8xf32>
    tpu.vector_store %arg4[%swap3A_300, %swap3A_301, %swap3A_302], %swap3A_305 {strides = array<i32>} : memref<5x200x128xf32, #tpu.memory_space<vmem>>, vector<1x200x8xf32>,
    %slice3A_306 = vector.extract_strided_slice %add3A_26 {offsets = [1600, 16], sizes = [200, 8], strides = [1, 1]} : vector<3200x40xf32> to vector<200x8xf32>
    %swap3A_307 = arith.constant 2 : index
    %swap3A_308 = arith.constant 0 : index
    %swap3A_309 = arith.constant 64 : index
    %swap3A_310 = vector.load %arg4[%swap3A_307, %swap3A_308, %swap3A_309] : memref<5x200x128xf32, #tpu.memory_space<vmem>>, vector<1x200x8xf32>
    %swap3A_311 = vector.shape_cast %swap3A_310 : vector<1x200x8xf32> to vector<200x8xf32>
    %swap3A_312 = vector.shape_cast %slice3A_306 : vector<200x8xf32> to vector<1x200x8xf32>
    tpu.vector_store %arg4[%swap3A_307, %swap3A_308, %swap3A_309], %swap3A_312 {strides = array<i32>} : memref<5x200x128xf32, #tpu.memory_space<vmem>>, vector<1x200x8xf32>,
    %slice3A_313 = vector.extract_strided_slice %add3A_26 {offsets = [1800, 16], sizes = [200, 8], strides = [1, 1]} : vector<3200x40xf32> to vector<200x8xf32>
    %swap3A_314 = arith.constant 2 : index
    %swap3A_315 = arith.constant 0 : index
    %swap3A_316 = arith.constant 72 : index
    %swap3A_317 = vector.load %arg4[%swap3A_314, %swap3A_315, %swap3A_316] : memref<5x200x128xf32, #tpu.memory_space<vmem>>, vector<1x200x8xf32>
    %swap3A_318 = vector.shape_cast %swap3A_317 : vector<1x200x8xf32> to vector<200x8xf32>
    %swap3A_319 = vector.shape_cast %slice3A_313 : vector<200x8xf32> to vector<1x200x8xf32>
    tpu.vector_store %arg4[%swap3A_314, %swap3A_315, %swap3A_316], %swap3A_319 {strides = array<i32>} : memref<5x200x128xf32, #tpu.memory_space<vmem>>, vector<1x200x8xf32>,
    %slice3A_320 = vector.extract_strided_slice %add3A_26 {offsets = [2000, 16], sizes = [200, 8], strides = [1, 1]} : vector<3200x40xf32> to vector<200x8xf32>
    %swap3A_321 = arith.constant 2 : index
    %swap3A_322 = arith.constant 0 : index
    %swap3A_323 = arith.constant 80 : index
    %swap3A_324 = vector.load %arg4[%swap3A_321, %swap3A_322, %swap3A_323] : memref<5x200x128xf32, #tpu.memory_space<vmem>>, vector<1x200x8xf32>
    %swap3A_325 = vector.shape_cast %swap3A_324 : vector<1x200x8xf32> to vector<200x8xf32>
    %swap3A_326 = vector.shape_cast %slice3A_320 : vector<200x8xf32> to vector<1x200x8xf32>
    tpu.vector_store %arg4[%swap3A_321, %swap3A_322, %swap3A_323], %swap3A_326 {strides = array<i32>} : memref<5x200x128xf32, #tpu.memory_space<vmem>>, vector<1x200x8xf32>,
    %slice3A_327 = vector.extract_strided_slice %add3A_26 {offsets = [2200, 16], sizes = [200, 8], strides = [1, 1]} : vector<3200x40xf32> to vector<200x8xf32>
    %swap3A_328 = arith.constant 2 : index
    %swap3A_329 = arith.constant 0 : index
    %swap3A_330 = arith.constant 88 : index
    %swap3A_331 = vector.load %arg4[%swap3A_328, %swap3A_329, %swap3A_330] : memref<5x200x128xf32, #tpu.memory_space<vmem>>, vector<1x200x8xf32>
    %swap3A_332 = vector.shape_cast %swap3A_331 : vector<1x200x8xf32> to vector<200x8xf32>
    %swap3A_333 = vector.shape_cast %slice3A_327 : vector<200x8xf32> to vector<1x200x8xf32>
    tpu.vector_store %arg4[%swap3A_328, %swap3A_329, %swap3A_330], %swap3A_333 {strides = array<i32>} : memref<5x200x128xf32, #tpu.memory_space<vmem>>, vector<1x200x8xf32>,
    %slice3A_334 = vector.extract_strided_slice %add3A_26 {offsets = [2400, 16], sizes = [200, 8], strides = [1, 1]} : vector<3200x40xf32> to vector<200x8xf32>
    %swap3A_335 = arith.constant 2 : index
    %swap3A_336 = arith.constant 0 : index
    %swap3A_337 = arith.constant 96 : index
    %swap3A_338 = vector.load %arg4[%swap3A_335, %swap3A_336, %swap3A_337] : memref<5x200x128xf32, #tpu.memory_space<vmem>>, vector<1x200x8xf32>
    %swap3A_339 = vector.shape_cast %swap3A_338 : vector<1x200x8xf32> to vector<200x8xf32>
    %swap3A_340 = vector.shape_cast %slice3A_334 : vector<200x8xf32> to vector<1x200x8xf32>
    tpu.vector_store %arg4[%swap3A_335, %swap3A_336, %swap3A_337], %swap3A_340 {strides = array<i32>} : memref<5x200x128xf32, #tpu.memory_space<vmem>>, vector<1x200x8xf32>,
    %slice3A_341 = vector.extract_strided_slice %add3A_26 {offsets = [2600, 16], sizes = [200, 8], strides = [1, 1]} : vector<3200x40xf32> to vector<200x8xf32>
    %swap3A_342 = arith.constant 2 : index
    %swap3A_343 = arith.constant 0 : index
    %swap3A_344 = arith.constant 104 : index
    %swap3A_345 = vector.load %arg4[%swap3A_342, %swap3A_343, %swap3A_344] : memref<5x200x128xf32, #tpu.memory_space<vmem>>, vector<1x200x8xf32>
    %swap3A_346 = vector.shape_cast %swap3A_345 : vector<1x200x8xf32> to vector<200x8xf32>
    %swap3A_347 = vector.shape_cast %slice3A_341 : vector<200x8xf32> to vector<1x200x8xf32>
    tpu.vector_store %arg4[%swap3A_342, %swap3A_343, %swap3A_344], %swap3A_347 {strides = array<i32>} : memref<5x200x128xf32, #tpu.memory_space<vmem>>, vector<1x200x8xf32>,
    %slice3A_348 = vector.extract_strided_slice %add3A_26 {offsets = [2800, 16], sizes = [200, 8], strides = [1, 1]} : vector<3200x40xf32> to vector<200x8xf32>
    %swap3A_349 = arith.constant 2 : index
    %swap3A_350 = arith.constant 0 : index
    %swap3A_351 = arith.constant 112 : index
    %swap3A_352 = vector.load %arg4[%swap3A_349, %swap3A_350, %swap3A_351] : memref<5x200x128xf32, #tpu.memory_space<vmem>>, vector<1x200x8xf32>
    %swap3A_353 = vector.shape_cast %swap3A_352 : vector<1x200x8xf32> to vector<200x8xf32>
    %swap3A_354 = vector.shape_cast %slice3A_348 : vector<200x8xf32> to vector<1x200x8xf32>
    tpu.vector_store %arg4[%swap3A_349, %swap3A_350, %swap3A_351], %swap3A_354 {strides = array<i32>} : memref<5x200x128xf32, #tpu.memory_space<vmem>>, vector<1x200x8xf32>,
    %slice3A_355 = vector.extract_strided_slice %add3A_26 {offsets = [3000, 16], sizes = [200, 8], strides = [1, 1]} : vector<3200x40xf32> to vector<200x8xf32>
    %swap3A_356 = arith.constant 2 : index
    %swap3A_357 = arith.constant 0 : index
    %swap3A_358 = arith.constant 120 : index
    %swap3A_359 = vector.load %arg4[%swap3A_356, %swap3A_357, %swap3A_358] : memref<5x200x128xf32, #tpu.memory_space<vmem>>, vector<1x200x8xf32>
    %swap3A_360 = vector.shape_cast %swap3A_359 : vector<1x200x8xf32> to vector<200x8xf32>
    %swap3A_361 = vector.shape_cast %slice3A_355 : vector<200x8xf32> to vector<1x200x8xf32>
    tpu.vector_store %arg4[%swap3A_356, %swap3A_357, %swap3A_358], %swap3A_361 {strides = array<i32>} : memref<5x200x128xf32, #tpu.memory_space<vmem>>, vector<1x200x8xf32>,
    %slice3A_362 = vector.extract_strided_slice %add3A_26 {offsets = [0, 24], sizes = [200, 8], strides = [1, 1]} : vector<3200x40xf32> to vector<200x8xf32>
    %swap3A_363 = arith.constant 3 : index
    %swap3A_364 = arith.constant 0 : index
    %swap3A_365 = arith.constant 0 : index
    %swap3A_366 = vector.load %arg4[%swap3A_363, %swap3A_364, %swap3A_365] : memref<5x200x128xf32, #tpu.memory_space<vmem>>, vector<1x200x8xf32>
    %swap3A_367 = vector.shape_cast %swap3A_366 : vector<1x200x8xf32> to vector<200x8xf32>
    %swap3A_368 = vector.shape_cast %slice3A_362 : vector<200x8xf32> to vector<1x200x8xf32>
    tpu.vector_store %arg4[%swap3A_363, %swap3A_364, %swap3A_365], %swap3A_368 {strides = array<i32>} : memref<5x200x128xf32, #tpu.memory_space<vmem>>, vector<1x200x8xf32>,
    %slice3A_369 = vector.extract_strided_slice %add3A_26 {offsets = [200, 24], sizes = [200, 8], strides = [1, 1]} : vector<3200x40xf32> to vector<200x8xf32>
    %swap3A_370 = arith.constant 3 : index
    %swap3A_371 = arith.constant 0 : index
    %swap3A_372 = arith.constant 8 : index
    %swap3A_373 = vector.load %arg4[%swap3A_370, %swap3A_371, %swap3A_372] : memref<5x200x128xf32, #tpu.memory_space<vmem>>, vector<1x200x8xf32>
    %swap3A_374 = vector.shape_cast %swap3A_373 : vector<1x200x8xf32> to vector<200x8xf32>
    %swap3A_375 = vector.shape_cast %slice3A_369 : vector<200x8xf32> to vector<1x200x8xf32>
    tpu.vector_store %arg4[%swap3A_370, %swap3A_371, %swap3A_372], %swap3A_375 {strides = array<i32>} : memref<5x200x128xf32, #tpu.memory_space<vmem>>, vector<1x200x8xf32>,
    %slice3A_376 = vector.extract_strided_slice %add3A_26 {offsets = [400, 24], sizes = [200, 8], strides = [1, 1]} : vector<3200x40xf32> to vector<200x8xf32>
    %swap3A_377 = arith.constant 3 : index
    %swap3A_378 = arith.constant 0 : index
    %swap3A_379 = arith.constant 16 : index
    %swap3A_380 = vector.load %arg4[%swap3A_377, %swap3A_378, %swap3A_379] : memref<5x200x128xf32, #tpu.memory_space<vmem>>, vector<1x200x8xf32>
    %swap3A_381 = vector.shape_cast %swap3A_380 : vector<1x200x8xf32> to vector<200x8xf32>
    %swap3A_382 = vector.shape_cast %slice3A_376 : vector<200x8xf32> to vector<1x200x8xf32>
    tpu.vector_store %arg4[%swap3A_377, %swap3A_378, %swap3A_379], %swap3A_382 {strides = array<i32>} : memref<5x200x128xf32, #tpu.memory_space<vmem>>, vector<1x200x8xf32>,
    %slice3A_383 = vector.extract_strided_slice %add3A_26 {offsets = [600, 24], sizes = [200, 8], strides = [1, 1]} : vector<3200x40xf32> to vector<200x8xf32>
    %swap3A_384 = arith.constant 3 : index
    %swap3A_385 = arith.constant 0 : index
    %swap3A_386 = arith.constant 24 : index
    %swap3A_387 = vector.load %arg4[%swap3A_384, %swap3A_385, %swap3A_386] : memref<5x200x128xf32, #tpu.memory_space<vmem>>, vector<1x200x8xf32>
    %swap3A_388 = vector.shape_cast %swap3A_387 : vector<1x200x8xf32> to vector<200x8xf32>
    %swap3A_389 = vector.shape_cast %slice3A_383 : vector<200x8xf32> to vector<1x200x8xf32>
    tpu.vector_store %arg4[%swap3A_384, %swap3A_385, %swap3A_386], %swap3A_389 {strides = array<i32>} : memref<5x200x128xf32, #tpu.memory_space<vmem>>, vector<1x200x8xf32>,
    %slice3A_390 = vector.extract_strided_slice %add3A_26 {offsets = [800, 24], sizes = [200, 8], strides = [1, 1]} : vector<3200x40xf32> to vector<200x8xf32>
    %swap3A_391 = arith.constant 3 : index
    %swap3A_392 = arith.constant 0 : index
    %swap3A_393 = arith.constant 32 : index
    %swap3A_394 = vector.load %arg4[%swap3A_391, %swap3A_392, %swap3A_393] : memref<5x200x128xf32, #tpu.memory_space<vmem>>, vector<1x200x8xf32>
    %swap3A_395 = vector.shape_cast %swap3A_394 : vector<1x200x8xf32> to vector<200x8xf32>
    %swap3A_396 = vector.shape_cast %slice3A_390 : vector<200x8xf32> to vector<1x200x8xf32>
    tpu.vector_store %arg4[%swap3A_391, %swap3A_392, %swap3A_393], %swap3A_396 {strides = array<i32>} : memref<5x200x128xf32, #tpu.memory_space<vmem>>, vector<1x200x8xf32>,
    %slice3A_397 = vector.extract_strided_slice %add3A_26 {offsets = [1000, 24], sizes = [200, 8], strides = [1, 1]} : vector<3200x40xf32> to vector<200x8xf32>
    %swap3A_398 = arith.constant 3 : index
    %swap3A_399 = arith.constant 0 : index
    %swap3A_400 = arith.constant 40 : index
    %swap3A_401 = vector.load %arg4[%swap3A_398, %swap3A_399, %swap3A_400] : memref<5x200x128xf32, #tpu.memory_space<vmem>>, vector<1x200x8xf32>
    %swap3A_402 = vector.shape_cast %swap3A_401 : vector<1x200x8xf32> to vector<200x8xf32>
    %swap3A_403 = vector.shape_cast %slice3A_397 : vector<200x8xf32> to vector<1x200x8xf32>
    tpu.vector_store %arg4[%swap3A_398, %swap3A_399, %swap3A_400], %swap3A_403 {strides = array<i32>} : memref<5x200x128xf32, #tpu.memory_space<vmem>>, vector<1x200x8xf32>,
    %slice3A_404 = vector.extract_strided_slice %add3A_26 {offsets = [1200, 24], sizes = [200, 8], strides = [1, 1]} : vector<3200x40xf32> to vector<200x8xf32>
    %swap3A_405 = arith.constant 3 : index
    %swap3A_406 = arith.constant 0 : index
    %swap3A_407 = arith.constant 48 : index
    %swap3A_408 = vector.load %arg4[%swap3A_405, %swap3A_406, %swap3A_407] : memref<5x200x128xf32, #tpu.memory_space<vmem>>, vector<1x200x8xf32>
    %swap3A_409 = vector.shape_cast %swap3A_408 : vector<1x200x8xf32> to vector<200x8xf32>
    %swap3A_410 = vector.shape_cast %slice3A_404 : vector<200x8xf32> to vector<1x200x8xf32>
    tpu.vector_store %arg4[%swap3A_405, %swap3A_406, %swap3A_407], %swap3A_410 {strides = array<i32>} : memref<5x200x128xf32, #tpu.memory_space<vmem>>, vector<1x200x8xf32>,
    %slice3A_411 = vector.extract_strided_slice %add3A_26 {offsets = [1400, 24], sizes = [200, 8], strides = [1, 1]} : vector<3200x40xf32> to vector<200x8xf32>
    %swap3A_412 = arith.constant 3 : index
    %swap3A_413 = arith.constant 0 : index
    %swap3A_414 = arith.constant 56 : index
    %swap3A_415 = vector.load %arg4[%swap3A_412, %swap3A_413, %swap3A_414] : memref<5x200x128xf32, #tpu.memory_space<vmem>>, vector<1x200x8xf32>
    %swap3A_416 = vector.shape_cast %swap3A_415 : vector<1x200x8xf32> to vector<200x8xf32>
    %swap3A_417 = vector.shape_cast %slice3A_411 : vector<200x8xf32> to vector<1x200x8xf32>
    tpu.vector_store %arg4[%swap3A_412, %swap3A_413, %swap3A_414], %swap3A_417 {strides = array<i32>} : memref<5x200x128xf32, #tpu.memory_space<vmem>>, vector<1x200x8xf32>,
    %slice3A_418 = vector.extract_strided_slice %add3A_26 {offsets = [1600, 24], sizes = [200, 8], strides = [1, 1]} : vector<3200x40xf32> to vector<200x8xf32>
    %swap3A_419 = arith.constant 3 : index
    %swap3A_420 = arith.constant 0 : index
    %swap3A_421 = arith.constant 64 : index
    %swap3A_422 = vector.load %arg4[%swap3A_419, %swap3A_420, %swap3A_421] : memref<5x200x128xf32, #tpu.memory_space<vmem>>, vector<1x200x8xf32>
    %swap3A_423 = vector.shape_cast %swap3A_422 : vector<1x200x8xf32> to vector<200x8xf32>
    %swap3A_424 = vector.shape_cast %slice3A_418 : vector<200x8xf32> to vector<1x200x8xf32>
    tpu.vector_store %arg4[%swap3A_419, %swap3A_420, %swap3A_421], %swap3A_424 {strides = array<i32>} : memref<5x200x128xf32, #tpu.memory_space<vmem>>, vector<1x200x8xf32>,
    %slice3A_425 = vector.extract_strided_slice %add3A_26 {offsets = [1800, 24], sizes = [200, 8], strides = [1, 1]} : vector<3200x40xf32> to vector<200x8xf32>
    %swap3A_426 = arith.constant 3 : index
    %swap3A_427 = arith.constant 0 : index
    %swap3A_428 = arith.constant 72 : index
    %swap3A_429 = vector.load %arg4[%swap3A_426, %swap3A_427, %swap3A_428] : memref<5x200x128xf32, #tpu.memory_space<vmem>>, vector<1x200x8xf32>
    %swap3A_430 = vector.shape_cast %swap3A_429 : vector<1x200x8xf32> to vector<200x8xf32>
    %swap3A_431 = vector.shape_cast %slice3A_425 : vector<200x8xf32> to vector<1x200x8xf32>
    tpu.vector_store %arg4[%swap3A_426, %swap3A_427, %swap3A_428], %swap3A_431 {strides = array<i32>} : memref<5x200x128xf32, #tpu.memory_space<vmem>>, vector<1x200x8xf32>,
    %slice3A_432 = vector.extract_strided_slice %add3A_26 {offsets = [2000, 24], sizes = [200, 8], strides = [1, 1]} : vector<3200x40xf32> to vector<200x8xf32>
    %swap3A_433 = arith.constant 3 : index
    %swap3A_434 = arith.constant 0 : index
    %swap3A_435 = arith.constant 80 : index
    %swap3A_436 = vector.load %arg4[%swap3A_433, %swap3A_434, %swap3A_435] : memref<5x200x128xf32, #tpu.memory_space<vmem>>, vector<1x200x8xf32>
    %swap3A_437 = vector.shape_cast %swap3A_436 : vector<1x200x8xf32> to vector<200x8xf32>
    %swap3A_438 = vector.shape_cast %slice3A_432 : vector<200x8xf32> to vector<1x200x8xf32>
    tpu.vector_store %arg4[%swap3A_433, %swap3A_434, %swap3A_435], %swap3A_438 {strides = array<i32>} : memref<5x200x128xf32, #tpu.memory_space<vmem>>, vector<1x200x8xf32>,
    %slice3A_439 = vector.extract_strided_slice %add3A_26 {offsets = [2200, 24], sizes = [200, 8], strides = [1, 1]} : vector<3200x40xf32> to vector<200x8xf32>
    %swap3A_440 = arith.constant 3 : index
    %swap3A_441 = arith.constant 0 : index
    %swap3A_442 = arith.constant 88 : index
    %swap3A_443 = vector.load %arg4[%swap3A_440, %swap3A_441, %swap3A_442] : memref<5x200x128xf32, #tpu.memory_space<vmem>>, vector<1x200x8xf32>
    %swap3A_444 = vector.shape_cast %swap3A_443 : vector<1x200x8xf32> to vector<200x8xf32>
    %swap3A_445 = vector.shape_cast %slice3A_439 : vector<200x8xf32> to vector<1x200x8xf32>
    tpu.vector_store %arg4[%swap3A_440, %swap3A_441, %swap3A_442], %swap3A_445 {strides = array<i32>} : memref<5x200x128xf32, #tpu.memory_space<vmem>>, vector<1x200x8xf32>,
    %slice3A_446 = vector.extract_strided_slice %add3A_26 {offsets = [2400, 24], sizes = [200, 8], strides = [1, 1]} : vector<3200x40xf32> to vector<200x8xf32>
    %swap3A_447 = arith.constant 3 : index
    %swap3A_448 = arith.constant 0 : index
    %swap3A_449 = arith.constant 96 : index
    %swap3A_450 = vector.load %arg4[%swap3A_447, %swap3A_448, %swap3A_449] : memref<5x200x128xf32, #tpu.memory_space<vmem>>, vector<1x200x8xf32>
    %swap3A_451 = vector.shape_cast %swap3A_450 : vector<1x200x8xf32> to vector<200x8xf32>
    %swap3A_452 = vector.shape_cast %slice3A_446 : vector<200x8xf32> to vector<1x200x8xf32>
    tpu.vector_store %arg4[%swap3A_447, %swap3A_448, %swap3A_449], %swap3A_452 {strides = array<i32>} : memref<5x200x128xf32, #tpu.memory_space<vmem>>, vector<1x200x8xf32>,
    %slice3A_453 = vector.extract_strided_slice %add3A_26 {offsets = [2600, 24], sizes = [200, 8], strides = [1, 1]} : vector<3200x40xf32> to vector<200x8xf32>
    %swap3A_454 = arith.constant 3 : index
    %swap3A_455 = arith.constant 0 : index
    %swap3A_456 = arith.constant 104 : index
    %swap3A_457 = vector.load %arg4[%swap3A_454, %swap3A_455, %swap3A_456] : memref<5x200x128xf32, #tpu.memory_space<vmem>>, vector<1x200x8xf32>
    %swap3A_458 = vector.shape_cast %swap3A_457 : vector<1x200x8xf32> to vector<200x8xf32>
    %swap3A_459 = vector.shape_cast %slice3A_453 : vector<200x8xf32> to vector<1x200x8xf32>
    tpu.vector_store %arg4[%swap3A_454, %swap3A_455, %swap3A_456], %swap3A_459 {strides = array<i32>} : memref<5x200x128xf32, #tpu.memory_space<vmem>>, vector<1x200x8xf32>,
    %slice3A_460 = vector.extract_strided_slice %add3A_26 {offsets = [2800, 24], sizes = [200, 8], strides = [1, 1]} : vector<3200x40xf32> to vector<200x8xf32>
    %swap3A_461 = arith.constant 3 : index
    %swap3A_462 = arith.constant 0 : index
    %swap3A_463 = arith.constant 112 : index
    %swap3A_464 = vector.load %arg4[%swap3A_461, %swap3A_462, %swap3A_463] : memref<5x200x128xf32, #tpu.memory_space<vmem>>, vector<1x200x8xf32>
    %swap3A_465 = vector.shape_cast %swap3A_464 : vector<1x200x8xf32> to vector<200x8xf32>
    %swap3A_466 = vector.shape_cast %slice3A_460 : vector<200x8xf32> to vector<1x200x8xf32>
    tpu.vector_store %arg4[%swap3A_461, %swap3A_462, %swap3A_463], %swap3A_466 {strides = array<i32>} : memref<5x200x128xf32, #tpu.memory_space<vmem>>, vector<1x200x8xf32>,
    %slice3A_467 = vector.extract_strided_slice %add3A_26 {offsets = [3000, 24], sizes = [200, 8], strides = [1, 1]} : vector<3200x40xf32> to vector<200x8xf32>
    %swap3A_468 = arith.constant 3 : index
    %swap3A_469 = arith.constant 0 : index
    %swap3A_470 = arith.constant 120 : index
    %swap3A_471 = vector.load %arg4[%swap3A_468, %swap3A_469, %swap3A_470] : memref<5x200x128xf32, #tpu.memory_space<vmem>>, vector<1x200x8xf32>
    %swap3A_472 = vector.shape_cast %swap3A_471 : vector<1x200x8xf32> to vector<200x8xf32>
    %swap3A_473 = vector.shape_cast %slice3A_467 : vector<200x8xf32> to vector<1x200x8xf32>
    tpu.vector_store %arg4[%swap3A_468, %swap3A_469, %swap3A_470], %swap3A_473 {strides = array<i32>} : memref<5x200x128xf32, #tpu.memory_space<vmem>>, vector<1x200x8xf32>,
    %slice3A_474 = vector.extract_strided_slice %add3A_26 {offsets = [0, 32], sizes = [200, 8], strides = [1, 1]} : vector<3200x40xf32> to vector<200x8xf32>
    %swap3A_475 = arith.constant 4 : index
    %swap3A_476 = arith.constant 0 : index
    %swap3A_477 = arith.constant 0 : index
    %swap3A_478 = vector.load %arg4[%swap3A_475, %swap3A_476, %swap3A_477] : memref<5x200x128xf32, #tpu.memory_space<vmem>>, vector<1x200x8xf32>
    %swap3A_479 = vector.shape_cast %swap3A_478 : vector<1x200x8xf32> to vector<200x8xf32>
    %swap3A_480 = vector.shape_cast %slice3A_474 : vector<200x8xf32> to vector<1x200x8xf32>
    tpu.vector_store %arg4[%swap3A_475, %swap3A_476, %swap3A_477], %swap3A_480 {strides = array<i32>} : memref<5x200x128xf32, #tpu.memory_space<vmem>>, vector<1x200x8xf32>,
    %slice3A_481 = vector.extract_strided_slice %add3A_26 {offsets = [200, 32], sizes = [200, 8], strides = [1, 1]} : vector<3200x40xf32> to vector<200x8xf32>
    %swap3A_482 = arith.constant 4 : index
    %swap3A_483 = arith.constant 0 : index
    %swap3A_484 = arith.constant 8 : index
    %swap3A_485 = vector.load %arg4[%swap3A_482, %swap3A_483, %swap3A_484] : memref<5x200x128xf32, #tpu.memory_space<vmem>>, vector<1x200x8xf32>
    %swap3A_486 = vector.shape_cast %swap3A_485 : vector<1x200x8xf32> to vector<200x8xf32>
    %swap3A_487 = vector.shape_cast %slice3A_481 : vector<200x8xf32> to vector<1x200x8xf32>
    tpu.vector_store %arg4[%swap3A_482, %swap3A_483, %swap3A_484], %swap3A_487 {strides = array<i32>} : memref<5x200x128xf32, #tpu.memory_space<vmem>>, vector<1x200x8xf32>,
    %slice3A_488 = vector.extract_strided_slice %add3A_26 {offsets = [400, 32], sizes = [200, 8], strides = [1, 1]} : vector<3200x40xf32> to vector<200x8xf32>
    %swap3A_489 = arith.constant 4 : index
    %swap3A_490 = arith.constant 0 : index
    %swap3A_491 = arith.constant 16 : index
    %swap3A_492 = vector.load %arg4[%swap3A_489, %swap3A_490, %swap3A_491] : memref<5x200x128xf32, #tpu.memory_space<vmem>>, vector<1x200x8xf32>
    %swap3A_493 = vector.shape_cast %swap3A_492 : vector<1x200x8xf32> to vector<200x8xf32>
    %swap3A_494 = vector.shape_cast %slice3A_488 : vector<200x8xf32> to vector<1x200x8xf32>
    tpu.vector_store %arg4[%swap3A_489, %swap3A_490, %swap3A_491], %swap3A_494 {strides = array<i32>} : memref<5x200x128xf32, #tpu.memory_space<vmem>>, vector<1x200x8xf32>,
    %slice3A_495 = vector.extract_strided_slice %add3A_26 {offsets = [600, 32], sizes = [200, 8], strides = [1, 1]} : vector<3200x40xf32> to vector<200x8xf32>
    %swap3A_496 = arith.constant 4 : index
    %swap3A_497 = arith.constant 0 : index
    %swap3A_498 = arith.constant 24 : index
    %swap3A_499 = vector.load %arg4[%swap3A_496, %swap3A_497, %swap3A_498] : memref<5x200x128xf32, #tpu.memory_space<vmem>>, vector<1x200x8xf32>
    %swap3A_500 = vector.shape_cast %swap3A_499 : vector<1x200x8xf32> to vector<200x8xf32>
    %swap3A_501 = vector.shape_cast %slice3A_495 : vector<200x8xf32> to vector<1x200x8xf32>
    tpu.vector_store %arg4[%swap3A_496, %swap3A_497, %swap3A_498], %swap3A_501 {strides = array<i32>} : memref<5x200x128xf32, #tpu.memory_space<vmem>>, vector<1x200x8xf32>,
    %slice3A_502 = vector.extract_strided_slice %add3A_26 {offsets = [800, 32], sizes = [200, 8], strides = [1, 1]} : vector<3200x40xf32> to vector<200x8xf32>
    %swap3A_503 = arith.constant 4 : index
    %swap3A_504 = arith.constant 0 : index
    %swap3A_505 = arith.constant 32 : index
    %swap3A_506 = vector.load %arg4[%swap3A_503, %swap3A_504, %swap3A_505] : memref<5x200x128xf32, #tpu.memory_space<vmem>>, vector<1x200x8xf32>
    %swap3A_507 = vector.shape_cast %swap3A_506 : vector<1x200x8xf32> to vector<200x8xf32>
    %swap3A_508 = vector.shape_cast %slice3A_502 : vector<200x8xf32> to vector<1x200x8xf32>
    tpu.vector_store %arg4[%swap3A_503, %swap3A_504, %swap3A_505], %swap3A_508 {strides = array<i32>} : memref<5x200x128xf32, #tpu.memory_space<vmem>>, vector<1x200x8xf32>,
    %slice3A_509 = vector.extract_strided_slice %add3A_26 {offsets = [1000, 32], sizes = [200, 8], strides = [1, 1]} : vector<3200x40xf32> to vector<200x8xf32>
    %swap3A_510 = arith.constant 4 : index
    %swap3A_511 = arith.constant 0 : index
    %swap3A_512 = arith.constant 40 : index
    %swap3A_513 = vector.load %arg4[%swap3A_510, %swap3A_511, %swap3A_512] : memref<5x200x128xf32, #tpu.memory_space<vmem>>, vector<1x200x8xf32>
    %swap3A_514 = vector.shape_cast %swap3A_513 : vector<1x200x8xf32> to vector<200x8xf32>
    %swap3A_515 = vector.shape_cast %slice3A_509 : vector<200x8xf32> to vector<1x200x8xf32>
    tpu.vector_store %arg4[%swap3A_510, %swap3A_511, %swap3A_512], %swap3A_515 {strides = array<i32>} : memref<5x200x128xf32, #tpu.memory_space<vmem>>, vector<1x200x8xf32>,
    %slice3A_516 = vector.extract_strided_slice %add3A_26 {offsets = [1200, 32], sizes = [200, 8], strides = [1, 1]} : vector<3200x40xf32> to vector<200x8xf32>
    %swap3A_517 = arith.constant 4 : index
    %swap3A_518 = arith.constant 0 : index
    %swap3A_519 = arith.constant 48 : index
    %swap3A_520 = vector.load %arg4[%swap3A_517, %swap3A_518, %swap3A_519] : memref<5x200x128xf32, #tpu.memory_space<vmem>>, vector<1x200x8xf32>
    %swap3A_521 = vector.shape_cast %swap3A_520 : vector<1x200x8xf32> to vector<200x8xf32>
    %swap3A_522 = vector.shape_cast %slice3A_516 : vector<200x8xf32> to vector<1x200x8xf32>
    tpu.vector_store %arg4[%swap3A_517, %swap3A_518, %swap3A_519], %swap3A_522 {strides = array<i32>} : memref<5x200x128xf32, #tpu.memory_space<vmem>>, vector<1x200x8xf32>,
    %slice3A_523 = vector.extract_strided_slice %add3A_26 {offsets = [1400, 32], sizes = [200, 8], strides = [1, 1]} : vector<3200x40xf32> to vector<200x8xf32>
    %swap3A_524 = arith.constant 4 : index
    %swap3A_525 = arith.constant 0 : index
    %swap3A_526 = arith.constant 56 : index
    %swap3A_527 = vector.load %arg4[%swap3A_524, %swap3A_525, %swap3A_526] : memref<5x200x128xf32, #tpu.memory_space<vmem>>, vector<1x200x8xf32>
    %swap3A_528 = vector.shape_cast %swap3A_527 : vector<1x200x8xf32> to vector<200x8xf32>
    %swap3A_529 = vector.shape_cast %slice3A_523 : vector<200x8xf32> to vector<1x200x8xf32>
    tpu.vector_store %arg4[%swap3A_524, %swap3A_525, %swap3A_526], %swap3A_529 {strides = array<i32>} : memref<5x200x128xf32, #tpu.memory_space<vmem>>, vector<1x200x8xf32>,
    %slice3A_530 = vector.extract_strided_slice %add3A_26 {offsets = [1600, 32], sizes = [200, 8], strides = [1, 1]} : vector<3200x40xf32> to vector<200x8xf32>
    %swap3A_531 = arith.constant 4 : index
    %swap3A_532 = arith.constant 0 : index
    %swap3A_533 = arith.constant 64 : index
    %swap3A_534 = vector.load %arg4[%swap3A_531, %swap3A_532, %swap3A_533] : memref<5x200x128xf32, #tpu.memory_space<vmem>>, vector<1x200x8xf32>
    %swap3A_535 = vector.shape_cast %swap3A_534 : vector<1x200x8xf32> to vector<200x8xf32>
    %swap3A_536 = vector.shape_cast %slice3A_530 : vector<200x8xf32> to vector<1x200x8xf32>
    tpu.vector_store %arg4[%swap3A_531, %swap3A_532, %swap3A_533], %swap3A_536 {strides = array<i32>} : memref<5x200x128xf32, #tpu.memory_space<vmem>>, vector<1x200x8xf32>,
    %slice3A_537 = vector.extract_strided_slice %add3A_26 {offsets = [1800, 32], sizes = [200, 8], strides = [1, 1]} : vector<3200x40xf32> to vector<200x8xf32>
    %swap3A_538 = arith.constant 4 : index
    %swap3A_539 = arith.constant 0 : index
    %swap3A_540 = arith.constant 72 : index
    %swap3A_541 = vector.load %arg4[%swap3A_538, %swap3A_539, %swap3A_540] : memref<5x200x128xf32, #tpu.memory_space<vmem>>, vector<1x200x8xf32>
    %swap3A_542 = vector.shape_cast %swap3A_541 : vector<1x200x8xf32> to vector<200x8xf32>
    %swap3A_543 = vector.shape_cast %slice3A_537 : vector<200x8xf32> to vector<1x200x8xf32>
    tpu.vector_store %arg4[%swap3A_538, %swap3A_539, %swap3A_540], %swap3A_543 {strides = array<i32>} : memref<5x200x128xf32, #tpu.memory_space<vmem>>, vector<1x200x8xf32>,
    %slice3A_544 = vector.extract_strided_slice %add3A_26 {offsets = [2000, 32], sizes = [200, 8], strides = [1, 1]} : vector<3200x40xf32> to vector<200x8xf32>
    %swap3A_545 = arith.constant 4 : index
    %swap3A_546 = arith.constant 0 : index
    %swap3A_547 = arith.constant 80 : index
    %swap3A_548 = vector.load %arg4[%swap3A_545, %swap3A_546, %swap3A_547] : memref<5x200x128xf32, #tpu.memory_space<vmem>>, vector<1x200x8xf32>
    %swap3A_549 = vector.shape_cast %swap3A_548 : vector<1x200x8xf32> to vector<200x8xf32>
    %swap3A_550 = vector.shape_cast %slice3A_544 : vector<200x8xf32> to vector<1x200x8xf32>
    tpu.vector_store %arg4[%swap3A_545, %swap3A_546, %swap3A_547], %swap3A_550 {strides = array<i32>} : memref<5x200x128xf32, #tpu.memory_space<vmem>>, vector<1x200x8xf32>,
    %slice3A_551 = vector.extract_strided_slice %add3A_26 {offsets = [2200, 32], sizes = [200, 8], strides = [1, 1]} : vector<3200x40xf32> to vector<200x8xf32>
    %swap3A_552 = arith.constant 4 : index
    %swap3A_553 = arith.constant 0 : index
    %swap3A_554 = arith.constant 88 : index
    %swap3A_555 = vector.load %arg4[%swap3A_552, %swap3A_553, %swap3A_554] : memref<5x200x128xf32, #tpu.memory_space<vmem>>, vector<1x200x8xf32>
    %swap3A_556 = vector.shape_cast %swap3A_555 : vector<1x200x8xf32> to vector<200x8xf32>
    %swap3A_557 = vector.shape_cast %slice3A_551 : vector<200x8xf32> to vector<1x200x8xf32>
    tpu.vector_store %arg4[%swap3A_552, %swap3A_553, %swap3A_554], %swap3A_557 {strides = array<i32>} : memref<5x200x128xf32, #tpu.memory_space<vmem>>, vector<1x200x8xf32>,
    %slice3A_558 = vector.extract_strided_slice %add3A_26 {offsets = [2400, 32], sizes = [200, 8], strides = [1, 1]} : vector<3200x40xf32> to vector<200x8xf32>
    %swap3A_559 = arith.constant 4 : index
    %swap3A_560 = arith.constant 0 : index
    %swap3A_561 = arith.constant 96 : index
    %swap3A_562 = vector.load %arg4[%swap3A_559, %swap3A_560, %swap3A_561] : memref<5x200x128xf32, #tpu.memory_space<vmem>>, vector<1x200x8xf32>
    %swap3A_563 = vector.shape_cast %swap3A_562 : vector<1x200x8xf32> to vector<200x8xf32>
    %swap3A_564 = vector.shape_cast %slice3A_558 : vector<200x8xf32> to vector<1x200x8xf32>
    tpu.vector_store %arg4[%swap3A_559, %swap3A_560, %swap3A_561], %swap3A_564 {strides = array<i32>} : memref<5x200x128xf32, #tpu.memory_space<vmem>>, vector<1x200x8xf32>,
    %slice3A_565 = vector.extract_strided_slice %add3A_26 {offsets = [2600, 32], sizes = [200, 8], strides = [1, 1]} : vector<3200x40xf32> to vector<200x8xf32>
    %swap3A_566 = arith.constant 4 : index
    %swap3A_567 = arith.constant 0 : index
    %swap3A_568 = arith.constant 104 : index
    %swap3A_569 = vector.load %arg4[%swap3A_566, %swap3A_567, %swap3A_568] : memref<5x200x128xf32, #tpu.memory_space<vmem>>, vector<1x200x8xf32>
    %swap3A_570 = vector.shape_cast %swap3A_569 : vector<1x200x8xf32> to vector<200x8xf32>
    %swap3A_571 = vector.shape_cast %slice3A_565 : vector<200x8xf32> to vector<1x200x8xf32>
    tpu.vector_store %arg4[%swap3A_566, %swap3A_567, %swap3A_568], %swap3A_571 {strides = array<i32>} : memref<5x200x128xf32, #tpu.memory_space<vmem>>, vector<1x200x8xf32>,
    %slice3A_572 = vector.extract_strided_slice %add3A_26 {offsets = [2800, 32], sizes = [200, 8], strides = [1, 1]} : vector<3200x40xf32> to vector<200x8xf32>
    %swap3A_573 = arith.constant 4 : index
    %swap3A_574 = arith.constant 0 : index
    %swap3A_575 = arith.constant 112 : index
    %swap3A_576 = vector.load %arg4[%swap3A_573, %swap3A_574, %swap3A_575] : memref<5x200x128xf32, #tpu.memory_space<vmem>>, vector<1x200x8xf32>
    %swap3A_577 = vector.shape_cast %swap3A_576 : vector<1x200x8xf32> to vector<200x8xf32>
    %swap3A_578 = vector.shape_cast %slice3A_572 : vector<200x8xf32> to vector<1x200x8xf32>
    tpu.vector_store %arg4[%swap3A_573, %swap3A_574, %swap3A_575], %swap3A_578 {strides = array<i32>} : memref<5x200x128xf32, #tpu.memory_space<vmem>>, vector<1x200x8xf32>,
    %slice3A_579 = vector.extract_strided_slice %add3A_26 {offsets = [3000, 32], sizes = [200, 8], strides = [1, 1]} : vector<3200x40xf32> to vector<200x8xf32>
    %swap3A_580 = arith.constant 4 : index
    %swap3A_581 = arith.constant 0 : index
    %swap3A_582 = arith.constant 120 : index
    %swap3A_583 = vector.load %arg4[%swap3A_580, %swap3A_581, %swap3A_582] : memref<5x200x128xf32, #tpu.memory_space<vmem>>, vector<1x200x8xf32>
    %swap3A_584 = vector.shape_cast %swap3A_583 : vector<1x200x8xf32> to vector<200x8xf32>
    %swap3A_585 = vector.shape_cast %slice3A_579 : vector<200x8xf32> to vector<1x200x8xf32>
    tpu.vector_store %arg4[%swap3A_580, %swap3A_581, %swap3A_582], %swap3A_585 {strides = array<i32>} : memref<5x200x128xf32, #tpu.memory_space<vmem>>, vector<1x200x8xf32>,
    return
  }
  func.func @transform_0(%arg0: i32) -> (i32, i32) {
    %c0_i32 = arith.constant 0 : i32
    %c0_i32_0 = arith.constant 0 : i32
    return %arg0, %c0_i32 : i32, i32
  }
  func.func @transform_1(%arg0: i32) -> (i32, i32) {
    %c0_i32 = arith.constant 0 : i32
    %c0_i32_0 = arith.constant 0 : i32
    return %arg0, %c0_i32 : i32, i32
  }
  func.func @transform_2(%arg0: i32) -> (i32, i32) {
    %c0_i32 = arith.constant 0 : i32
    %c0_i32_0 = arith.constant 0 : i32
    %c0_i32_1 = arith.constant 0 : i32
    return %c0_i32, %c0_i32_0 : i32, i32
  }
  func.func @transform_3(%arg0: i32) -> (i32, i32, i32) {
    %c0_i32 = arith.constant 0 : i32
    %c0_i32_0 = arith.constant 0 : i32
    %c0_i32_1 = arith.constant 0 : i32
    return %c0_i32, %arg0, %c0_i32_0 : i32, i32, i32
  }
}

module attributes {stable_mosaic.version = 14 : i64} {
  func.func @_upd_body(%arg0: i32, %arg1: memref<1000x40xf32, #tpu.memory_space<vmem>>, %arg2: memref<1000x40xf32, #tpu.memory_space<vmem>>, %arg3: memref<40x1600xf32, #tpu.memory_space<vmem>>, %arg4: memref<40x40xf32, #tpu.memory_space<vmem>>, %arg5: memref<1000x40xf32, #tpu.memory_space<vmem>>) attributes {dimension_semantics = [#tpu.dimension_semantics<arbitrary>], iteration_bounds = array<i64: 100>, scalar_prefetch = 0 : i64, scratch_operands = 0 : i64, tpu.core_type = #tpu.core_type<tc>, window_params = [{transform_indices = @transform_0, window_bounds = array<i64: 1000, 40>}, {transform_indices = @transform_1, window_bounds = array<i64: 1000, 40>}, {pipeline_mode = #tpu.pipeline_mode<synchronous>, transform_indices = @transform_2, window_bounds = array<i64: 40, 1600>}, {pipeline_mode = #tpu.pipeline_mode<synchronous>, transform_indices = @transform_3, window_bounds = array<i64: 40, 40>}, {transform_indices = @transform_4, window_bounds = array<i64: 1000, 40>}]} {
    %get3A = arith.constant 0 : index
    %get3A_0 = arith.constant 0 : index
    %get3A_1 = vector.load %arg1[%get3A, %get3A_0] : memref<1000x40xf32, #tpu.memory_space<vmem>>, vector<1000x40xf32>
    %get3A_2 = arith.constant 0 : index
    %get3A_3 = arith.constant 0 : index
    %get3A_4 = vector.load %arg2[%get3A_2, %get3A_3] : memref<1000x40xf32, #tpu.memory_space<vmem>>, vector<1000x40xf32>
    %get3A_5 = arith.constant 0 : index
    %get3A_6 = arith.constant 0 : index
    %get3A_7 = vector.load %arg4[%get3A_5, %get3A_6] : memref<40x40xf32, #tpu.memory_space<vmem>>, vector<40x40xf32>
    %dot_general3A = arith.constant dense<0.000000e+00> : vector<1000x40xf32>
    %dot_general3A_8 = tpu.matmul %get3A_1, %get3A_7, %dot_general3A {dimension_numbers = #tpu.dot_dimension_numbers<[1], [0], [0], [1], [0, 0, 1, 1], [], []>, transpose_lhs_hint = false} : vector<1000x40xf32>, vector<40x40xf32>, vector<1000x40xf32> -> vector<1000x40xf32>
    %get3A_9 = arith.constant 0 : index
    %get3A_10 = arith.constant 0 : index
    %get3A_11 = vector.load %arg3[%get3A_9, %get3A_10] : memref<40x1600xf32, #tpu.memory_space<vmem>>, vector<40x320xf32>
    %dot_general3A_12 = arith.constant dense<0.000000e+00> : vector<1000x320xf32>
    %dot_general3A_13 = tpu.matmul %get3A_1, %get3A_11, %dot_general3A_12 {dimension_numbers = #tpu.dot_dimension_numbers<[1], [0], [0], [1], [0, 0, 1, 1], [], []>, transpose_lhs_hint = false} : vector<1000x40xf32>, vector<40x320xf32>, vector<1000x320xf32> -> vector<1000x320xf32>
    %slice3A = vector.extract_strided_slice %get3A_4 {offsets = [0, 0], sizes = [1000, 1], strides = [1, 1]} : vector<1000x40xf32> to vector<1000x1xf32>
    %slice3A_14 = vector.extract_strided_slice %dot_general3A_13 {offsets = [0, 0], sizes = [1000, 40], strides = [1, 1]} : vector<1000x320xf32> to vector<1000x40xf32>
    %mul3A = vector.broadcast %slice3A : vector<1000x1xf32> to vector<1000x40xf32>
    %mul3A_15 = arith.mulf %mul3A, %slice3A_14 : vector<1000x40xf32>
    %add3A = arith.addf %dot_general3A_8, %mul3A_15 : vector<1000x40xf32>
    %slice3A_16 = vector.extract_strided_slice %get3A_4 {offsets = [0, 1], sizes = [1000, 1], strides = [1, 1]} : vector<1000x40xf32> to vector<1000x1xf32>
    %slice3A_17 = vector.extract_strided_slice %dot_general3A_13 {offsets = [0, 40], sizes = [1000, 40], strides = [1, 1]} : vector<1000x320xf32> to vector<1000x40xf32>
    %mul3A_18 = vector.broadcast %slice3A_16 : vector<1000x1xf32> to vector<1000x40xf32>
    %mul3A_19 = arith.mulf %mul3A_18, %slice3A_17 : vector<1000x40xf32>
    %add3A_20 = arith.addf %add3A, %mul3A_19 : vector<1000x40xf32>
    %slice3A_21 = vector.extract_strided_slice %get3A_4 {offsets = [0, 2], sizes = [1000, 1], strides = [1, 1]} : vector<1000x40xf32> to vector<1000x1xf32>
    %slice3A_22 = vector.extract_strided_slice %dot_general3A_13 {offsets = [0, 80], sizes = [1000, 40], strides = [1, 1]} : vector<1000x320xf32> to vector<1000x40xf32>
    %mul3A_23 = vector.broadcast %slice3A_21 : vector<1000x1xf32> to vector<1000x40xf32>
    %mul3A_24 = arith.mulf %mul3A_23, %slice3A_22 : vector<1000x40xf32>
    %add3A_25 = arith.addf %add3A_20, %mul3A_24 : vector<1000x40xf32>
    %slice3A_26 = vector.extract_strided_slice %get3A_4 {offsets = [0, 3], sizes = [1000, 1], strides = [1, 1]} : vector<1000x40xf32> to vector<1000x1xf32>
    %slice3A_27 = vector.extract_strided_slice %dot_general3A_13 {offsets = [0, 120], sizes = [1000, 40], strides = [1, 1]} : vector<1000x320xf32> to vector<1000x40xf32>
    %mul3A_28 = vector.broadcast %slice3A_26 : vector<1000x1xf32> to vector<1000x40xf32>
    %mul3A_29 = arith.mulf %mul3A_28, %slice3A_27 : vector<1000x40xf32>
    %add3A_30 = arith.addf %add3A_25, %mul3A_29 : vector<1000x40xf32>
    %slice3A_31 = vector.extract_strided_slice %get3A_4 {offsets = [0, 4], sizes = [1000, 1], strides = [1, 1]} : vector<1000x40xf32> to vector<1000x1xf32>
    %slice3A_32 = vector.extract_strided_slice %dot_general3A_13 {offsets = [0, 160], sizes = [1000, 40], strides = [1, 1]} : vector<1000x320xf32> to vector<1000x40xf32>
    %mul3A_33 = vector.broadcast %slice3A_31 : vector<1000x1xf32> to vector<1000x40xf32>
    %mul3A_34 = arith.mulf %mul3A_33, %slice3A_32 : vector<1000x40xf32>
    %add3A_35 = arith.addf %add3A_30, %mul3A_34 : vector<1000x40xf32>
    %slice3A_36 = vector.extract_strided_slice %get3A_4 {offsets = [0, 5], sizes = [1000, 1], strides = [1, 1]} : vector<1000x40xf32> to vector<1000x1xf32>
    %slice3A_37 = vector.extract_strided_slice %dot_general3A_13 {offsets = [0, 200], sizes = [1000, 40], strides = [1, 1]} : vector<1000x320xf32> to vector<1000x40xf32>
    %mul3A_38 = vector.broadcast %slice3A_36 : vector<1000x1xf32> to vector<1000x40xf32>
    %mul3A_39 = arith.mulf %mul3A_38, %slice3A_37 : vector<1000x40xf32>
    %add3A_40 = arith.addf %add3A_35, %mul3A_39 : vector<1000x40xf32>
    %slice3A_41 = vector.extract_strided_slice %get3A_4 {offsets = [0, 6], sizes = [1000, 1], strides = [1, 1]} : vector<1000x40xf32> to vector<1000x1xf32>
    %slice3A_42 = vector.extract_strided_slice %dot_general3A_13 {offsets = [0, 240], sizes = [1000, 40], strides = [1, 1]} : vector<1000x320xf32> to vector<1000x40xf32>
    %mul3A_43 = vector.broadcast %slice3A_41 : vector<1000x1xf32> to vector<1000x40xf32>
    %mul3A_44 = arith.mulf %mul3A_43, %slice3A_42 : vector<1000x40xf32>
    %add3A_45 = arith.addf %add3A_40, %mul3A_44 : vector<1000x40xf32>
    %slice3A_46 = vector.extract_strided_slice %get3A_4 {offsets = [0, 7], sizes = [1000, 1], strides = [1, 1]} : vector<1000x40xf32> to vector<1000x1xf32>
    %slice3A_47 = vector.extract_strided_slice %dot_general3A_13 {offsets = [0, 280], sizes = [1000, 40], strides = [1, 1]} : vector<1000x320xf32> to vector<1000x40xf32>
    %mul3A_48 = vector.broadcast %slice3A_46 : vector<1000x1xf32> to vector<1000x40xf32>
    %mul3A_49 = arith.mulf %mul3A_48, %slice3A_47 : vector<1000x40xf32>
    %add3A_50 = arith.addf %add3A_45, %mul3A_49 : vector<1000x40xf32>
    %get3A_51 = arith.constant 0 : index
    %get3A_52 = arith.constant 320 : index
    %get3A_53 = vector.load %arg3[%get3A_51, %get3A_52] : memref<40x1600xf32, #tpu.memory_space<vmem>>, vector<40x320xf32>
    %dot_general3A_54 = arith.constant dense<0.000000e+00> : vector<1000x320xf32>
    %dot_general3A_55 = tpu.matmul %get3A_1, %get3A_53, %dot_general3A_54 {dimension_numbers = #tpu.dot_dimension_numbers<[1], [0], [0], [1], [0, 0, 1, 1], [], []>, transpose_lhs_hint = false} : vector<1000x40xf32>, vector<40x320xf32>, vector<1000x320xf32> -> vector<1000x320xf32>
    %slice3A_56 = vector.extract_strided_slice %get3A_4 {offsets = [0, 8], sizes = [1000, 1], strides = [1, 1]} : vector<1000x40xf32> to vector<1000x1xf32>
    %slice3A_57 = vector.extract_strided_slice %dot_general3A_55 {offsets = [0, 0], sizes = [1000, 40], strides = [1, 1]} : vector<1000x320xf32> to vector<1000x40xf32>
    %mul3A_58 = vector.broadcast %slice3A_56 : vector<1000x1xf32> to vector<1000x40xf32>
    %mul3A_59 = arith.mulf %mul3A_58, %slice3A_57 : vector<1000x40xf32>
    %add3A_60 = arith.addf %add3A_50, %mul3A_59 : vector<1000x40xf32>
    %slice3A_61 = vector.extract_strided_slice %get3A_4 {offsets = [0, 9], sizes = [1000, 1], strides = [1, 1]} : vector<1000x40xf32> to vector<1000x1xf32>
    %slice3A_62 = vector.extract_strided_slice %dot_general3A_55 {offsets = [0, 40], sizes = [1000, 40], strides = [1, 1]} : vector<1000x320xf32> to vector<1000x40xf32>
    %mul3A_63 = vector.broadcast %slice3A_61 : vector<1000x1xf32> to vector<1000x40xf32>
    %mul3A_64 = arith.mulf %mul3A_63, %slice3A_62 : vector<1000x40xf32>
    %add3A_65 = arith.addf %add3A_60, %mul3A_64 : vector<1000x40xf32>
    %slice3A_66 = vector.extract_strided_slice %get3A_4 {offsets = [0, 10], sizes = [1000, 1], strides = [1, 1]} : vector<1000x40xf32> to vector<1000x1xf32>
    %slice3A_67 = vector.extract_strided_slice %dot_general3A_55 {offsets = [0, 80], sizes = [1000, 40], strides = [1, 1]} : vector<1000x320xf32> to vector<1000x40xf32>
    %mul3A_68 = vector.broadcast %slice3A_66 : vector<1000x1xf32> to vector<1000x40xf32>
    %mul3A_69 = arith.mulf %mul3A_68, %slice3A_67 : vector<1000x40xf32>
    %add3A_70 = arith.addf %add3A_65, %mul3A_69 : vector<1000x40xf32>
    %slice3A_71 = vector.extract_strided_slice %get3A_4 {offsets = [0, 11], sizes = [1000, 1], strides = [1, 1]} : vector<1000x40xf32> to vector<1000x1xf32>
    %slice3A_72 = vector.extract_strided_slice %dot_general3A_55 {offsets = [0, 120], sizes = [1000, 40], strides = [1, 1]} : vector<1000x320xf32> to vector<1000x40xf32>
    %mul3A_73 = vector.broadcast %slice3A_71 : vector<1000x1xf32> to vector<1000x40xf32>
    %mul3A_74 = arith.mulf %mul3A_73, %slice3A_72 : vector<1000x40xf32>
    %add3A_75 = arith.addf %add3A_70, %mul3A_74 : vector<1000x40xf32>
    %slice3A_76 = vector.extract_strided_slice %get3A_4 {offsets = [0, 12], sizes = [1000, 1], strides = [1, 1]} : vector<1000x40xf32> to vector<1000x1xf32>
    %slice3A_77 = vector.extract_strided_slice %dot_general3A_55 {offsets = [0, 160], sizes = [1000, 40], strides = [1, 1]} : vector<1000x320xf32> to vector<1000x40xf32>
    %mul3A_78 = vector.broadcast %slice3A_76 : vector<1000x1xf32> to vector<1000x40xf32>
    %mul3A_79 = arith.mulf %mul3A_78, %slice3A_77 : vector<1000x40xf32>
    %add3A_80 = arith.addf %add3A_75, %mul3A_79 : vector<1000x40xf32>
    %slice3A_81 = vector.extract_strided_slice %get3A_4 {offsets = [0, 13], sizes = [1000, 1], strides = [1, 1]} : vector<1000x40xf32> to vector<1000x1xf32>
    %slice3A_82 = vector.extract_strided_slice %dot_general3A_55 {offsets = [0, 200], sizes = [1000, 40], strides = [1, 1]} : vector<1000x320xf32> to vector<1000x40xf32>
    %mul3A_83 = vector.broadcast %slice3A_81 : vector<1000x1xf32> to vector<1000x40xf32>
    %mul3A_84 = arith.mulf %mul3A_83, %slice3A_82 : vector<1000x40xf32>
    %add3A_85 = arith.addf %add3A_80, %mul3A_84 : vector<1000x40xf32>
    %slice3A_86 = vector.extract_strided_slice %get3A_4 {offsets = [0, 14], sizes = [1000, 1], strides = [1, 1]} : vector<1000x40xf32> to vector<1000x1xf32>
    %slice3A_87 = vector.extract_strided_slice %dot_general3A_55 {offsets = [0, 240], sizes = [1000, 40], strides = [1, 1]} : vector<1000x320xf32> to vector<1000x40xf32>
    %mul3A_88 = vector.broadcast %slice3A_86 : vector<1000x1xf32> to vector<1000x40xf32>
    %mul3A_89 = arith.mulf %mul3A_88, %slice3A_87 : vector<1000x40xf32>
    %add3A_90 = arith.addf %add3A_85, %mul3A_89 : vector<1000x40xf32>
    %slice3A_91 = vector.extract_strided_slice %get3A_4 {offsets = [0, 15], sizes = [1000, 1], strides = [1, 1]} : vector<1000x40xf32> to vector<1000x1xf32>
    %slice3A_92 = vector.extract_strided_slice %dot_general3A_55 {offsets = [0, 280], sizes = [1000, 40], strides = [1, 1]} : vector<1000x320xf32> to vector<1000x40xf32>
    %mul3A_93 = vector.broadcast %slice3A_91 : vector<1000x1xf32> to vector<1000x40xf32>
    %mul3A_94 = arith.mulf %mul3A_93, %slice3A_92 : vector<1000x40xf32>
    %add3A_95 = arith.addf %add3A_90, %mul3A_94 : vector<1000x40xf32>
    %get3A_96 = arith.constant 0 : index
    %get3A_97 = arith.constant 640 : index
    %get3A_98 = vector.load %arg3[%get3A_96, %get3A_97] : memref<40x1600xf32, #tpu.memory_space<vmem>>, vector<40x320xf32>
    %dot_general3A_99 = arith.constant dense<0.000000e+00> : vector<1000x320xf32>
    %dot_general3A_100 = tpu.matmul %get3A_1, %get3A_98, %dot_general3A_99 {dimension_numbers = #tpu.dot_dimension_numbers<[1], [0], [0], [1], [0, 0, 1, 1], [], []>, transpose_lhs_hint = false} : vector<1000x40xf32>, vector<40x320xf32>, vector<1000x320xf32> -> vector<1000x320xf32>
    %slice3A_101 = vector.extract_strided_slice %get3A_4 {offsets = [0, 16], sizes = [1000, 1], strides = [1, 1]} : vector<1000x40xf32> to vector<1000x1xf32>
    %slice3A_102 = vector.extract_strided_slice %dot_general3A_100 {offsets = [0, 0], sizes = [1000, 40], strides = [1, 1]} : vector<1000x320xf32> to vector<1000x40xf32>
    %mul3A_103 = vector.broadcast %slice3A_101 : vector<1000x1xf32> to vector<1000x40xf32>
    %mul3A_104 = arith.mulf %mul3A_103, %slice3A_102 : vector<1000x40xf32>
    %add3A_105 = arith.addf %add3A_95, %mul3A_104 : vector<1000x40xf32>
    %slice3A_106 = vector.extract_strided_slice %get3A_4 {offsets = [0, 17], sizes = [1000, 1], strides = [1, 1]} : vector<1000x40xf32> to vector<1000x1xf32>
    %slice3A_107 = vector.extract_strided_slice %dot_general3A_100 {offsets = [0, 40], sizes = [1000, 40], strides = [1, 1]} : vector<1000x320xf32> to vector<1000x40xf32>
    %mul3A_108 = vector.broadcast %slice3A_106 : vector<1000x1xf32> to vector<1000x40xf32>
    %mul3A_109 = arith.mulf %mul3A_108, %slice3A_107 : vector<1000x40xf32>
    %add3A_110 = arith.addf %add3A_105, %mul3A_109 : vector<1000x40xf32>
    %slice3A_111 = vector.extract_strided_slice %get3A_4 {offsets = [0, 18], sizes = [1000, 1], strides = [1, 1]} : vector<1000x40xf32> to vector<1000x1xf32>
    %slice3A_112 = vector.extract_strided_slice %dot_general3A_100 {offsets = [0, 80], sizes = [1000, 40], strides = [1, 1]} : vector<1000x320xf32> to vector<1000x40xf32>
    %mul3A_113 = vector.broadcast %slice3A_111 : vector<1000x1xf32> to vector<1000x40xf32>
    %mul3A_114 = arith.mulf %mul3A_113, %slice3A_112 : vector<1000x40xf32>
    %add3A_115 = arith.addf %add3A_110, %mul3A_114 : vector<1000x40xf32>
    %slice3A_116 = vector.extract_strided_slice %get3A_4 {offsets = [0, 19], sizes = [1000, 1], strides = [1, 1]} : vector<1000x40xf32> to vector<1000x1xf32>
    %slice3A_117 = vector.extract_strided_slice %dot_general3A_100 {offsets = [0, 120], sizes = [1000, 40], strides = [1, 1]} : vector<1000x320xf32> to vector<1000x40xf32>
    %mul3A_118 = vector.broadcast %slice3A_116 : vector<1000x1xf32> to vector<1000x40xf32>
    %mul3A_119 = arith.mulf %mul3A_118, %slice3A_117 : vector<1000x40xf32>
    %add3A_120 = arith.addf %add3A_115, %mul3A_119 : vector<1000x40xf32>
    %slice3A_121 = vector.extract_strided_slice %get3A_4 {offsets = [0, 20], sizes = [1000, 1], strides = [1, 1]} : vector<1000x40xf32> to vector<1000x1xf32>
    %slice3A_122 = vector.extract_strided_slice %dot_general3A_100 {offsets = [0, 160], sizes = [1000, 40], strides = [1, 1]} : vector<1000x320xf32> to vector<1000x40xf32>
    %mul3A_123 = vector.broadcast %slice3A_121 : vector<1000x1xf32> to vector<1000x40xf32>
    %mul3A_124 = arith.mulf %mul3A_123, %slice3A_122 : vector<1000x40xf32>
    %add3A_125 = arith.addf %add3A_120, %mul3A_124 : vector<1000x40xf32>
    %slice3A_126 = vector.extract_strided_slice %get3A_4 {offsets = [0, 21], sizes = [1000, 1], strides = [1, 1]} : vector<1000x40xf32> to vector<1000x1xf32>
    %slice3A_127 = vector.extract_strided_slice %dot_general3A_100 {offsets = [0, 200], sizes = [1000, 40], strides = [1, 1]} : vector<1000x320xf32> to vector<1000x40xf32>
    %mul3A_128 = vector.broadcast %slice3A_126 : vector<1000x1xf32> to vector<1000x40xf32>
    %mul3A_129 = arith.mulf %mul3A_128, %slice3A_127 : vector<1000x40xf32>
    %add3A_130 = arith.addf %add3A_125, %mul3A_129 : vector<1000x40xf32>
    %slice3A_131 = vector.extract_strided_slice %get3A_4 {offsets = [0, 22], sizes = [1000, 1], strides = [1, 1]} : vector<1000x40xf32> to vector<1000x1xf32>
    %slice3A_132 = vector.extract_strided_slice %dot_general3A_100 {offsets = [0, 240], sizes = [1000, 40], strides = [1, 1]} : vector<1000x320xf32> to vector<1000x40xf32>
    %mul3A_133 = vector.broadcast %slice3A_131 : vector<1000x1xf32> to vector<1000x40xf32>
    %mul3A_134 = arith.mulf %mul3A_133, %slice3A_132 : vector<1000x40xf32>
    %add3A_135 = arith.addf %add3A_130, %mul3A_134 : vector<1000x40xf32>
    %slice3A_136 = vector.extract_strided_slice %get3A_4 {offsets = [0, 23], sizes = [1000, 1], strides = [1, 1]} : vector<1000x40xf32> to vector<1000x1xf32>
    %slice3A_137 = vector.extract_strided_slice %dot_general3A_100 {offsets = [0, 280], sizes = [1000, 40], strides = [1, 1]} : vector<1000x320xf32> to vector<1000x40xf32>
    %mul3A_138 = vector.broadcast %slice3A_136 : vector<1000x1xf32> to vector<1000x40xf32>
    %mul3A_139 = arith.mulf %mul3A_138, %slice3A_137 : vector<1000x40xf32>
    %add3A_140 = arith.addf %add3A_135, %mul3A_139 : vector<1000x40xf32>
    %get3A_141 = arith.constant 0 : index
    %get3A_142 = arith.constant 960 : index
    %get3A_143 = vector.load %arg3[%get3A_141, %get3A_142] : memref<40x1600xf32, #tpu.memory_space<vmem>>, vector<40x320xf32>
    %dot_general3A_144 = arith.constant dense<0.000000e+00> : vector<1000x320xf32>
    %dot_general3A_145 = tpu.matmul %get3A_1, %get3A_143, %dot_general3A_144 {dimension_numbers = #tpu.dot_dimension_numbers<[1], [0], [0], [1], [0, 0, 1, 1], [], []>, transpose_lhs_hint = false} : vector<1000x40xf32>, vector<40x320xf32>, vector<1000x320xf32> -> vector<1000x320xf32>
    %slice3A_146 = vector.extract_strided_slice %get3A_4 {offsets = [0, 24], sizes = [1000, 1], strides = [1, 1]} : vector<1000x40xf32> to vector<1000x1xf32>
    %slice3A_147 = vector.extract_strided_slice %dot_general3A_145 {offsets = [0, 0], sizes = [1000, 40], strides = [1, 1]} : vector<1000x320xf32> to vector<1000x40xf32>
    %mul3A_148 = vector.broadcast %slice3A_146 : vector<1000x1xf32> to vector<1000x40xf32>
    %mul3A_149 = arith.mulf %mul3A_148, %slice3A_147 : vector<1000x40xf32>
    %add3A_150 = arith.addf %add3A_140, %mul3A_149 : vector<1000x40xf32>
    %slice3A_151 = vector.extract_strided_slice %get3A_4 {offsets = [0, 25], sizes = [1000, 1], strides = [1, 1]} : vector<1000x40xf32> to vector<1000x1xf32>
    %slice3A_152 = vector.extract_strided_slice %dot_general3A_145 {offsets = [0, 40], sizes = [1000, 40], strides = [1, 1]} : vector<1000x320xf32> to vector<1000x40xf32>
    %mul3A_153 = vector.broadcast %slice3A_151 : vector<1000x1xf32> to vector<1000x40xf32>
    %mul3A_154 = arith.mulf %mul3A_153, %slice3A_152 : vector<1000x40xf32>
    %add3A_155 = arith.addf %add3A_150, %mul3A_154 : vector<1000x40xf32>
    %slice3A_156 = vector.extract_strided_slice %get3A_4 {offsets = [0, 26], sizes = [1000, 1], strides = [1, 1]} : vector<1000x40xf32> to vector<1000x1xf32>
    %slice3A_157 = vector.extract_strided_slice %dot_general3A_145 {offsets = [0, 80], sizes = [1000, 40], strides = [1, 1]} : vector<1000x320xf32> to vector<1000x40xf32>
    %mul3A_158 = vector.broadcast %slice3A_156 : vector<1000x1xf32> to vector<1000x40xf32>
    %mul3A_159 = arith.mulf %mul3A_158, %slice3A_157 : vector<1000x40xf32>
    %add3A_160 = arith.addf %add3A_155, %mul3A_159 : vector<1000x40xf32>
    %slice3A_161 = vector.extract_strided_slice %get3A_4 {offsets = [0, 27], sizes = [1000, 1], strides = [1, 1]} : vector<1000x40xf32> to vector<1000x1xf32>
    %slice3A_162 = vector.extract_strided_slice %dot_general3A_145 {offsets = [0, 120], sizes = [1000, 40], strides = [1, 1]} : vector<1000x320xf32> to vector<1000x40xf32>
    %mul3A_163 = vector.broadcast %slice3A_161 : vector<1000x1xf32> to vector<1000x40xf32>
    %mul3A_164 = arith.mulf %mul3A_163, %slice3A_162 : vector<1000x40xf32>
    %add3A_165 = arith.addf %add3A_160, %mul3A_164 : vector<1000x40xf32>
    %slice3A_166 = vector.extract_strided_slice %get3A_4 {offsets = [0, 28], sizes = [1000, 1], strides = [1, 1]} : vector<1000x40xf32> to vector<1000x1xf32>
    %slice3A_167 = vector.extract_strided_slice %dot_general3A_145 {offsets = [0, 160], sizes = [1000, 40], strides = [1, 1]} : vector<1000x320xf32> to vector<1000x40xf32>
    %mul3A_168 = vector.broadcast %slice3A_166 : vector<1000x1xf32> to vector<1000x40xf32>
    %mul3A_169 = arith.mulf %mul3A_168, %slice3A_167 : vector<1000x40xf32>
    %add3A_170 = arith.addf %add3A_165, %mul3A_169 : vector<1000x40xf32>
    %slice3A_171 = vector.extract_strided_slice %get3A_4 {offsets = [0, 29], sizes = [1000, 1], strides = [1, 1]} : vector<1000x40xf32> to vector<1000x1xf32>
    %slice3A_172 = vector.extract_strided_slice %dot_general3A_145 {offsets = [0, 200], sizes = [1000, 40], strides = [1, 1]} : vector<1000x320xf32> to vector<1000x40xf32>
    %mul3A_173 = vector.broadcast %slice3A_171 : vector<1000x1xf32> to vector<1000x40xf32>
    %mul3A_174 = arith.mulf %mul3A_173, %slice3A_172 : vector<1000x40xf32>
    %add3A_175 = arith.addf %add3A_170, %mul3A_174 : vector<1000x40xf32>
    %slice3A_176 = vector.extract_strided_slice %get3A_4 {offsets = [0, 30], sizes = [1000, 1], strides = [1, 1]} : vector<1000x40xf32> to vector<1000x1xf32>
    %slice3A_177 = vector.extract_strided_slice %dot_general3A_145 {offsets = [0, 240], sizes = [1000, 40], strides = [1, 1]} : vector<1000x320xf32> to vector<1000x40xf32>
    %mul3A_178 = vector.broadcast %slice3A_176 : vector<1000x1xf32> to vector<1000x40xf32>
    %mul3A_179 = arith.mulf %mul3A_178, %slice3A_177 : vector<1000x40xf32>
    %add3A_180 = arith.addf %add3A_175, %mul3A_179 : vector<1000x40xf32>
    %slice3A_181 = vector.extract_strided_slice %get3A_4 {offsets = [0, 31], sizes = [1000, 1], strides = [1, 1]} : vector<1000x40xf32> to vector<1000x1xf32>
    %slice3A_182 = vector.extract_strided_slice %dot_general3A_145 {offsets = [0, 280], sizes = [1000, 40], strides = [1, 1]} : vector<1000x320xf32> to vector<1000x40xf32>
    %mul3A_183 = vector.broadcast %slice3A_181 : vector<1000x1xf32> to vector<1000x40xf32>
    %mul3A_184 = arith.mulf %mul3A_183, %slice3A_182 : vector<1000x40xf32>
    %add3A_185 = arith.addf %add3A_180, %mul3A_184 : vector<1000x40xf32>
    %get3A_186 = arith.constant 0 : index
    %get3A_187 = arith.constant 1280 : index
    %get3A_188 = vector.load %arg3[%get3A_186, %get3A_187] : memref<40x1600xf32, #tpu.memory_space<vmem>>, vector<40x320xf32>
    %dot_general3A_189 = arith.constant dense<0.000000e+00> : vector<1000x320xf32>
    %dot_general3A_190 = tpu.matmul %get3A_1, %get3A_188, %dot_general3A_189 {dimension_numbers = #tpu.dot_dimension_numbers<[1], [0], [0], [1], [0, 0, 1, 1], [], []>, transpose_lhs_hint = false} : vector<1000x40xf32>, vector<40x320xf32>, vector<1000x320xf32> -> vector<1000x320xf32>
    %slice3A_191 = vector.extract_strided_slice %get3A_4 {offsets = [0, 32], sizes = [1000, 1], strides = [1, 1]} : vector<1000x40xf32> to vector<1000x1xf32>
    %slice3A_192 = vector.extract_strided_slice %dot_general3A_190 {offsets = [0, 0], sizes = [1000, 40], strides = [1, 1]} : vector<1000x320xf32> to vector<1000x40xf32>
    %mul3A_193 = vector.broadcast %slice3A_191 : vector<1000x1xf32> to vector<1000x40xf32>
    %mul3A_194 = arith.mulf %mul3A_193, %slice3A_192 : vector<1000x40xf32>
    %add3A_195 = arith.addf %add3A_185, %mul3A_194 : vector<1000x40xf32>
    %slice3A_196 = vector.extract_strided_slice %get3A_4 {offsets = [0, 33], sizes = [1000, 1], strides = [1, 1]} : vector<1000x40xf32> to vector<1000x1xf32>
    %slice3A_197 = vector.extract_strided_slice %dot_general3A_190 {offsets = [0, 40], sizes = [1000, 40], strides = [1, 1]} : vector<1000x320xf32> to vector<1000x40xf32>
    %mul3A_198 = vector.broadcast %slice3A_196 : vector<1000x1xf32> to vector<1000x40xf32>
    %mul3A_199 = arith.mulf %mul3A_198, %slice3A_197 : vector<1000x40xf32>
    %add3A_200 = arith.addf %add3A_195, %mul3A_199 : vector<1000x40xf32>
    %slice3A_201 = vector.extract_strided_slice %get3A_4 {offsets = [0, 34], sizes = [1000, 1], strides = [1, 1]} : vector<1000x40xf32> to vector<1000x1xf32>
    %slice3A_202 = vector.extract_strided_slice %dot_general3A_190 {offsets = [0, 80], sizes = [1000, 40], strides = [1, 1]} : vector<1000x320xf32> to vector<1000x40xf32>
    %mul3A_203 = vector.broadcast %slice3A_201 : vector<1000x1xf32> to vector<1000x40xf32>
    %mul3A_204 = arith.mulf %mul3A_203, %slice3A_202 : vector<1000x40xf32>
    %add3A_205 = arith.addf %add3A_200, %mul3A_204 : vector<1000x40xf32>
    %slice3A_206 = vector.extract_strided_slice %get3A_4 {offsets = [0, 35], sizes = [1000, 1], strides = [1, 1]} : vector<1000x40xf32> to vector<1000x1xf32>
    %slice3A_207 = vector.extract_strided_slice %dot_general3A_190 {offsets = [0, 120], sizes = [1000, 40], strides = [1, 1]} : vector<1000x320xf32> to vector<1000x40xf32>
    %mul3A_208 = vector.broadcast %slice3A_206 : vector<1000x1xf32> to vector<1000x40xf32>
    %mul3A_209 = arith.mulf %mul3A_208, %slice3A_207 : vector<1000x40xf32>
    %add3A_210 = arith.addf %add3A_205, %mul3A_209 : vector<1000x40xf32>
    %slice3A_211 = vector.extract_strided_slice %get3A_4 {offsets = [0, 36], sizes = [1000, 1], strides = [1, 1]} : vector<1000x40xf32> to vector<1000x1xf32>
    %slice3A_212 = vector.extract_strided_slice %dot_general3A_190 {offsets = [0, 160], sizes = [1000, 40], strides = [1, 1]} : vector<1000x320xf32> to vector<1000x40xf32>
    %mul3A_213 = vector.broadcast %slice3A_211 : vector<1000x1xf32> to vector<1000x40xf32>
    %mul3A_214 = arith.mulf %mul3A_213, %slice3A_212 : vector<1000x40xf32>
    %add3A_215 = arith.addf %add3A_210, %mul3A_214 : vector<1000x40xf32>
    %slice3A_216 = vector.extract_strided_slice %get3A_4 {offsets = [0, 37], sizes = [1000, 1], strides = [1, 1]} : vector<1000x40xf32> to vector<1000x1xf32>
    %slice3A_217 = vector.extract_strided_slice %dot_general3A_190 {offsets = [0, 200], sizes = [1000, 40], strides = [1, 1]} : vector<1000x320xf32> to vector<1000x40xf32>
    %mul3A_218 = vector.broadcast %slice3A_216 : vector<1000x1xf32> to vector<1000x40xf32>
    %mul3A_219 = arith.mulf %mul3A_218, %slice3A_217 : vector<1000x40xf32>
    %add3A_220 = arith.addf %add3A_215, %mul3A_219 : vector<1000x40xf32>
    %slice3A_221 = vector.extract_strided_slice %get3A_4 {offsets = [0, 38], sizes = [1000, 1], strides = [1, 1]} : vector<1000x40xf32> to vector<1000x1xf32>
    %slice3A_222 = vector.extract_strided_slice %dot_general3A_190 {offsets = [0, 240], sizes = [1000, 40], strides = [1, 1]} : vector<1000x320xf32> to vector<1000x40xf32>
    %mul3A_223 = vector.broadcast %slice3A_221 : vector<1000x1xf32> to vector<1000x40xf32>
    %mul3A_224 = arith.mulf %mul3A_223, %slice3A_222 : vector<1000x40xf32>
    %add3A_225 = arith.addf %add3A_220, %mul3A_224 : vector<1000x40xf32>
    %slice3A_226 = vector.extract_strided_slice %get3A_4 {offsets = [0, 39], sizes = [1000, 1], strides = [1, 1]} : vector<1000x40xf32> to vector<1000x1xf32>
    %slice3A_227 = vector.extract_strided_slice %dot_general3A_190 {offsets = [0, 280], sizes = [1000, 40], strides = [1, 1]} : vector<1000x320xf32> to vector<1000x40xf32>
    %mul3A_228 = vector.broadcast %slice3A_226 : vector<1000x1xf32> to vector<1000x40xf32>
    %mul3A_229 = arith.mulf %mul3A_228, %slice3A_227 : vector<1000x40xf32>
    %add3A_230 = arith.addf %add3A_225, %mul3A_229 : vector<1000x40xf32>
    %swap3A = arith.constant 0 : index
    %swap3A_231 = arith.constant 0 : index
    %swap3A_232 = vector.load %arg5[%swap3A, %swap3A_231] : memref<1000x40xf32, #tpu.memory_space<vmem>>, vector<1000x40xf32>
    tpu.vector_store %arg5[%swap3A, %swap3A_231], %add3A_230 {strides = array<i32>} : memref<1000x40xf32, #tpu.memory_space<vmem>>, vector<1000x40xf32>,
    return
  }
  func.func @transform_0(%arg0: i32) -> (i32, i32) {
    %c0_i32 = arith.constant 0 : i32
    %c0_i32_0 = arith.constant 0 : i32
    return %arg0, %c0_i32 : i32, i32
  }
  func.func @transform_1(%arg0: i32) -> (i32, i32) {
    %c0_i32 = arith.constant 0 : i32
    %c0_i32_0 = arith.constant 0 : i32
    return %arg0, %c0_i32 : i32, i32
  }
  func.func @transform_2(%arg0: i32) -> (i32, i32) {
    %c0_i32 = arith.constant 0 : i32
    %c0_i32_0 = arith.constant 0 : i32
    %c0_i32_1 = arith.constant 0 : i32
    return %c0_i32, %c0_i32_0 : i32, i32
  }
  func.func @transform_3(%arg0: i32) -> (i32, i32) {
    %c0_i32 = arith.constant 0 : i32
    %c0_i32_0 = arith.constant 0 : i32
    %c0_i32_1 = arith.constant 0 : i32
    return %c0_i32, %c0_i32_0 : i32, i32
  }
  func.func @transform_4(%arg0: i32) -> (i32, i32) {
    %c0_i32 = arith.constant 0 : i32
    %c0_i32_0 = arith.constant 0 : i32
    return %arg0, %c0_i32 : i32, i32
  }
}

</mosaic_0001>

<sc_bundles>
// kernel: kernel.6.cloned.1.call-start
scs
__scs_entry_jumppad:
0x0: {  	(pc) =	sbr.rel $0x88, $3  }
0x1: {  	(tag) =	ssettag $0x0;
	lr =	simm.s32 $0x1  }
0x2: {  	[smem:$0x3F92] =	sst lr;
	_ =	strace $0xD0000000  }
0x3: {  	_ = 	snop  }
0x4: {  	_ = 	snop  }
0x5: {  	_ = 	snop  }
0x6: {  	_ = 	snop  }
0x7: {  	_ = 	snop  }
__scs_overlays_trampoline_lowered:
0x8: {  	[smem:$0x3FA1] =	sst s0  }
0x9: {  	[smem:$0x3FA2] =	sst s1  }
0xa: {  	[smem:$0x3FA3] =	sst s2  }
0xb: {  	[smem:$0x3FA4] =	sst s3  }
0xc: {  	[smem:$0x3FA5] =	sst s4  }
0xd: {  	[smem:$0x3FA6] =	sst s5  }
0xe: {  	[smem:$0x3FA7] =	sst s6  }
0xf: {  	[smem:$0x3FA8] =	sst s7  }
0x10: {  	[smem:$0x3FA9] =	sst s8  }
0x11: {  	[smem:$0x3FAA] =	sst s9;
	s0 =	simm.s32 @!p0 $0x0  }
0x12: {  	s1 =	sld [smem:$0x3F90];
	s0 =	simm.s32 @p0 $0x1  }
0x13: {  	[smem:$0x3FAB] =	sst s0;
	s0 =	simm.s32 @!p1 $0x0  }
0x14: {  	s2 =	sld [smem:$0x3F8F];
	s0 =	simm.s32 @p1 $0x1  }
0x15: {  	[smem:$0x3FAC] =	sst s0;
	s0 =	simm.s32 @!p2 $0x0  }
0x16: {  	s3 =	sld [smem:$0x3FDB];
	s0 =	simm.s32 @p2 $0x1  }
0x17: {  	s4 =	simm.s32 $0x1BF5;
	[smem:$0x3FAE] =	sst s0  }
0x18: {  	s0 =	sld [smem:$0x3F91];
	_ =	swait.ge [sflag:s4], $0x0  }
0x19: {  	s7 =	sld [smem:$0x3F92]  }
0x1a: {  	s8 =	sadd.s32 $0xFFFFE003, lr  }
0x1b: {  	s9 =	sadd.s32 $0xFFFFFEF7, lr;
	s5 =	simm.s32 $0xFFFFFFFF;
	p2 =	slt.u32 s8, $0xFFFFF086  }
0x1c: {  	p1 =	slt.u32 s9, $0xF7A;
	s5 =	simm.s32 @!p2 $0x0  }
0x1d: {  	s5 =	simm.s32 @p1 $0x1;
	p0 =	seq.s32 s7, s2  }
0x1e: {  	s7 =	smul.u32 @!p0 $0xF7A, s2;
	p2 =	seq.s32 @!p0 s5, $0x0  }
0x1f: {  	s9 =	smul.u32 $0xF7A, s1;
	s8 =	simm.s32 @!p0 $0x1BF5;
	p2 =	por !p2, p0  }
0x20: {  	[sflag:s8] =	ssyncset.s32 @!p0 $0xFFFFF086;
	s6 =	sadd.s32 @!p0 s3, s7;
	s7 =	simm.s32 @!p0 $0x108  }
0x21: {  	s3 =	sadd.s32 s3, s9;
	s6 =	sadd.s32 @!p0 $0x88, s6;
	s7 =	simm.s32 @p2 $0x1082  }
0x22: {  	[simem:s7], [sflag:s8] =	dma.local @!p0 [hbm:s6], $0xF7A  }
0x23: {  	s9 =	sor.u32 $0xD0000000, s2;
	s6 =	simm.s32 $0x108;
	_ =	swait.ge @!p0 [sflag:s8], $0x0  }
0x24: {  	s3 =	sadd.s32 $0x88, s3;
	s6 =	simm.s32 @!p1 $0x1082;
	[sflag:s4] =	ssyncset.s32 $0xFFFFF086  }
0x25: {  	[simem:s6], [sflag:s4] =	dma.local [hbm:s3], $0xF7A  }
0x26: {  	[smem:$0x3F92] =	sst s1;
	(tag) =	ssettag s2;
	_ =	strace s9  }
0x27: {  	s1 =	sld [smem:$0x3FA2]  }
0x28: {  	s2 =	sld [smem:$0x3FA3]  }
0x29: {  	s4 =	sld [smem:$0x3FA5]  }
0x2a: {  	p0 =	seq.s32 s5, $0x0;
	s5 =	sld [smem:$0x3FA6]  }
0x2b: {  	s6 =	sld [smem:$0x3FA7]  }
0x2c: {  	s7 =	sld [smem:$0x3FA8]  }
0x2d: {  	s3 =	simm.s32 $0x108;
	s8 =	sld [smem:$0x3FA9]  }
0x2e: {  	s3 =	simm.s32 @!p0 $0x1082;
	s9 =	sld [smem:$0x3FAA]  }
0x2f: {  	lr =	sadd.s32 s0, s3;
	s0 =	sld [smem:$0x3FA1]  }
0x30: {  	s3 =	sld [smem:$0x3FA4]  }
0x31: {  	[smem:$0x3FAD] =	sst s10  }
0x32: {  	s10 =	sld [smem:$0x3FAB];
	_ =	sdelay $0x3  }
0x33: {  	p0 =	seq.s32 s10, $0x1;
	s10 =	sld [smem:$0x3FAD];
	_ =	sdelay $0x3  }
0x34: {  	[smem:$0x3FAD] =	sst s10  }
0x35: {  	s10 =	sld [smem:$0x3FAC];
	_ =	sdelay $0x3  }
0x36: {  	p1 =	seq.s32 s10, $0x1;
	s10 =	sld [smem:$0x3FAD];
	_ =	sdelay $0x3  }
0x37: {  	[smem:$0x3FAD] =	sst s10  }
0x38: {  	s10 =	sld [smem:$0x3FAE]  }
0x39: {  	_ = 	snop;
	(pc) =	sbr.ind lr, $3  }
0x3a: {  	_ = 	snop  }
0x3b: {  	_ = 	snop  }
0x3c: {  	p2 =	seq.s32 s10, $0x1;
	s10 =	sld [smem:$0x3FAD]  }
0x3d: {  	_ =	shalt  }
0x3e: {  	_ =	shalt  }
0x3f: {  	_ =	shalt  }
0x40: {  	_ =	shalt  }
0x41: {  	_ =	shalt  }
0x42: {  	_ =	shalt  }
0x43: {  	_ =	shalt  }
0x44: {  	_ =	shalt  }
0x45: {  	_ =	shalt  }
0x46: {  	_ =	shalt  }
0x47: {  	_ =	shalt  }
0x48: {  	_ =	shalt  }
0x49: {  	_ =	shalt  }
0x4a: {  	_ =	shalt  }
0x4b: {  	_ =	shalt  }
0x4c: {  	_ =	shalt  }
0x4d: {  	_ =	shalt  }
0x4e: {  	_ =	shalt  }
0x4f: {  	_ =	shalt  }
0x50: {  	_ =	shalt  }
0x51: {  	_ =	shalt  }
0x52: {  	_ =	shalt  }
0x53: {  	_ =	shalt  }
0x54: {  	_ =	shalt  }
0x55: {  	_ =	shalt  }
0x56: {  	_ =	shalt  }
0x57: {  	_ =	shalt  }
0x58: {  	_ =	shalt  }
0x59: {  	_ =	shalt  }
0x5a: {  	_ =	shalt  }
0x5b: {  	_ =	shalt  }
0x5c: {  	_ =	shalt  }
0x5d: {  	_ =	shalt  }
0x5e: {  	_ =	shalt  }
0x5f: {  	_ =	shalt  }
0x60: {  	_ =	shalt  }
0x61: {  	_ =	shalt  }
0x62: {  	_ =	shalt  }
0x63: {  	_ =	shalt  }
0x64: {  	_ =	shalt  }
0x65: {  	_ =	shalt  }
0x66: {  	_ =	shalt  }
0x67: {  	_ =	shalt  }
0x68: {  	_ =	shalt  }
0x69: {  	_ =	shalt  }
0x6a: {  	_ =	shalt  }
0x6b: {  	_ =	shalt  }
0x6c: {  	_ =	shalt  }
0x6d: {  	_ =	shalt  }
0x6e: {  	_ =	shalt  }
0x6f: {  	_ =	shalt  }
0x70: {  	_ =	shalt  }
0x71: {  	_ =	shalt  }
0x72: {  	_ =	shalt  }
0x73: {  	_ =	shalt  }
0x74: {  	_ =	shalt  }
0x75: {  	_ =	shalt  }
0x76: {  	_ =	shalt  }
0x77: {  	_ =	shalt  }
0x78: {  	_ =	shalt  }
0x79: {  	_ =	shalt  }
0x7a: {  	_ =	shalt  }
0x7b: {  	_ =	shalt  }
0x7c: {  	_ =	shalt  }
0x7d: {  	_ =	shalt  }
0x7e: {  	_ =	shalt  }
0x7f: {  	_ =	shalt  }
0x80: {  	_ =	shalt  }
0x81: {  	_ =	shalt  }
0x82: {  	_ =	shalt  }
0x83: {  	_ =	shalt  }
0x84: {  	_ =	shalt  }
0x85: {  	_ =	shalt  }
0x86: {  	_ =	shalt  }
0x87: {  	_ =	shalt  }
.Lfunc_end0:
.L_simem_size_0:
called_computation_lowered:
.L_overlay_start_0:
0x88: {  	s2 =	sld [smem:$0x3FD9]  }
0x89: {  	s3 =	sld [smem:$0x3FFE];
	_ =	sdelay $0x1  }
0x8a: {  	s1 =	srdreg.scid  }
0x8b: {  	s0 =	sand.u32 $0x1, s1  }
0x8c: {  	s17 =	sshll.u32 s0, $0xA;
	s2 =	sadd.s32 s3, s2  }
0x8d: {  	s2 =	sadd.s32 s2, s17  }
0x8e: {  	[smem:$0x3FB9] =	sst s2  }
0x8f: {  	_ = 	snop  }
0x90: {  	s2 =	sld [smem:$0x3FD0];
	(tm) =	ssettm $0x1  }
0x91: {  	s18 =	sld [smem:$0x3FFB];
	_ =	sdelay $0x3  }
0x92: {  	_ =	strace s18  }
0x93: {  	s3 =	sld [smem:$0x3FFC];
	_ =	sdelay $0x3  }
0x94: {  	_ =	strace s3  }
0x95: {  	s3 =	sld [smem:$0x3FFD];
	_ =	sdelay $0x3  }
0x96: {  	_ =	strace s3  }
0x97: {  	_ =	strace $0x8FFFFFFF  }
0x98: {  	s19 =	sld [smem:$0x3FDB];
	_ =	sdelay $0x1  }
0x99: {  	s4 =	simm.s32 $_scs_section_size  }
0x9a: {  	s5 =	simm.s32 $_size__tile_overlayer_lowered;
	s6 =	simm.s32 $_tile_overlayer_lowered  }
0x9b: {  	s22 =	simm.s32 $0x1BFF;
	s21 =	sshll.u32 s6, $0x1;
	s3 =	sadd.s32 s4, s19  }
0x9c: {  	s7 =	simm.s32 $0x0;
	s20 =	sshll.u32 s5, $0x1;
	s5 =	sadd.s32 s21, s3  }
0x9d: {  	[timem:s7], [sflag:s22] =	dma.local [hbm:s5], s20  }
0x9e: {  	_ =	swait.ge [sflag:s22], s20  }
0x9f: {  	s4 =	ssub.s32 $0x0, s20;
	[sflag:s22] =	ssyncset.done $0x0  }
0xa0: {  	[sflag:s22] =	ssyncadd.s32 s4;
	_ =	sdelay $0x1  }
0xa1: {  	s23 =	simm.s32 $0x1B8B  }
0xa2: {  	_ =	swait.ge [sflag:s23], $0x1  }
0xa3: {  	[sflag:s23] =	ssyncset.done $0x0  }
0xa4: {  	s25 =	simm.s32 $0x1B8E;
	s24 =	sld [smem:$0x3FFE];
	[sflag:s23] =	ssyncadd.s32 $0xFFFFFFFF  }
0xa5: {  	s26 =	simm.s32 $execute0_lowered;
	[smem:$0x3FD2] =	sst s25  }
0xa6: {  	s5 =	sshll.u32 s26, $0x1;
	_ =	strace $0x80000046;
	[dreg:$0x1] =	wrdreg $0xFFFFFFFF  }
0xa7: {  	s28 =	simm.s32 $_size_execute0_lowered;
	s3 =	sadd.s32 s3, s5;
	[dreg:$0x0] =	wrdreg $0x0  }
0xa8: {  	s5 =	sshll.u32 s28, $0x1;
	[dreg:$0x2] =	wrdreg s3  }
0xa9: {  	[dreg:$0x3] =	wrdreg s5  }
0xaa: {  	[dreg:$0x4] =	wrdreg $0xC0  }
0xab: {  	_ =	task [dreg:s7], $0x5FFFF  }
0xac: {  	[dreg:$0x1] =	wrdreg $0xFFFFFFFF  }
0xad: {  	[dreg:$0x0] =	wrdreg $0x60  }
0xae: {  	[dreg:$0x2] =	wrdreg s2  }
0xaf: {  	[dreg:$0x3] =	wrdreg s24  }
0xb0: {  	[dreg:$0x4] =	wrdreg $0x9  }
0xb1: {  	_ =	task.clear_ibuf [dreg:s7], $0x5FFFF;
	_ =	strace $0x90000046  }
0xb2: {  	s29 =	simm.s32 $0x9;
	_ =	strace $0x80000048  }
0xb3: {  	_ =	swait.ge [sflag:s29], $0x1  }
0xb4: {  	[sflag:s29] =	ssyncadd.s32 $0xFFFFFFFF  }
0xb5: {  	_ =	strace $0x90000048  }
0xb6: {  	_ =	sfence  }
0xb7: {  	s30 =	sld [smem:$0x0];
	_ =	sdelay $0x2  }
0xb8: {  	s31 =	sshll.u32 s1, $0xD;
	s1 =	sshrl.u32 s1, $0x2  }
0xb9: {  	s3 =	sand.u32 $0x4000, s31;
	s1 =	sadd.s32 s1, s30  }
0xba: {  	s0 =	sor.u32 s3, s0;
	s1 =	sshll.u32 s1, $0x11  }
0xbb: {  	s0 =	sor.u32 s1, s0  }
0xbc: {  	s0 =	sadd.s32 $0x8F2B, s0  }
0xbd: {  	[sflag:s0] =	ssyncadd.remote.s32 $0x1  }
0xbe: {  	_ =	sfence.sel $0xFFFF  }
0xbf: {  	[dreg:$0x0] =	wrdreg $0xFFFFFFFF;
	(pc) =	sbr.abs _section_cstart, $3  }
0xc0: {  	[dreg:$0x1] =	wrdreg $0xFFFFFFFF  }
0xc1: {  	_ =	task.clear_ibuf [dreg:s7], $0x2FFFF;
	_ =	strace $0x9FFFFFFF  }
0xc2: {  	(tm) =	ssettm $0x7FFFFFFF  }
0xc3: {  	_ =	shalt  }
tec
execute0_lowered:
.L_overlay_start_1:
0x0: {  	(tag) =	ssettag $0x1  }
0x1: {  	s2 =	rddreg [dreg:$0x0]  }
0x2: {  	s4 =	rddreg [dreg:$0x1]  }
0x3: {  	s0 =	rddreg [dreg:$0x2];
	s1 =	stileid.u32  }
0x4: {  	s5 =	srdreg.scid;
	s3 =	simm.s32 $0x0;
	s6 =	smul.u32 $0x186A0, s1  }
0x5: {  	s10 =	simm.s32 $0x0;
	s5 =	sand.u32 $0x1, s5;
	s8 =	smul.u32 $0x7A120, s1  }
0x6: {  	[smem:$0x7FF] =	sst s3;
	s7 =	smul.u32 $0xC350, s5;
	s9 =	ssub.s32 $0x2, s5  }
0x7: {  	_ =	strace $0x80000047;
	s5 =	smul.u32 $0x3D090, s5;
	s31 =	sshrl.u32 s9, $0x1  }
0x8: {  	s8 =	sadd.s32 s8, s4;
	s6 =	sadd.s32 s7, s6;
	s7 =	ssub.s32 s9, s31  }
0x9: {  	s5 =	sadd.s32 s5, s8;
	s8 =	simm.s32 $0x7D0;
	s6 =	sshrl.u32 s6, $0x3  }
0xa: {  	s9 =	simm.s32 $0x1;
	s5 =	sadd.s32 $0x1EEC00, s5;
	s6 =	sadd.s32 s6, s4  }
0xb: {  	s4 =	smax.u32 s7, $0x1;
	s7 =	simm.s32 $0x2;
	s6 =	sadd.s32 $0x1BDE00, s6  }
.LBB2_1:
0xc: {  	s11 =	sadd.s32 $0x0, s6  }
0xd: {  	[tilespmem:s3], [sflag:$0x2] =	stream.linear.gather [hbm4b:s11+s3], $0x7D0, $0x38;
	[tilespmem:$0x14050] =	vst v63  }
0xe: {  	_ =	swait.ge [sflag:s7], $0x7D0  }
0xf: {  	[sflag:s7] =	ssyncset.done $0x0  }
0x10: {  	[sflag:s7] =	ssyncadd.s32 $0xFFFFF830  }
0x11: {  	[tilespmem:s8], [sflag:$0x1] =	stream.indirect.gather [hbm4b:s2+s8], $0x28, s3, s8, $0xb8;
	[tilespmem:$0x14050] =	vst v63  }
0x12: {  	_ =	swait.ge [sflag:s9], $0x13880  }
0x13: {  	[sflag:s9] =	ssyncset.done $0x0  }
0x14: {  	[sflag:s9] =	ssyncadd.s32 $0xFFFEC780  }
0x15: {  	[hbm4b:s5+s3] =	stream.linear.scatter [tilespmem:s8], [sflag:$0x2], $0x13880, $0x38;
	[tilespmem:$0x14050] =	vst v63  }
0x16: {  	s12 =	simm.s32 $0xFA;
	_ =	swait.ge [sflag:s7], $0x13880  }
0x17: {  	s13 =	simm.s32 $0x1F4;
	s11 =	sadd.s32 $0x2710, s5;
	[sflag:s7] =	ssyncset.done $0x0  }
.LBB2_2:
0x18: {  	s14 =	sadd.s32 s12, s6  }
0x19: {  	[sflag:s7] =	ssyncadd.s32 $0xFFFEC780;
	s12 =	smov.u32 s13;
	s15 =	sadd.s32 $0xFA, s13  }
0x1a: {  	[tilespmem:s3], [sflag:$0x2] =	stream.linear.gather [hbm4b:s14+s3], $0x7D0, $0x38;
	[tilespmem:$0x14050] =	vst v63  }
0x1b: {  	p0 =	sne.s32 s13, $0x1770;
	_ =	swait.ge [sflag:s7], $0x7D0  }
0x1c: {  	[sflag:s7] =	ssyncset.done $0x0  }
0x1d: {  	[sflag:s7] =	ssyncadd.s32 $0xFFFFF830  }
0x1e: {  	[tilespmem:s8], [sflag:$0x1] =	stream.indirect.gather [hbm4b:s2+s8], $0x28, s3, s8, $0xb8;
	[tilespmem:$0x14050] =	vst v63  }
0x1f: {  	_ =	swait.ge [sflag:s9], $0x13880  }
.Ltmp0:
0x20: {  	[sflag:s9] =	ssyncset.done $0x0;
	(pc) =	sbr.rel @p0 .LBB2_2-.Ltmp0, $4  }
0x21: {  	[sflag:s9] =	ssyncadd.s32 $0xFFFEC780  }
0x22: {  	[hbm4b:s11+s3] =	stream.linear.scatter [tilespmem:s8], [sflag:$0x2], $0x13880, $0x38;
	[tilespmem:$0x14050] =	vst v63  }
0x23: {  	_ =	swait.ge [sflag:s7], $0x13880  }
0x24: {  	s13 =	smov.u32 s15;
	s11 =	sadd.s32 $0x2710, s11;
	[sflag:s7] =	ssyncset.done $0x0  }
0x25: {  	s12 =	sadd.s32 s12, s6;
	[sflag:s7] =	ssyncadd.s32 $0xFFFEC780  }
0x26: {  	[tilespmem:s3], [sflag:$0x2] =	stream.linear.gather [hbm4b:s12+s3], $0x7D0, $0x38;
	[tilespmem:$0x14050] =	vst v63  }
0x27: {  	_ =	swait.ge [sflag:s7], $0x7D0  }
0x28: {  	[sflag:s7] =	ssyncset.done $0x0  }
0x29: {  	[sflag:s7] =	ssyncadd.s32 $0xFFFFF830  }
0x2a: {  	[tilespmem:s8], [sflag:$0x1] =	stream.indirect.gather [hbm4b:s2+s8], $0x28, s3, s8, $0xb8;
	[tilespmem:$0x14050] =	vst v63  }
0x2b: {  	s10 =	sadd.s32 $0x1, s10;
	_ =	swait.ge [sflag:s9], $0x13880  }
0x2c: {  	p0 =	sne.s32 s10, s4;
	[sflag:s9] =	ssyncset.done $0x0  }
.Ltmp1:
0x2d: {  	[sflag:s9] =	ssyncadd.s32 $0xFFFEC780;
	(pc) =	sbr.rel @p0 .LBB2_1-.Ltmp1, $4  }
0x2e: {  	[hbm4b:s11+s3] =	stream.linear.scatter [tilespmem:s8], [sflag:$0x2], $0x13880, $0x38;
	[tilespmem:$0x14050] =	vst v63  }
0x2f: {  	_ =	swait.ge [sflag:s7], $0x13880  }
0x30: {  	[sflag:s7] =	ssyncset.done $0x0  }
0x31: {  	[sflag:s7] =	ssyncadd.s32 $0xFFFEC780  }
0x32: {  	_ =	sfence.sel $0x180000  }
0x33: {  	[bflag:$0x0] =	sbarrier.arrive $0xFFFF  }
0x34: {  	p0 =	sne.s32 s1, $0x0;
	_ =	strace $0x90000047  }
0x35: {  	s0 =	sadd.s32 @!p0 $0x100000, s0;
	[bflag:$0x2] =	sbarrier.arrive $0xFFFF  }
0x36: {  	[sflag:s0] =	ssyncadd.tile.s32 @!p0 $0x1;
	_ =	shalt  }
.Lfunc_end2:
_tile_overlayer_lowered:
.L_overlay_start_2:
0x37: {  	(tag) =	ssettag $0x2  }
0x38: {  	s0 =	rddreg [dreg:$0x0];
	s2 =	stileid.u32  }
0x39: {  	s1 =	rddreg [dreg:$0x1];
	p0 =	sne.s32 s2, $0x0  }
0x3a: {  	s3 =	rddreg [dreg:$0x2];
	[bflag:$0x3] =	sbarrier.arrive $0xFFFF;
	s2 =	simm.s32 @!p0 $0x1C02  }
0x3b: {  	[timem:s3], [sflag:s2] =	dma.local @!p0 [hbm:s0], s1  }
0x3c: {  	s0 =	simm.s32 @!p0 $0x2  }
0x3d: {  	_ =	swait.ge @!p0 [sflag:s0], s1  }
0x3e: {  	s1 =	ssub.s32 @!p0 $0x0, s1;
	[sflag:s0] =	ssyncset.done @!p0 $0x0  }
0x3f: {  	[sflag:s0] =	ssyncadd.s32 @!p0 s1  }
0x40: {  	[bflag:$0x3] =	sbarrier.arrive $0xFFFF  }
0x41: {  	_ =	shalt  }

// kernel: kernel.9.cloned.1.call-start
scs
__scs_entry_jumppad:
0x0: {  	(pc) =	sbr.rel $0x88, $3  }
0x1: {  	(tag) =	ssettag $0x0;
	lr =	simm.s32 $0x1  }
0x2: {  	[smem:$0x3F92] =	sst lr;
	_ =	strace $0xD0000000  }
0x3: {  	_ = 	snop  }
0x4: {  	_ = 	snop  }
0x5: {  	_ = 	snop  }
0x6: {  	_ = 	snop  }
0x7: {  	_ = 	snop  }
__scs_overlays_trampoline_lowered:
0x8: {  	[smem:$0x3FA1] =	sst s0  }
0x9: {  	[smem:$0x3FA2] =	sst s1  }
0xa: {  	[smem:$0x3FA3] =	sst s2  }
0xb: {  	[smem:$0x3FA4] =	sst s3  }
0xc: {  	[smem:$0x3FA5] =	sst s4  }
0xd: {  	[smem:$0x3FA6] =	sst s5  }
0xe: {  	[smem:$0x3FA7] =	sst s6  }
0xf: {  	[smem:$0x3FA8] =	sst s7  }
0x10: {  	[smem:$0x3FA9] =	sst s8  }
0x11: {  	[smem:$0x3FAA] =	sst s9;
	s0 =	simm.s32 @!p0 $0x0  }
0x12: {  	s1 =	sld [smem:$0x3F90];
	s0 =	simm.s32 @p0 $0x1  }
0x13: {  	[smem:$0x3FAB] =	sst s0;
	s0 =	simm.s32 @!p1 $0x0  }
0x14: {  	s2 =	sld [smem:$0x3F8F];
	s0 =	simm.s32 @p1 $0x1  }
0x15: {  	[smem:$0x3FAC] =	sst s0;
	s0 =	simm.s32 @!p2 $0x0  }
0x16: {  	s3 =	sld [smem:$0x3FDB];
	s0 =	simm.s32 @p2 $0x1  }
0x17: {  	s4 =	simm.s32 $0x1BF5;
	[smem:$0x3FAE] =	sst s0  }
0x18: {  	s0 =	sld [smem:$0x3F91];
	_ =	swait.ge [sflag:s4], $0x0  }
0x19: {  	s7 =	sld [smem:$0x3F92]  }
0x1a: {  	s8 =	sadd.s32 $0xFFFFE003, lr  }
0x1b: {  	s9 =	sadd.s32 $0xFFFFFEF7, lr;
	s5 =	simm.s32 $0xFFFFFFFF;
	p2 =	slt.u32 s8, $0xFFFFF086  }
0x1c: {  	p1 =	slt.u32 s9, $0xF7A;
	s5 =	simm.s32 @!p2 $0x0  }
0x1d: {  	s5 =	simm.s32 @p1 $0x1;
	p0 =	seq.s32 s7, s2  }
0x1e: {  	s7 =	smul.u32 @!p0 $0xF7A, s2;
	p2 =	seq.s32 @!p0 s5, $0x0  }
0x1f: {  	s9 =	smul.u32 $0xF7A, s1;
	s8 =	simm.s32 @!p0 $0x1BF5;
	p2 =	por !p2, p0  }
0x20: {  	[sflag:s8] =	ssyncset.s32 @!p0 $0xFFFFF086;
	s6 =	sadd.s32 @!p0 s3, s7;
	s7 =	simm.s32 @!p0 $0x108  }
0x21: {  	s3 =	sadd.s32 s3, s9;
	s6 =	sadd.s32 @!p0 $0x88, s6;
	s7 =	simm.s32 @p2 $0x1082  }
0x22: {  	[simem:s7], [sflag:s8] =	dma.local @!p0 [hbm:s6], $0xF7A  }
0x23: {  	s9 =	sor.u32 $0xD0000000, s2;
	s6 =	simm.s32 $0x108;
	_ =	swait.ge @!p0 [sflag:s8], $0x0  }
0x24: {  	s3 =	sadd.s32 $0x88, s3;
	s6 =	simm.s32 @!p1 $0x1082;
	[sflag:s4] =	ssyncset.s32 $0xFFFFF086  }
0x25: {  	[simem:s6], [sflag:s4] =	dma.local [hbm:s3], $0xF7A  }
0x26: {  	[smem:$0x3F92] =	sst s1;
	(tag) =	ssettag s2;
	_ =	strace s9  }
0x27: {  	s1 =	sld [smem:$0x3FA2]  }
0x28: {  	s2 =	sld [smem:$0x3FA3]  }
0x29: {  	s4 =	sld [smem:$0x3FA5]  }
0x2a: {  	p0 =	seq.s32 s5, $0x0;
	s5 =	sld [smem:$0x3FA6]  }
0x2b: {  	s6 =	sld [smem:$0x3FA7]  }
0x2c: {  	s7 =	sld [smem:$0x3FA8]  }
0x2d: {  	s3 =	simm.s32 $0x108;
	s8 =	sld [smem:$0x3FA9]  }
0x2e: {  	s3 =	simm.s32 @!p0 $0x1082;
	s9 =	sld [smem:$0x3FAA]  }
0x2f: {  	lr =	sadd.s32 s0, s3;
	s0 =	sld [smem:$0x3FA1]  }
0x30: {  	s3 =	sld [smem:$0x3FA4]  }
0x31: {  	[smem:$0x3FAD] =	sst s10  }
0x32: {  	s10 =	sld [smem:$0x3FAB];
	_ =	sdelay $0x3  }
0x33: {  	p0 =	seq.s32 s10, $0x1;
	s10 =	sld [smem:$0x3FAD];
	_ =	sdelay $0x3  }
0x34: {  	[smem:$0x3FAD] =	sst s10  }
0x35: {  	s10 =	sld [smem:$0x3FAC];
	_ =	sdelay $0x3  }
0x36: {  	p1 =	seq.s32 s10, $0x1;
	s10 =	sld [smem:$0x3FAD];
	_ =	sdelay $0x3  }
0x37: {  	[smem:$0x3FAD] =	sst s10  }
0x38: {  	s10 =	sld [smem:$0x3FAE]  }
0x39: {  	_ = 	snop;
	(pc) =	sbr.ind lr, $3  }
0x3a: {  	_ = 	snop  }
0x3b: {  	_ = 	snop  }
0x3c: {  	p2 =	seq.s32 s10, $0x1;
	s10 =	sld [smem:$0x3FAD]  }
0x3d: {  	_ =	shalt  }
0x3e: {  	_ =	shalt  }
0x3f: {  	_ =	shalt  }
0x40: {  	_ =	shalt  }
0x41: {  	_ =	shalt  }
0x42: {  	_ =	shalt  }
0x43: {  	_ =	shalt  }
0x44: {  	_ =	shalt  }
0x45: {  	_ =	shalt  }
0x46: {  	_ =	shalt  }
0x47: {  	_ =	shalt  }
0x48: {  	_ =	shalt  }
0x49: {  	_ =	shalt  }
0x4a: {  	_ =	shalt  }
0x4b: {  	_ =	shalt  }
0x4c: {  	_ =	shalt  }
0x4d: {  	_ =	shalt  }
0x4e: {  	_ =	shalt  }
0x4f: {  	_ =	shalt  }
0x50: {  	_ =	shalt  }
0x51: {  	_ =	shalt  }
0x52: {  	_ =	shalt  }
0x53: {  	_ =	shalt  }
0x54: {  	_ =	shalt  }
0x55: {  	_ =	shalt  }
0x56: {  	_ =	shalt  }
0x57: {  	_ =	shalt  }
0x58: {  	_ =	shalt  }
0x59: {  	_ =	shalt  }
0x5a: {  	_ =	shalt  }
0x5b: {  	_ =	shalt  }
0x5c: {  	_ =	shalt  }
0x5d: {  	_ =	shalt  }
0x5e: {  	_ =	shalt  }
0x5f: {  	_ =	shalt  }
0x60: {  	_ =	shalt  }
0x61: {  	_ =	shalt  }
0x62: {  	_ =	shalt  }
0x63: {  	_ =	shalt  }
0x64: {  	_ =	shalt  }
0x65: {  	_ =	shalt  }
0x66: {  	_ =	shalt  }
0x67: {  	_ =	shalt  }
0x68: {  	_ =	shalt  }
0x69: {  	_ =	shalt  }
0x6a: {  	_ =	shalt  }
0x6b: {  	_ =	shalt  }
0x6c: {  	_ =	shalt  }
0x6d: {  	_ =	shalt  }
0x6e: {  	_ =	shalt  }
0x6f: {  	_ =	shalt  }
0x70: {  	_ =	shalt  }
0x71: {  	_ =	shalt  }
0x72: {  	_ =	shalt  }
0x73: {  	_ =	shalt  }
0x74: {  	_ =	shalt  }
0x75: {  	_ =	shalt  }
0x76: {  	_ =	shalt  }
0x77: {  	_ =	shalt  }
0x78: {  	_ =	shalt  }
0x79: {  	_ =	shalt  }
0x7a: {  	_ =	shalt  }
0x7b: {  	_ =	shalt  }
0x7c: {  	_ =	shalt  }
0x7d: {  	_ =	shalt  }
0x7e: {  	_ =	shalt  }
0x7f: {  	_ =	shalt  }
0x80: {  	_ =	shalt  }
0x81: {  	_ =	shalt  }
0x82: {  	_ =	shalt  }
0x83: {  	_ =	shalt  }
0x84: {  	_ =	shalt  }
0x85: {  	_ =	shalt  }
0x86: {  	_ =	shalt  }
0x87: {  	_ =	shalt  }
.Lfunc_end0:
.L_simem_size_0:
called_computation.1_lowered:
.L_overlay_start_0:
0x88: {  	s2 =	sld [smem:$0x3FD9]  }
0x89: {  	s3 =	sld [smem:$0x3FFE];
	_ =	sdelay $0x1  }
0x8a: {  	s1 =	srdreg.scid  }
0x8b: {  	s0 =	sand.u32 $0x1, s1  }
0x8c: {  	s17 =	sshll.u32 s0, $0xA;
	s2 =	sadd.s32 s3, s2  }
0x8d: {  	s2 =	sadd.s32 s2, s17  }
0x8e: {  	[smem:$0x3FB9] =	sst s2  }
0x8f: {  	_ = 	snop  }
0x90: {  	s2 =	sld [smem:$0x3FD0];
	(tm) =	ssettm $0x1  }
0x91: {  	s18 =	sld [smem:$0x3FFB];
	_ =	sdelay $0x3  }
0x92: {  	_ =	strace s18  }
0x93: {  	s3 =	sld [smem:$0x3FFC];
	_ =	sdelay $0x3  }
0x94: {  	_ =	strace s3  }
0x95: {  	s3 =	sld [smem:$0x3FFD];
	_ =	sdelay $0x3  }
0x96: {  	_ =	strace s3  }
0x97: {  	_ =	strace $0x8FFFFFFF  }
0x98: {  	s19 =	sld [smem:$0x3FDB];
	_ =	sdelay $0x1  }
0x99: {  	s4 =	simm.s32 $_scs_section_size  }
0x9a: {  	s5 =	simm.s32 $_size__tile_overlayer_lowered;
	s6 =	simm.s32 $_tile_overlayer_lowered  }
0x9b: {  	s22 =	simm.s32 $0x1BFF;
	s21 =	sshll.u32 s6, $0x1;
	s3 =	sadd.s32 s4, s19  }
0x9c: {  	s7 =	simm.s32 $0x0;
	s20 =	sshll.u32 s5, $0x1;
	s5 =	sadd.s32 s21, s3  }
0x9d: {  	[timem:s7], [sflag:s22] =	dma.local [hbm:s5], s20  }
0x9e: {  	_ =	swait.ge [sflag:s22], s20  }
0x9f: {  	s4 =	ssub.s32 $0x0, s20;
	[sflag:s22] =	ssyncset.done $0x0  }
0xa0: {  	[sflag:s22] =	ssyncadd.s32 s4;
	_ =	sdelay $0x1  }
0xa1: {  	s23 =	simm.s32 $0x1B8B  }
0xa2: {  	_ =	swait.ge [sflag:s23], $0x1  }
0xa3: {  	[sflag:s23] =	ssyncset.done $0x0  }
0xa4: {  	s25 =	simm.s32 $0x1B8E;
	s24 =	sld [smem:$0x3FFE];
	[sflag:s23] =	ssyncadd.s32 $0xFFFFFFFF  }
0xa5: {  	s26 =	simm.s32 $execute0_lowered;
	[smem:$0x3FD2] =	sst s25  }
0xa6: {  	s5 =	sshll.u32 s26, $0x1;
	_ =	strace $0x80000049;
	[dreg:$0x1] =	wrdreg $0xFFFFFFFF  }
0xa7: {  	s28 =	simm.s32 $_size_execute0_lowered;
	s3 =	sadd.s32 s3, s5;
	[dreg:$0x0] =	wrdreg $0x0  }
0xa8: {  	s5 =	sshll.u32 s28, $0x1;
	[dreg:$0x2] =	wrdreg s3  }
0xa9: {  	[dreg:$0x3] =	wrdreg s5  }
0xaa: {  	[dreg:$0x4] =	wrdreg $0xC0  }
0xab: {  	_ =	task [dreg:s7], $0x5FFFF  }
0xac: {  	[dreg:$0x1] =	wrdreg $0xFFFFFFFF  }
0xad: {  	[dreg:$0x0] =	wrdreg $0x60  }
0xae: {  	[dreg:$0x2] =	wrdreg s24  }
0xaf: {  	[dreg:$0x3] =	wrdreg s2  }
0xb0: {  	[dreg:$0x4] =	wrdreg $0x4E200  }
0xb1: {  	[dreg:$0x5] =	wrdreg $0x9  }
0xb2: {  	_ =	task.clear_ibuf [dreg:s7], $0x6FFFF;
	_ =	strace $0x90000049  }
0xb3: {  	s29 =	simm.s32 $0x9;
	_ =	strace $0x8000004B  }
0xb4: {  	_ =	swait.ge [sflag:s29], $0x1  }
0xb5: {  	[sflag:s29] =	ssyncadd.s32 $0xFFFFFFFF  }
0xb6: {  	_ =	strace $0x9000004B  }
0xb7: {  	_ =	sfence  }
0xb8: {  	s30 =	sld [smem:$0x0];
	_ =	sdelay $0x2  }
0xb9: {  	s31 =	sshll.u32 s1, $0xD;
	s1 =	sshrl.u32 s1, $0x2  }
0xba: {  	s3 =	sand.u32 $0x4000, s31;
	s1 =	sadd.s32 s1, s30  }
0xbb: {  	s0 =	sor.u32 s3, s0;
	s1 =	sshll.u32 s1, $0x11  }
0xbc: {  	s0 =	sor.u32 s1, s0  }
0xbd: {  	s0 =	sadd.s32 $0x8F2B, s0  }
0xbe: {  	[sflag:s0] =	ssyncadd.remote.s32 $0x1  }
0xbf: {  	_ =	sfence.sel $0xFFFF  }
0xc0: {  	[dreg:$0x0] =	wrdreg $0xFFFFFFFF;
	(pc) =	sbr.abs _section_cstart, $3  }
0xc1: {  	[dreg:$0x1] =	wrdreg $0xFFFFFFFF  }
0xc2: {  	_ =	task.clear_ibuf [dreg:s7], $0x2FFFF;
	_ =	strace $0x9FFFFFFF  }
0xc3: {  	(tm) =	ssettm $0x7FFFFFFF  }
tec
execute0_lowered:
.L_overlay_start_1:
0x0: {  	(tag) =	ssettag $0x1  }
0x1: {  	s5 =	rddreg [dreg:$0x0]  }
0x2: {  	s6 =	rddreg [dreg:$0x1]  }
0x3: {  	s0 =	srdreg.scid;
	s2 =	rddreg [dreg:$0x2]  }
0x4: {  	s1 =	stileid.u32;
	s3 =	simm.s32 $0x0;
	s18 =	simm.s32 $0x4650  }
0x5: {  	s19 =	simm.s32 $0x1;
	s20 =	simm.s32 $0x7D0;
	s21 =	simm.s32 $0x2  }
0x6: {  	s22 =	simm.s32 $0x2;
	s23 =	simm.s32 $0x0;
	s8 =	smul.u32 $0xC350, s1  }
0x7: {  	s7 =	sand.u32 $0x1, s0;
	s0 =	rddreg [dreg:$0x3];
	s11 =	smul.u32 $0x30D40, s1  }
0x8: {  	[smem:$0x7FF] =	sst s3;
	s12 =	sadd.s32 $0x992400, s5;
	s30 =	smul.u32 $0x186A, s1  }
0x9: {  	s4 =	smul.u32 $0xC3500, s7;
	_ =	strace $0x8000004A;
	s28 =	ssub.s32 $0x2, s7  }
0xa: {  	p0 =	seq.s32 s7, $0x0;
	s9 =	sshrl.u32 s28, $0x1;
	s31 =	sshrl.u32 s11, $0x2  }
0xb: {  	s12 =	smov.u32 @p0 s6;
	s21 =	simm.s32 @!p0 $0x1;
	s4 =	sadd.s32 s8, s4  }
0xc: {  	s8 =	sadd.s32 s30, s12;
	s16 =	sadd.s32 s4, s5;
	s4 =	sshrl.u32 s4, $0x3  }
0xd: {  	s11 =	sadd.s32 $0x186A0, s8;
	s13 =	sadd.s32 $0x30D40, s8;
	s15 =	sadd.s32 $0x493E0, s8  }
0xe: {  	s17 =	sadd.s32 $0x61A80, s8;
	s10 =	sadd.s32 s4, s5;
	s4 =	sadd.s32 $0x95F000, s5  }
0xf: {  	s29 =	ssub.s32 s28, s9;
	s7 =	sadd.s32 $0x1BDE00, s16;
	s9 =	sadd.s32 $0x344800, s16  }
0x10: {  	s6 =	sadd.s32 s31, s2;
	s12 =	sadd.s32 $0x4CB200, s16;
	s14 =	sadd.s32 $0x651C00, s16  }
0x11: {  	s5 =	smax.u32 s29, $0x1;
	s16 =	sadd.s32 $0x7D8600, s16;
	s10 =	sadd.s32 $0x18D000, s10  }
.LBB2_1:
0x12: {  	[tilespmem:s18], [sflag:$0x1] =	stream.linear.gather [hbm4b:s4+s3], $0x7D0, $0x38;
	[tilespmem:$0x11170] =	vst v63  }
0x13: {  	_ =	swait.ge [sflag:s19], $0x7D0  }
0x14: {  	[sflag:s19] =	ssyncset.done $0x0  }
0x15: {  	s24 =	sadd.s32 $0x0, s6;
	[sflag:s19] =	ssyncadd.s32 $0xFFFFF830  }
0x16: {  	[spmem:s24] =	stream.linear.scatter [tilespmem:s18], [sflag:$0x1], $0x7D0, $0x38;
	[tilespmem:$0x11170] =	vst v63  }
0x17: {  	s24 =	simm.s32 $0x1F40;
	_ =	swait.ge [sflag:s19], $0x7D0  }
.LBB2_2:
0x18: {  	s25 =	sshra.s32 s24, $0x2;
	[sflag:s19] =	ssyncset.done $0x0;
	p0 =	sne.s32 s24, $0x2EE00  }
.Ltmp0:
0x19: {  	s25 =	sadd.s32 s25, s6;
	[sflag:s19] =	ssyncadd.s32 $0xFFFFF830;
	(pc) =	sbr.rel @p0 .LBB2_2-.Ltmp0, $3  }
0x1a: {  	[spmem:s25] =	stream.linear.scatter [tilespmem:s18], [sflag:$0x1], $0x7D0, $0x38;
	[tilespmem:$0x11170] =	vst v63  }
0x1b: {  	s24 =	sadd.s32 $0x1F40, s24;
	_ =	sdelay $0x1  }
0x1c: {  	_ =	swait.ge [sflag:s19], $0x7D0  }
0x1d: {  	[sflag:s19] =	ssyncset.done $0x0  }
0x1e: {  	[sflag:s19] =	ssyncadd.s32 $0xFFFFF830  }
0x1f: {  	s24 =	sadd.s32 $0x0, s10;
	[bflag:$0x0] =	sbarrier.arrive $0xFFFF  }
0x20: {  	[tilespmem:s3], [sflag:$0x1] =	stream.linear.gather [hbm4b:s24+s3], $0x7D0, $0x38;
	[tilespmem:$0x11170] =	vst v63  }
0x21: {  	_ =	swait.ge [sflag:s19], $0x7D0  }
0x22: {  	[sflag:s19] =	ssyncset.done $0x0  }
0x23: {  	[sflag:s19] =	ssyncadd.s32 $0xFFFFF830  }
0x24: {  	[tilespmem:s20], [sflag:$0x1] =	stream.linear.gather [hbm4b:s7+s3], $0x3E80, $0x38;
	[tilespmem:$0x11170] =	vst v63  }
0x25: {  	_ =	swait.ge [sflag:s19], $0x3E80  }
0x26: {  	[sflag:s19] =	ssyncset.done $0x0  }
0x27: {  	[sflag:s19] =	ssyncadd.s32 $0xFFFFC180  }
0x28: {  	[spmem:s2] =	stream.indirect.scatter.add.f32 [tilespmem:s20], [sflag:$0x1], $0x8, s3, s20, $0xb8;
	[tilespmem:$0x11170] =	vst v63  }
0x29: {  	s25 =	simm.s32 $0xFA;
	_ =	swait.ge [sflag:s19], $0x3E80  }
0x2a: {  	s26 =	simm.s32 $0x1F4;
	s24 =	sadd.s32 $0x7D0, s7;
	[sflag:s19] =	ssyncset.done $0x0  }
.LBB2_4:
0x2b: {  	s28 =	sadd.s32 s25, s10  }
0x2c: {  	[sflag:s19] =	ssyncadd.s32 $0xFFFFC180;
	s25 =	smov.u32 s26;
	s29 =	sadd.s32 $0xFA, s26  }
0x2d: {  	[tilespmem:s3], [sflag:$0x1] =	stream.linear.gather [hbm4b:s28+s3], $0x7D0, $0x38;
	[tilespmem:$0x11170] =	vst v63  }
0x2e: {  	p0 =	sne.s32 s26, $0x1770;
	_ =	swait.ge [sflag:s19], $0x7D0  }
0x2f: {  	[sflag:s19] =	ssyncset.done $0x0  }
0x30: {  	[sflag:s19] =	ssyncadd.s32 $0xFFFFF830  }
0x31: {  	[tilespmem:s20], [sflag:$0x1] =	stream.linear.gather [hbm4b:s24+s3], $0x3E80, $0x38;
	[tilespmem:$0x11170] =	vst v63  }
0x32: {  	_ =	swait.ge [sflag:s19], $0x3E80  }
.Ltmp1:
0x33: {  	[sflag:s19] =	ssyncset.done $0x0;
	(pc) =	sbr.rel @p0 .LBB2_4-.Ltmp1, $4  }
0x34: {  	[sflag:s19] =	ssyncadd.s32 $0xFFFFC180  }
0x35: {  	[spmem:s2] =	stream.indirect.scatter.add.f32 [tilespmem:s20], [sflag:$0x1], $0x8, s3, s20, $0xb8;
	[tilespmem:$0x11170] =	vst v63  }
0x36: {  	_ =	swait.ge [sflag:s19], $0x3E80  }
0x37: {  	s26 =	smov.u32 s29;
	s24 =	sadd.s32 $0x7D0, s24;
	[sflag:s19] =	ssyncset.done $0x0  }
0x38: {  	s25 =	sadd.s32 s25, s10;
	[sflag:s19] =	ssyncadd.s32 $0xFFFFC180  }
0x39: {  	[tilespmem:s3], [sflag:$0x1] =	stream.linear.gather [hbm4b:s25+s3], $0x7D0, $0x38;
	[tilespmem:$0x11170] =	vst v63  }
0x3a: {  	_ =	swait.ge [sflag:s19], $0x7D0  }
0x3b: {  	[sflag:s19] =	ssyncset.done $0x0  }
0x3c: {  	[sflag:s19] =	ssyncadd.s32 $0xFFFFF830  }
0x3d: {  	[tilespmem:s20], [sflag:$0x1] =	stream.linear.gather [hbm4b:s24+s3], $0x3E80, $0x38;
	[tilespmem:$0x11170] =	vst v63  }
0x3e: {  	_ =	swait.ge [sflag:s19], $0x3E80  }
0x3f: {  	[sflag:s19] =	ssyncset.done $0x0  }
0x40: {  	[sflag:s19] =	ssyncadd.s32 $0xFFFFC180  }
0x41: {  	[spmem:s2] =	stream.indirect.scatter.add.f32 [tilespmem:s20], [sflag:$0x1], $0x8, s3, s20, $0xb8;
	[tilespmem:$0x11170] =	vst v63  }
0x42: {  	_ =	swait.ge [sflag:s19], $0x3E80  }
0x43: {  	[sflag:s19] =	ssyncset.done $0x0  }
0x44: {  	[sflag:s19] =	ssyncadd.s32 $0xFFFFC180  }
0x45: {  	[bflag:$0x0] =	sbarrier.arrive $0xFFFF  }
0x46: {  	[tilespmem:s18], [sflag:$0x2] =	stream.linear.gather [spmem:s6], $0x7D0, $0x38;
	[tilespmem:$0x11170] =	vst v63  }
0x47: {  	_ =	swait.ge [sflag:s22], $0x7D0  }
0x48: {  	[sflag:s22] =	ssyncset.done $0x0  }
0x49: {  	s31 =	sadd.s32 $0x0, s8;
	[sflag:s22] =	ssyncadd.s32 $0xFFFFF830  }
0x4a: {  	[hbm4b:s31+s3] =	stream.linear.scatter [tilespmem:s18], [sflag:s21], $0x7D0, $0x38;
	[tilespmem:$0x11170] =	vst v63  }
0x4b: {  	_ =	swait.ge [sflag:s21], $0x7D0  }
0x4c: {  	s25 =	smov.u32 s6;
	s24 =	simm.s32 $0xFA;
	[sflag:s21] =	ssyncset.done $0x0  }
.LBB2_6:
0x4d: {  	p0 =	sne.s32 s24, $0x1770;
	[sflag:s21] =	ssyncadd.s32 $0xFFFFF830;
	s25 =	sadd.s32 $0x7D0, s25  }
0x4e: {  	[tilespmem:s18], [sflag:$0x2] =	stream.linear.gather [spmem:s25], $0x7D0, $0x38;
	[tilespmem:$0x11170] =	vst v63  }
0x4f: {  	s26 =	smov.u32 s24;
	s24 =	sadd.s32 $0xFA, s24;
	_ =	swait.ge [sflag:s22], $0x7D0  }
.Ltmp2:
0x50: {  	[sflag:s22] =	ssyncset.done $0x0;
	(pc) =	sbr.rel @p0 .LBB2_6-.Ltmp2, $4  }
0x51: {  	s26 =	sadd.s32 s26, s8;
	[sflag:s22] =	ssyncadd.s32 $0xFFFFF830  }
0x52: {  	[hbm4b:s26+s3] =	stream.linear.scatter [tilespmem:s18], [sflag:s21], $0x7D0, $0x38;
	[tilespmem:$0x11170] =	vst v63  }
0x53: {  	_ =	swait.ge [sflag:s21], $0x7D0  }
0x54: {  	[sflag:s21] =	ssyncset.done $0x0  }
0x55: {  	[sflag:s21] =	ssyncadd.s32 $0xFFFFF830  }
0x56: {  	s24 =	simm.s32 $0x0;
	[bflag:$0x0] =	sbarrier.arrive $0xFFFF  }
0x57: {  	[tilespmem:s18], [sflag:$0x1] =	stream.linear.gather [hbm4b:s4+s24], $0x7D0, $0x38;
	[tilespmem:$0x11170] =	vst v63  }
0x58: {  	_ =	swait.ge [sflag:s19], $0x7D0  }
0x59: {  	[sflag:s19] =	ssyncset.done $0x0  }
0x5a: {  	s31 =	sadd.s32 $0x0, s6;
	[sflag:s19] =	ssyncadd.s32 $0xFFFFF830  }
0x5b: {  	[spmem:s31] =	stream.linear.scatter [tilespmem:s18], [sflag:$0x1], $0x7D0, $0x38;
	[tilespmem:$0x11170] =	vst v63  }
0x5c: {  	s24 =	simm.s32 $0x1F40;
	_ =	swait.ge [sflag:s19], $0x7D0  }
.LBB2_8:
0x5d: {  	s25 =	sshra.s32 s24, $0x2;
	[sflag:s19] =	ssyncset.done $0x0;
	p0 =	sne.s32 s24, $0x2EE00  }
.Ltmp3:
0x5e: {  	s25 =	sadd.s32 s25, s6;
	[sflag:s19] =	ssyncadd.s32 $0xFFFFF830;
	(pc) =	sbr.rel @p0 .LBB2_8-.Ltmp3, $3  }
0x5f: {  	[spmem:s25] =	stream.linear.scatter [tilespmem:s18], [sflag:$0x1], $0x7D0, $0x38;
	[tilespmem:$0x11170] =	vst v63  }
0x60: {  	s24 =	sadd.s32 $0x1F40, s24;
	_ =	sdelay $0x1  }
0x61: {  	_ =	swait.ge [sflag:s19], $0x7D0  }
0x62: {  	[sflag:s19] =	ssyncset.done $0x0  }
0x63: {  	[sflag:s19] =	ssyncadd.s32 $0xFFFFF830  }
0x64: {  	s24 =	sadd.s32 $0x0, s10;
	[bflag:$0x0] =	sbarrier.arrive $0xFFFF  }
0x65: {  	[tilespmem:s3], [sflag:$0x1] =	stream.linear.gather [hbm4b:s24+s3], $0x7D0, $0x38;
	[tilespmem:$0x11170] =	vst v63  }
0x66: {  	_ =	swait.ge [sflag:s19], $0x7D0  }
0x67: {  	[sflag:s19] =	ssyncset.done $0x0  }
0x68: {  	[sflag:s19] =	ssyncadd.s32 $0xFFFFF830  }
0x69: {  	[tilespmem:s20], [sflag:$0x1] =	stream.linear.gather [hbm4b:s9+s3], $0x3E80, $0x38;
	[tilespmem:$0x11170] =	vst v63  }
0x6a: {  	_ =	swait.ge [sflag:s19], $0x3E80  }
0x6b: {  	[sflag:s19] =	ssyncset.done $0x0  }
0x6c: {  	[sflag:s19] =	ssyncadd.s32 $0xFFFFC180  }
0x6d: {  	[spmem:s2] =	stream.indirect.scatter.add.f32 [tilespmem:s20], [sflag:$0x1], $0x8, s3, s20, $0xb8;
	[tilespmem:$0x11170] =	vst v63  }
0x6e: {  	s25 =	simm.s32 $0xFA;
	_ =	swait.ge [sflag:s19], $0x3E80  }
0x6f: {  	s26 =	simm.s32 $0x1F4;
	s24 =	sadd.s32 $0x7D0, s9;
	[sflag:s19] =	ssyncset.done $0x0  }
.LBB2_10:
0x70: {  	s28 =	sadd.s32 s25, s10  }
0x71: {  	[sflag:s19] =	ssyncadd.s32 $0xFFFFC180;
	s25 =	smov.u32 s26;
	s29 =	sadd.s32 $0xFA, s26  }
0x72: {  	[tilespmem:s3], [sflag:$0x1] =	stream.linear.gather [hbm4b:s28+s3], $0x7D0, $0x38;
	[tilespmem:$0x11170] =	vst v63  }
0x73: {  	p0 =	sne.s32 s26, $0x1770;
	_ =	swait.ge [sflag:s19], $0x7D0  }
0x74: {  	[sflag:s19] =	ssyncset.done $0x0  }
0x75: {  	[sflag:s19] =	ssyncadd.s32 $0xFFFFF830  }
0x76: {  	[tilespmem:s20], [sflag:$0x1] =	stream.linear.gather [hbm4b:s24+s3], $0x3E80, $0x38;
	[tilespmem:$0x11170] =	vst v63  }
0x77: {  	_ =	swait.ge [sflag:s19], $0x3E80  }
.Ltmp4:
0x78: {  	[sflag:s19] =	ssyncset.done $0x0;
	(pc) =	sbr.rel @p0 .LBB2_10-.Ltmp4, $4  }
0x79: {  	[sflag:s19] =	ssyncadd.s32 $0xFFFFC180  }
0x7a: {  	[spmem:s2] =	stream.indirect.scatter.add.f32 [tilespmem:s20], [sflag:$0x1], $0x8, s3, s20, $0xb8;
	[tilespmem:$0x11170] =	vst v63  }
0x7b: {  	_ =	swait.ge [sflag:s19], $0x3E80  }
0x7c: {  	s26 =	smov.u32 s29;
	s24 =	sadd.s32 $0x7D0, s24;
	[sflag:s19] =	ssyncset.done $0x0  }
0x7d: {  	s25 =	sadd.s32 s25, s10;
	[sflag:s19] =	ssyncadd.s32 $0xFFFFC180  }
0x7e: {  	[tilespmem:s3], [sflag:$0x1] =	stream.linear.gather [hbm4b:s25+s3], $0x7D0, $0x38;
	[tilespmem:$0x11170] =	vst v63  }
0x7f: {  	_ =	swait.ge [sflag:s19], $0x7D0  }
0x80: {  	[sflag:s19] =	ssyncset.done $0x0  }
0x81: {  	[sflag:s19] =	ssyncadd.s32 $0xFFFFF830  }
0x82: {  	[tilespmem:s20], [sflag:$0x1] =	stream.linear.gather [hbm4b:s24+s3], $0x3E80, $0x38;
	[tilespmem:$0x11170] =	vst v63  }
0x83: {  	_ =	swait.ge [sflag:s19], $0x3E80  }
0x84: {  	[sflag:s19] =	ssyncset.done $0x0  }
0x85: {  	[sflag:s19] =	ssyncadd.s32 $0xFFFFC180  }
0x86: {  	[spmem:s2] =	stream.indirect.scatter.add.f32 [tilespmem:s20], [sflag:$0x1], $0x8, s3, s20, $0xb8;
	[tilespmem:$0x11170] =	vst v63  }
0x87: {  	_ =	swait.ge [sflag:s19], $0x3E80  }
0x88: {  	[sflag:s19] =	ssyncset.done $0x0  }
0x89: {  	[sflag:s19] =	ssyncadd.s32 $0xFFFFC180  }
0x8a: {  	[bflag:$0x0] =	sbarrier.arrive $0xFFFF  }
0x8b: {  	[tilespmem:s18], [sflag:$0x2] =	stream.linear.gather [spmem:s6], $0x7D0, $0x38;
	[tilespmem:$0x11170] =	vst v63  }
0x8c: {  	_ =	swait.ge [sflag:s22], $0x7D0  }
0x8d: {  	[sflag:s22] =	ssyncset.done $0x0  }
0x8e: {  	s31 =	sadd.s32 $0x0, s11;
	[sflag:s22] =	ssyncadd.s32 $0xFFFFF830  }
0x8f: {  	[hbm4b:s31+s3] =	stream.linear.scatter [tilespmem:s18], [sflag:s21], $0x7D0, $0x38;
	[tilespmem:$0x11170] =	vst v63  }
0x90: {  	_ =	swait.ge [sflag:s21], $0x7D0  }
0x91: {  	s25 =	smov.u32 s6;
	s24 =	simm.s32 $0xFA;
	[sflag:s21] =	ssyncset.done $0x0  }
.LBB2_12:
0x92: {  	p0 =	sne.s32 s24, $0x1770;
	[sflag:s21] =	ssyncadd.s32 $0xFFFFF830;
	s25 =	sadd.s32 $0x7D0, s25  }
0x93: {  	[tilespmem:s18], [sflag:$0x2] =	stream.linear.gather [spmem:s25], $0x7D0, $0x38;
	[tilespmem:$0x11170] =	vst v63  }
0x94: {  	s26 =	smov.u32 s24;
	s24 =	sadd.s32 $0xFA, s24;
	_ =	swait.ge [sflag:s22], $0x7D0  }
.Ltmp5:
0x95: {  	[sflag:s22] =	ssyncset.done $0x0;
	(pc) =	sbr.rel @p0 .LBB2_12-.Ltmp5, $4  }
0x96: {  	s26 =	sadd.s32 s26, s11;
	[sflag:s22] =	ssyncadd.s32 $0xFFFFF830  }
0x97: {  	[hbm4b:s26+s3] =	stream.linear.scatter [tilespmem:s18], [sflag:s21], $0x7D0, $0x38;
	[tilespmem:$0x11170] =	vst v63  }
0x98: {  	_ =	swait.ge [sflag:s21], $0x7D0  }
0x99: {  	[sflag:s21] =	ssyncset.done $0x0  }
0x9a: {  	[sflag:s21] =	ssyncadd.s32 $0xFFFFF830  }
0x9b: {  	s24 =	simm.s32 $0x0;
	[bflag:$0x0] =	sbarrier.arrive $0xFFFF  }
0x9c: {  	[tilespmem:s18], [sflag:$0x1] =	stream.linear.gather [hbm4b:s4+s24], $0x7D0, $0x38;
	[tilespmem:$0x11170] =	vst v63  }
0x9d: {  	_ =	swait.ge [sflag:s19], $0x7D0  }
0x9e: {  	[sflag:s19] =	ssyncset.done $0x0  }
0x9f: {  	s31 =	sadd.s32 $0x0, s6;
	[sflag:s19] =	ssyncadd.s32 $0xFFFFF830  }
0xa0: {  	[spmem:s31] =	stream.linear.scatter [tilespmem:s18], [sflag:$0x1], $0x7D0, $0x38;
	[tilespmem:$0x11170] =	vst v63  }
0xa1: {  	s24 =	simm.s32 $0x1F40;
	_ =	swait.ge [sflag:s19], $0x7D0  }
.LBB2_14:
0xa2: {  	s25 =	sshra.s32 s24, $0x2;
	[sflag:s19] =	ssyncset.done $0x0;
	p0 =	sne.s32 s24, $0x2EE00  }
.Ltmp6:
0xa3: {  	s25 =	sadd.s32 s25, s6;
	[sflag:s19] =	ssyncadd.s32 $0xFFFFF830;
	(pc) =	sbr.rel @p0 .LBB2_14-.Ltmp6, $3  }
0xa4: {  	[spmem:s25] =	stream.linear.scatter [tilespmem:s18], [sflag:$0x1], $0x7D0, $0x38;
	[tilespmem:$0x11170] =	vst v63  }
0xa5: {  	s24 =	sadd.s32 $0x1F40, s24;
	_ =	sdelay $0x1  }
0xa6: {  	_ =	swait.ge [sflag:s19], $0x7D0  }
0xa7: {  	[sflag:s19] =	ssyncset.done $0x0  }
0xa8: {  	[sflag:s19] =	ssyncadd.s32 $0xFFFFF830  }
0xa9: {  	s24 =	sadd.s32 $0x0, s10;
	[bflag:$0x0] =	sbarrier.arrive $0xFFFF  }
0xaa: {  	[tilespmem:s3], [sflag:$0x1] =	stream.linear.gather [hbm4b:s24+s3], $0x7D0, $0x38;
	[tilespmem:$0x11170] =	vst v63  }
0xab: {  	_ =	swait.ge [sflag:s19], $0x7D0  }
0xac: {  	[sflag:s19] =	ssyncset.done $0x0  }
0xad: {  	[sflag:s19] =	ssyncadd.s32 $0xFFFFF830  }
0xae: {  	[tilespmem:s20], [sflag:$0x1] =	stream.linear.gather [hbm4b:s12+s3], $0x3E80, $0x38;
	[tilespmem:$0x11170] =	vst v63  }
0xaf: {  	_ =	swait.ge [sflag:s19], $0x3E80  }
0xb0: {  	[sflag:s19] =	ssyncset.done $0x0  }
0xb1: {  	[sflag:s19] =	ssyncadd.s32 $0xFFFFC180  }
0xb2: {  	[spmem:s2] =	stream.indirect.scatter.add.f32 [tilespmem:s20], [sflag:$0x1], $0x8, s3, s20, $0xb8;
	[tilespmem:$0x11170] =	vst v63  }
0xb3: {  	s25 =	simm.s32 $0xFA;
	_ =	swait.ge [sflag:s19], $0x3E80  }
0xb4: {  	s26 =	simm.s32 $0x1F4;
	s24 =	sadd.s32 $0x7D0, s12;
	[sflag:s19] =	ssyncset.done $0x0  }
.LBB2_16:
0xb5: {  	s28 =	sadd.s32 s25, s10  }
0xb6: {  	[sflag:s19] =	ssyncadd.s32 $0xFFFFC180;
	s25 =	smov.u32 s26;
	s29 =	sadd.s32 $0xFA, s26  }
0xb7: {  	[tilespmem:s3], [sflag:$0x1] =	stream.linear.gather [hbm4b:s28+s3], $0x7D0, $0x38;
	[tilespmem:$0x11170] =	vst v63  }
0xb8: {  	p0 =	sne.s32 s26, $0x1770;
	_ =	swait.ge [sflag:s19], $0x7D0  }
0xb9: {  	[sflag:s19] =	ssyncset.done $0x0  }
0xba: {  	[sflag:s19] =	ssyncadd.s32 $0xFFFFF830  }
0xbb: {  	[tilespmem:s20], [sflag:$0x1] =	stream.linear.gather [hbm4b:s24+s3], $0x3E80, $0x38;
	[tilespmem:$0x11170] =	vst v63  }
0xbc: {  	_ =	swait.ge [sflag:s19], $0x3E80  }
.Ltmp7:
0xbd: {  	[sflag:s19] =	ssyncset.done $0x0;
	(pc) =	sbr.rel @p0 .LBB2_16-.Ltmp7, $4  }
0xbe: {  	[sflag:s19] =	ssyncadd.s32 $0xFFFFC180  }
0xbf: {  	[spmem:s2] =	stream.indirect.scatter.add.f32 [tilespmem:s20], [sflag:$0x1], $0x8, s3, s20, $0xb8;
	[tilespmem:$0x11170] =	vst v63  }
0xc0: {  	_ =	swait.ge [sflag:s19], $0x3E80  }
0xc1: {  	s26 =	smov.u32 s29;
	s24 =	sadd.s32 $0x7D0, s24;
	[sflag:s19] =	ssyncset.done $0x0  }
0xc2: {  	s25 =	sadd.s32 s25, s10;
	[sflag:s19] =	ssyncadd.s32 $0xFFFFC180  }
0xc3: {  	[tilespmem:s3], [sflag:$0x1] =	stream.linear.gather [hbm4b:s25+s3], $0x7D0, $0x38;
	[tilespmem:$0x11170] =	vst v63  }
0xc4: {  	_ =	swait.ge [sflag:s19], $0x7D0  }
0xc5: {  	[sflag:s19] =	ssyncset.done $0x0  }
0xc6: {  	[sflag:s19] =	ssyncadd.s32 $0xFFFFF830  }
0xc7: {  	[tilespmem:s20], [sflag:$0x1] =	stream.linear.gather [hbm4b:s24+s3], $0x3E80, $0x38;
	[tilespmem:$0x11170] =	vst v63  }
0xc8: {  	_ =	swait.ge [sflag:s19], $0x3E80  }
0xc9: {  	[sflag:s19] =	ssyncset.done $0x0  }
0xca: {  	[sflag:s19] =	ssyncadd.s32 $0xFFFFC180  }
0xcb: {  	[spmem:s2] =	stream.indirect.scatter.add.f32 [tilespmem:s20], [sflag:$0x1], $0x8, s3, s20, $0xb8;
	[tilespmem:$0x11170] =	vst v63  }
0xcc: {  	_ =	swait.ge [sflag:s19], $0x3E80  }
0xcd: {  	[sflag:s19] =	ssyncset.done $0x0  }
0xce: {  	[sflag:s19] =	ssyncadd.s32 $0xFFFFC180  }
0xcf: {  	[bflag:$0x0] =	sbarrier.arrive $0xFFFF  }
0xd0: {  	[tilespmem:s18], [sflag:$0x2] =	stream.linear.gather [spmem:s6], $0x7D0, $0x38;
	[tilespmem:$0x11170] =	vst v63  }
0xd1: {  	_ =	swait.ge [sflag:s22], $0x7D0  }
0xd2: {  	[sflag:s22] =	ssyncset.done $0x0  }
0xd3: {  	s31 =	sadd.s32 $0x0, s13;
	[sflag:s22] =	ssyncadd.s32 $0xFFFFF830  }
0xd4: {  	[hbm4b:s31+s3] =	stream.linear.scatter [tilespmem:s18], [sflag:s21], $0x7D0, $0x38;
	[tilespmem:$0x11170] =	vst v63  }
0xd5: {  	_ =	swait.ge [sflag:s21], $0x7D0  }
0xd6: {  	s25 =	smov.u32 s6;
	s24 =	simm.s32 $0xFA;
	[sflag:s21] =	ssyncset.done $0x0  }
.LBB2_18:
0xd7: {  	p0 =	sne.s32 s24, $0x1770;
	[sflag:s21] =	ssyncadd.s32 $0xFFFFF830;
	s25 =	sadd.s32 $0x7D0, s25  }
0xd8: {  	[tilespmem:s18], [sflag:$0x2] =	stream.linear.gather [spmem:s25], $0x7D0, $0x38;
	[tilespmem:$0x11170] =	vst v63  }
0xd9: {  	s26 =	smov.u32 s24;
	s24 =	sadd.s32 $0xFA, s24;
	_ =	swait.ge [sflag:s22], $0x7D0  }
.Ltmp8:
0xda: {  	[sflag:s22] =	ssyncset.done $0x0;
	(pc) =	sbr.rel @p0 .LBB2_18-.Ltmp8, $4  }
0xdb: {  	s26 =	sadd.s32 s26, s13;
	[sflag:s22] =	ssyncadd.s32 $0xFFFFF830  }
0xdc: {  	[hbm4b:s26+s3] =	stream.linear.scatter [tilespmem:s18], [sflag:s21], $0x7D0, $0x38;
	[tilespmem:$0x11170] =	vst v63  }
0xdd: {  	_ =	swait.ge [sflag:s21], $0x7D0  }
0xde: {  	[sflag:s21] =	ssyncset.done $0x0  }
0xdf: {  	[sflag:s21] =	ssyncadd.s32 $0xFFFFF830  }
0xe0: {  	s24 =	simm.s32 $0x0;
	[bflag:$0x0] =	sbarrier.arrive $0xFFFF  }
0xe1: {  	[tilespmem:s18], [sflag:$0x1] =	stream.linear.gather [hbm4b:s4+s24], $0x7D0, $0x38;
	[tilespmem:$0x11170] =	vst v63  }
0xe2: {  	_ =	swait.ge [sflag:s19], $0x7D0  }
0xe3: {  	[sflag:s19] =	ssyncset.done $0x0  }
0xe4: {  	s31 =	sadd.s32 $0x0, s6;
	[sflag:s19] =	ssyncadd.s32 $0xFFFFF830  }
0xe5: {  	[spmem:s31] =	stream.linear.scatter [tilespmem:s18], [sflag:$0x1], $0x7D0, $0x38;
	[tilespmem:$0x11170] =	vst v63  }
0xe6: {  	s24 =	simm.s32 $0x1F40;
	_ =	swait.ge [sflag:s19], $0x7D0  }
.LBB2_20:
0xe7: {  	s25 =	sshra.s32 s24, $0x2;
	[sflag:s19] =	ssyncset.done $0x0;
	p0 =	sne.s32 s24, $0x2EE00  }
.Ltmp9:
0xe8: {  	s25 =	sadd.s32 s25, s6;
	[sflag:s19] =	ssyncadd.s32 $0xFFFFF830;
	(pc) =	sbr.rel @p0 .LBB2_20-.Ltmp9, $3  }
0xe9: {  	[spmem:s25] =	stream.linear.scatter [tilespmem:s18], [sflag:$0x1], $0x7D0, $0x38;
	[tilespmem:$0x11170] =	vst v63  }
0xea: {  	s24 =	sadd.s32 $0x1F40, s24;
	_ =	sdelay $0x1  }
0xeb: {  	_ =	swait.ge [sflag:s19], $0x7D0  }
0xec: {  	[sflag:s19] =	ssyncset.done $0x0  }
0xed: {  	[sflag:s19] =	ssyncadd.s32 $0xFFFFF830  }
0xee: {  	s24 =	sadd.s32 $0x0, s10;
	[bflag:$0x0] =	sbarrier.arrive $0xFFFF  }
0xef: {  	[tilespmem:s3], [sflag:$0x1] =	stream.linear.gather [hbm4b:s24+s3], $0x7D0, $0x38;
	[tilespmem:$0x11170] =	vst v63  }
0xf0: {  	_ =	swait.ge [sflag:s19], $0x7D0  }
0xf1: {  	[sflag:s19] =	ssyncset.done $0x0  }
0xf2: {  	[sflag:s19] =	ssyncadd.s32 $0xFFFFF830  }
0xf3: {  	[tilespmem:s20], [sflag:$0x1] =	stream.linear.gather [hbm4b:s14+s3], $0x3E80, $0x38;
	[tilespmem:$0x11170] =	vst v63  }
0xf4: {  	_ =	swait.ge [sflag:s19], $0x3E80  }
0xf5: {  	[sflag:s19] =	ssyncset.done $0x0  }
0xf6: {  	[sflag:s19] =	ssyncadd.s32 $0xFFFFC180  }
0xf7: {  	[spmem:s2] =	stream.indirect.scatter.add.f32 [tilespmem:s20], [sflag:$0x1], $0x8, s3, s20, $0xb8;
	[tilespmem:$0x11170] =	vst v63  }
0xf8: {  	s25 =	simm.s32 $0xFA;
	_ =	swait.ge [sflag:s19], $0x3E80  }
0xf9: {  	s26 =	simm.s32 $0x1F4;
	s24 =	sadd.s32 $0x7D0, s14;
	[sflag:s19] =	ssyncset.done $0x0  }
.LBB2_22:
0xfa: {  	s28 =	sadd.s32 s25, s10  }
0xfb: {  	[sflag:s19] =	ssyncadd.s32 $0xFFFFC180;
	s25 =	smov.u32 s26;
	s29 =	sadd.s32 $0xFA, s26  }
0xfc: {  	[tilespmem:s3], [sflag:$0x1] =	stream.linear.gather [hbm4b:s28+s3], $0x7D0, $0x38;
	[tilespmem:$0x11170] =	vst v63  }
0xfd: {  	p0 =	sne.s32 s26, $0x1770;
	_ =	swait.ge [sflag:s19], $0x7D0  }
0xfe: {  	[sflag:s19] =	ssyncset.done $0x0  }
0xff: {  	[sflag:s19] =	ssyncadd.s32 $0xFFFFF830  }
0x100: {  	[tilespmem:s20], [sflag:$0x1] =	stream.linear.gather [hbm4b:s24+s3], $0x3E80, $0x38;
	[tilespmem:$0x11170] =	vst v63  }
0x101: {  	_ =	swait.ge [sflag:s19], $0x3E80  }
.Ltmp10:
0x102: {  	[sflag:s19] =	ssyncset.done $0x0;
	(pc) =	sbr.rel @p0 .LBB2_22-.Ltmp10, $4  }
0x103: {  	[sflag:s19] =	ssyncadd.s32 $0xFFFFC180  }
0x104: {  	[spmem:s2] =	stream.indirect.scatter.add.f32 [tilespmem:s20], [sflag:$0x1], $0x8, s3, s20, $0xb8;
	[tilespmem:$0x11170] =	vst v63  }
0x105: {  	_ =	swait.ge [sflag:s19], $0x3E80  }
0x106: {  	s26 =	smov.u32 s29;
	s24 =	sadd.s32 $0x7D0, s24;
	[sflag:s19] =	ssyncset.done $0x0  }
0x107: {  	s25 =	sadd.s32 s25, s10;
	[sflag:s19] =	ssyncadd.s32 $0xFFFFC180  }
0x108: {  	[tilespmem:s3], [sflag:$0x1] =	stream.linear.gather [hbm4b:s25+s3], $0x7D0, $0x38;
	[tilespmem:$0x11170] =	vst v63  }
0x109: {  	_ =	swait.ge [sflag:s19], $0x7D0  }
0x10a: {  	[sflag:s19] =	ssyncset.done $0x0  }
0x10b: {  	[sflag:s19] =	ssyncadd.s32 $0xFFFFF830  }
0x10c: {  	[tilespmem:s20], [sflag:$0x1] =	stream.linear.gather [hbm4b:s24+s3], $0x3E80, $0x38;
	[tilespmem:$0x11170] =	vst v63  }
0x10d: {  	_ =	swait.ge [sflag:s19], $0x3E80  }
0x10e: {  	[sflag:s19] =	ssyncset.done $0x0  }
0x10f: {  	[sflag:s19] =	ssyncadd.s32 $0xFFFFC180  }
0x110: {  	[spmem:s2] =	stream.indirect.scatter.add.f32 [tilespmem:s20], [sflag:$0x1], $0x8, s3, s20, $0xb8;
	[tilespmem:$0x11170] =	vst v63  }
0x111: {  	_ =	swait.ge [sflag:s19], $0x3E80  }
0x112: {  	[sflag:s19] =	ssyncset.done $0x0  }
0x113: {  	[sflag:s19] =	ssyncadd.s32 $0xFFFFC180  }
0x114: {  	[bflag:$0x0] =	sbarrier.arrive $0xFFFF  }
0x115: {  	[tilespmem:s18], [sflag:$0x2] =	stream.linear.gather [spmem:s6], $0x7D0, $0x38;
	[tilespmem:$0x11170] =	vst v63  }
0x116: {  	_ =	swait.ge [sflag:s22], $0x7D0  }
0x117: {  	[sflag:s22] =	ssyncset.done $0x0  }
0x118: {  	s31 =	sadd.s32 $0x0, s15;
	[sflag:s22] =	ssyncadd.s32 $0xFFFFF830  }
0x119: {  	[hbm4b:s31+s3] =	stream.linear.scatter [tilespmem:s18], [sflag:s21], $0x7D0, $0x38;
	[tilespmem:$0x11170] =	vst v63  }
0x11a: {  	_ =	swait.ge [sflag:s21], $0x7D0  }
0x11b: {  	s25 =	smov.u32 s6;
	s24 =	simm.s32 $0xFA;
	[sflag:s21] =	ssyncset.done $0x0  }
.LBB2_24:
0x11c: {  	p0 =	sne.s32 s24, $0x1770;
	[sflag:s21] =	ssyncadd.s32 $0xFFFFF830;
	s25 =	sadd.s32 $0x7D0, s25  }
0x11d: {  	[tilespmem:s18], [sflag:$0x2] =	stream.linear.gather [spmem:s25], $0x7D0, $0x38;
	[tilespmem:$0x11170] =	vst v63  }
0x11e: {  	s26 =	smov.u32 s24;
	s24 =	sadd.s32 $0xFA, s24;
	_ =	swait.ge [sflag:s22], $0x7D0  }
.Ltmp11:
0x11f: {  	[sflag:s22] =	ssyncset.done $0x0;
	(pc) =	sbr.rel @p0 .LBB2_24-.Ltmp11, $4  }
0x120: {  	s26 =	sadd.s32 s26, s15;
	[sflag:s22] =	ssyncadd.s32 $0xFFFFF830  }
0x121: {  	[hbm4b:s26+s3] =	stream.linear.scatter [tilespmem:s18], [sflag:s21], $0x7D0, $0x38;
	[tilespmem:$0x11170] =	vst v63  }
0x122: {  	_ =	swait.ge [sflag:s21], $0x7D0  }
0x123: {  	[sflag:s21] =	ssyncset.done $0x0  }
0x124: {  	[sflag:s21] =	ssyncadd.s32 $0xFFFFF830  }
0x125: {  	s24 =	simm.s32 $0x0;
	[bflag:$0x0] =	sbarrier.arrive $0xFFFF  }
0x126: {  	[tilespmem:s18], [sflag:$0x1] =	stream.linear.gather [hbm4b:s4+s24], $0x7D0, $0x38;
	[tilespmem:$0x11170] =	vst v63  }
0x127: {  	_ =	swait.ge [sflag:s19], $0x7D0  }
0x128: {  	[sflag:s19] =	ssyncset.done $0x0  }
0x129: {  	s31 =	sadd.s32 $0x0, s6;
	[sflag:s19] =	ssyncadd.s32 $0xFFFFF830  }
0x12a: {  	[spmem:s31] =	stream.linear.scatter [tilespmem:s18], [sflag:$0x1], $0x7D0, $0x38;
	[tilespmem:$0x11170] =	vst v63  }
0x12b: {  	s24 =	simm.s32 $0x1F40;
	_ =	swait.ge [sflag:s19], $0x7D0  }
.LBB2_26:
0x12c: {  	s25 =	sshra.s32 s24, $0x2;
	[sflag:s19] =	ssyncset.done $0x0;
	p0 =	sne.s32 s24, $0x2EE00  }
.Ltmp12:
0x12d: {  	s25 =	sadd.s32 s25, s6;
	[sflag:s19] =	ssyncadd.s32 $0xFFFFF830;
	(pc) =	sbr.rel @p0 .LBB2_26-.Ltmp12, $3  }
0x12e: {  	[spmem:s25] =	stream.linear.scatter [tilespmem:s18], [sflag:$0x1], $0x7D0, $0x38;
	[tilespmem:$0x11170] =	vst v63  }
0x12f: {  	s24 =	sadd.s32 $0x1F40, s24;
	_ =	sdelay $0x1  }
0x130: {  	_ =	swait.ge [sflag:s19], $0x7D0  }
0x131: {  	[sflag:s19] =	ssyncset.done $0x0  }
0x132: {  	[sflag:s19] =	ssyncadd.s32 $0xFFFFF830  }
0x133: {  	s24 =	sadd.s32 $0x0, s10;
	[bflag:$0x0] =	sbarrier.arrive $0xFFFF  }
0x134: {  	[tilespmem:s3], [sflag:$0x1] =	stream.linear.gather [hbm4b:s24+s3], $0x7D0, $0x38;
	[tilespmem:$0x11170] =	vst v63  }
0x135: {  	_ =	swait.ge [sflag:s19], $0x7D0  }
0x136: {  	[sflag:s19] =	ssyncset.done $0x0  }
0x137: {  	[sflag:s19] =	ssyncadd.s32 $0xFFFFF830  }
0x138: {  	[tilespmem:s20], [sflag:$0x1] =	stream.linear.gather [hbm4b:s16+s3], $0x3E80, $0x38;
	[tilespmem:$0x11170] =	vst v63  }
0x139: {  	_ =	swait.ge [sflag:s19], $0x3E80  }
0x13a: {  	[sflag:s19] =	ssyncset.done $0x0  }
0x13b: {  	[sflag:s19] =	ssyncadd.s32 $0xFFFFC180  }
0x13c: {  	[spmem:s2] =	stream.indirect.scatter.add.f32 [tilespmem:s20], [sflag:$0x1], $0x8, s3, s20, $0xb8;
	[tilespmem:$0x11170] =	vst v63  }
0x13d: {  	s25 =	simm.s32 $0xFA;
	_ =	swait.ge [sflag:s19], $0x3E80  }
0x13e: {  	s26 =	simm.s32 $0x1F4;
	s24 =	sadd.s32 $0x7D0, s16;
	[sflag:s19] =	ssyncset.done $0x0  }
.LBB2_28:
0x13f: {  	s28 =	sadd.s32 s25, s10  }
0x140: {  	[sflag:s19] =	ssyncadd.s32 $0xFFFFC180;
	s25 =	smov.u32 s26;
	s29 =	sadd.s32 $0xFA, s26  }
0x141: {  	[tilespmem:s3], [sflag:$0x1] =	stream.linear.gather [hbm4b:s28+s3], $0x7D0, $0x38;
	[tilespmem:$0x11170] =	vst v63  }
0x142: {  	p0 =	sne.s32 s26, $0x1770;
	_ =	swait.ge [sflag:s19], $0x7D0  }
0x143: {  	[sflag:s19] =	ssyncset.done $0x0  }
0x144: {  	[sflag:s19] =	ssyncadd.s32 $0xFFFFF830  }
0x145: {  	[tilespmem:s20], [sflag:$0x1] =	stream.linear.gather [hbm4b:s24+s3], $0x3E80, $0x38;
	[tilespmem:$0x11170] =	vst v63  }
0x146: {  	_ =	swait.ge [sflag:s19], $0x3E80  }
.Ltmp13:
0x147: {  	[sflag:s19] =	ssyncset.done $0x0;
	(pc) =	sbr.rel @p0 .LBB2_28-.Ltmp13, $4  }
0x148: {  	[sflag:s19] =	ssyncadd.s32 $0xFFFFC180  }
0x149: {  	[spmem:s2] =	stream.indirect.scatter.add.f32 [tilespmem:s20], [sflag:$0x1], $0x8, s3, s20, $0xb8;
	[tilespmem:$0x11170] =	vst v63  }
0x14a: {  	_ =	swait.ge [sflag:s19], $0x3E80  }
0x14b: {  	s26 =	smov.u32 s29;
	s24 =	sadd.s32 $0x7D0, s24;
	[sflag:s19] =	ssyncset.done $0x0  }
0x14c: {  	s25 =	sadd.s32 s25, s10;
	[sflag:s19] =	ssyncadd.s32 $0xFFFFC180  }
0x14d: {  	[tilespmem:s3], [sflag:$0x1] =	stream.linear.gather [hbm4b:s25+s3], $0x7D0, $0x38;
	[tilespmem:$0x11170] =	vst v63  }
0x14e: {  	_ =	swait.ge [sflag:s19], $0x7D0  }
0x14f: {  	[sflag:s19] =	ssyncset.done $0x0  }
0x150: {  	[sflag:s19] =	ssyncadd.s32 $0xFFFFF830  }
0x151: {  	[tilespmem:s20], [sflag:$0x1] =	stream.linear.gather [hbm4b:s24+s3], $0x3E80, $0x38;
	[tilespmem:$0x11170] =	vst v63  }
0x152: {  	_ =	swait.ge [sflag:s19], $0x3E80  }
0x153: {  	[sflag:s19] =	ssyncset.done $0x0  }
0x154: {  	[sflag:s19] =	ssyncadd.s32 $0xFFFFC180  }
0x155: {  	[spmem:s2] =	stream.indirect.scatter.add.f32 [tilespmem:s20], [sflag:$0x1], $0x8, s3, s20, $0xb8;
	[tilespmem:$0x11170] =	vst v63  }
0x156: {  	_ =	swait.ge [sflag:s19], $0x3E80  }
0x157: {  	[sflag:s19] =	ssyncset.done $0x0  }
0x158: {  	[sflag:s19] =	ssyncadd.s32 $0xFFFFC180  }
0x159: {  	[bflag:$0x0] =	sbarrier.arrive $0xFFFF  }
0x15a: {  	[tilespmem:s18], [sflag:$0x2] =	stream.linear.gather [spmem:s6], $0x7D0, $0x38;
	[tilespmem:$0x11170] =	vst v63  }
0x15b: {  	_ =	swait.ge [sflag:s22], $0x7D0  }
0x15c: {  	[sflag:s22] =	ssyncset.done $0x0  }
0x15d: {  	s31 =	sadd.s32 $0x0, s17;
	[sflag:s22] =	ssyncadd.s32 $0xFFFFF830  }
0x15e: {  	[hbm4b:s31+s3] =	stream.linear.scatter [tilespmem:s18], [sflag:s21], $0x7D0, $0x38;
	[tilespmem:$0x11170] =	vst v63  }
0x15f: {  	_ =	swait.ge [sflag:s21], $0x7D0  }
0x160: {  	s25 =	smov.u32 s6;
	s24 =	simm.s32 $0xFA;
	[sflag:s21] =	ssyncset.done $0x0  }
.LBB2_30:
0x161: {  	p0 =	sne.s32 s24, $0x1770;
	[sflag:s21] =	ssyncadd.s32 $0xFFFFF830;
	s25 =	sadd.s32 $0x7D0, s25  }
0x162: {  	[tilespmem:s18], [sflag:$0x2] =	stream.linear.gather [spmem:s25], $0x7D0, $0x38;
	[tilespmem:$0x11170] =	vst v63  }
0x163: {  	s26 =	smov.u32 s24;
	s24 =	sadd.s32 $0xFA, s24;
	_ =	swait.ge [sflag:s22], $0x7D0  }
.Ltmp14:
0x164: {  	[sflag:s22] =	ssyncset.done $0x0;
	(pc) =	sbr.rel @p0 .LBB2_30-.Ltmp14, $4  }
0x165: {  	s26 =	sadd.s32 s26, s17;
	[sflag:s22] =	ssyncadd.s32 $0xFFFFF830  }
0x166: {  	[hbm4b:s26+s3] =	stream.linear.scatter [tilespmem:s18], [sflag:s21], $0x7D0, $0x38;
	[tilespmem:$0x11170] =	vst v63  }
0x167: {  	_ =	swait.ge [sflag:s21], $0x7D0  }
0x168: {  	[sflag:s21] =	ssyncset.done $0x0  }
0x169: {  	s23 =	sadd.s32 $0x1, s23  }
0x16a: {  	p0 =	sne.s32 s23, s5  }
.Ltmp15:
0x16b: {  	_ = 	snop;
	(pc) =	sbr.rel @p0 .LBB2_1-.Ltmp15, $2  }
0x16c: {  	_ =	sdelay $0x2  }
0x16d: {  	[sflag:s21] =	ssyncadd.s32 $0xFFFFF830  }
0x16e: {  	_ =	sfence.sel $0x180000  }
0x16f: {  	[bflag:$0x0] =	sbarrier.arrive $0xFFFF  }
0x170: {  	p0 =	sne.s32 s1, $0x0;
	_ =	strace $0x9000004A  }
0x171: {  	s0 =	sadd.s32 @!p0 $0x100000, s0;
	[bflag:$0x2] =	sbarrier.arrive $0xFFFF  }
0x172: {  	[sflag:s0] =	ssyncadd.tile.s32 @!p0 $0x1;
	_ =	shalt  }
.Lfunc_end2:
_tile_overlayer_lowered:
.L_overlay_start_2:
0x173: {  	(tag) =	ssettag $0x2  }
0x174: {  	s0 =	rddreg [dreg:$0x0];
	s2 =	stileid.u32  }
0x175: {  	s1 =	rddreg [dreg:$0x1];
	p0 =	sne.s32 s2, $0x0  }
0x176: {  	s3 =	rddreg [dreg:$0x2];
	[bflag:$0x3] =	sbarrier.arrive $0xFFFF;
	s2 =	simm.s32 @!p0 $0x1C01  }
0x177: {  	[timem:s3], [sflag:s2] =	dma.local @!p0 [hbm:s0], s1  }
0x178: {  	s0 =	simm.s32 @!p0 $0x1  }
0x179: {  	_ =	swait.ge @!p0 [sflag:s0], s1  }
0x17a: {  	s1 =	ssub.s32 @!p0 $0x0, s1;
	[sflag:s0] =	ssyncset.done @!p0 $0x0  }
0x17b: {  	[sflag:s0] =	ssyncadd.s32 @!p0 s1  }
0x17c: {  	[bflag:$0x3] =	sbarrier.arrive $0xFFFF  }
0x17d: {  	_ =	shalt  }

</sc_bundles>
